<compile_context>
chip_gen: v7x
topology: tpu7x:2x2x1
jax: 0.10.2.dev20260603
libtpu: 0.0.44.dev20260713+nightly
codegen_flags: <defaults>
</compile_context>

<pallas_src>
import functools

import jax
import jax.numpy as jnp
from jax import lax
from jax.experimental import pallas as pl
from jax.experimental.pallas import tpu as pltpu
from jax.experimental.pallas import tpu_sc as plsc

_DIST_MIN = -10.0
_DIST_MAX = 10.0
_ATOMS = 51
_ACT = 18
_GAMMA = 0.99
_INC = (_DIST_MAX - _DIST_MIN) / (_ATOMS - 1)

_NC, _NS, _L = 2, 16, 16
_W = _NC * _NS
_CHUNK = 128


def _tc1_body(tgt_ref, rew_ref, term_ref, p_ref, bq_ref):
    R = rew_ref.shape[0]
    AW = _ACT * _ATOMS

    rr = jax.lax.broadcasted_iota(jnp.int32, (AW, 64), 0)
    cc = jax.lax.broadcasted_iota(jnp.int32, (AW, 64), 1)
    arow = rr // _ATOMS
    zrow = _DIST_MIN + (rr % _ATOMS).astype(jnp.float32) * _INC
    red = (jnp.where(cc == arow, 1.0, 0.0)
           + jnp.where(cc == arow + 32, zrow, 0.0))

    ex = jnp.exp(tgt_ref[...])
    sz = jnp.dot(ex, red, preferred_element_type=jnp.float32,
                 precision=jax.lax.Precision.HIGHEST)
    s32 = sz[:, 0:32]
    n32 = sz[:, 32:64]
    li = jax.lax.broadcasted_iota(jnp.int32, (R, 32), 1)
    q = jnp.where(li < _ACT, n32 / s32, -jnp.inf)
    qmax = jnp.max(q, axis=-1, keepdims=True)
    cand = jnp.where(q == qmax, li, 63)
    best_a = jnp.min(cand, axis=-1, keepdims=True)
    s_star = jnp.sum(jnp.where(li == best_a, s32, 0.0), axis=-1, keepdims=True)

    ab = best_a + jnp.zeros((R, _ATOMS), jnp.int32)
    terms = [jnp.where(ab == a, ex[:, a * _ATOMS:(a + 1) * _ATOMS], 0.0)
             for a in range(_ACT)]
    while len(terms) > 1:
        terms = [terms[i] + terms[i + 1] for i in range(0, len(terms) - 1, 2)] \
            + ([terms[-1]] if len(terms) % 2 else [])
    p51 = terms[0] / s_star

    kk = jax.lax.broadcasted_iota(jnp.int32, (R, _ATOMS), 1).astype(jnp.float32)
    z = _DIST_MIN + kk * _INC
    tz = jnp.clip(rew_ref[...] + (1.0 - term_ref[...]) * (z * _GAMMA),
                  _DIST_MIN, _DIST_MAX)
    bq51 = (tz - _DIST_MIN) / _INC

    pad = jnp.zeros((R, 64 - _ATOMS), jnp.float32)
    p_ref[...] = jnp.concatenate([p51, pad], axis=1)
    bq_ref[...] = jnp.concatenate([bq51, pad], axis=1)


def _sc_body(p_hbm, bq_hbm, m_hbm, bq_v, p_v, m_v):
    B = p_hbm.shape[0] // 64
    rows_per_w = B // _W
    nchunk = rows_per_w // _CHUNK
    wid = lax.axis_index("s") * _NC + lax.axis_index("c")
    lanes = lax.iota(jnp.int32, _L)
    zero16 = jnp.zeros((_L,), jnp.float32)

    def chunk_body(ci, carry):
        base = wid * rows_per_w + ci * _CHUNK
        pltpu.sync_copy(bq_hbm.at[pl.ds(base * 64, _CHUNK * 64)], bq_v)
        pltpu.sync_copy(p_hbm.at[pl.ds(base * 64, _CHUNK * 64)], p_v)

        def zero_body(r2, c2):
            for c in range(4):
                m_v[pl.ds(r2 * 64 + c * _L, _L)] = zero16
            return c2
        lax.fori_loop(0, _CHUNK, zero_body, 0)

        def group_body(g, c2):
            flat16 = (g * _L + lanes) * 64
            for j in range(_ATOMS):
                bqv = plsc.load_gather(bq_v, [flat16 + j])
                pv = plsc.load_gather(p_v, [flat16 + j])
                low = bqv.astype(jnp.int32)
                f = bqv - low.astype(jnp.float32)
                stp = jnp.where(f > 0.0, 1.0, 0.0)
                up = low + stp.astype(jnp.int32)
                plsc.addupdate_scatter(m_v, [flat16 + low], pv * f)
                plsc.addupdate_scatter(m_v, [flat16 + up], pv * (stp - f))
            return c2
        lax.fori_loop(0, _CHUNK // _L, group_body, 0)

        pltpu.sync_copy(m_v, m_hbm.at[pl.ds(base * 64, _CHUNK * 64)])
        return carry

    lax.fori_loop(0, nchunk, chunk_body, 0)


def _make_sc(B):
    return functools.partial(
        pl.kernel,
        out_type=jax.ShapeDtypeStruct((B * 64,), jnp.float32),
        mesh=plsc.VectorSubcoreMesh(core_axis_name="c", subcore_axis_name="s"),
        compiler_params=pltpu.CompilerParams(
            needs_layout_passes=False, use_tc_tiling_on_sc=False),
        scratch_types=[
            pltpu.VMEM((_CHUNK * 64,), jnp.float32),
            pltpu.VMEM((_CHUNK * 64,), jnp.float32),
            pltpu.VMEM((_CHUNK * 64,), jnp.float32),
        ],
    )(_sc_body)


def _tc2_body(m_ref, train_ref, act_ref, out_ref):
    cc = jax.lax.broadcasted_iota(jnp.int32, (_ATOMS, 128), 1)
    ones_col = jnp.where(cc == 0, 1.0, 0.0)
    act = act_ref[...]
    R = act.shape[0]
    x = train_ref[...]
    ab = act + jnp.zeros((R, _ATOMS), jnp.int32)
    terms = [jnp.where(ab == a, x[:, a * _ATOMS:(a + 1) * _ATOMS], 0.0)
             for a in range(_ACT)]
    while len(terms) > 1:
        terms = [terms[i] + terms[i + 1] for i in range(0, len(terms) - 1, 2)] \
            + ([terms[-1]] if len(terms) % 2 else [])
    sel = terms[0]
    m51 = m_ref[:, :_ATOMS]
    e = jnp.exp(sel)
    lse = jnp.log(jnp.dot(e, ones_col, preferred_element_type=jnp.float32, precision=jax.lax.Precision.HIGHEST)[:, 0:1])
    d1 = jnp.dot(m51 * sel, ones_col, preferred_element_type=jnp.float32, precision=jax.lax.Precision.HIGHEST)[:, 0:1]
    d2 = jnp.dot(m51, ones_col, preferred_element_type=jnp.float32, precision=jax.lax.Precision.HIGHEST)[:, 0:1]
    out_ref[...] = -(d1 - lse * d2)


def kernel(training_logits, target_logits, actions, rewards, terminals):
    B = rewards.shape[0]
    R = 512
    p_sel, bq = pl.pallas_call(
        _tc1_body,
        grid=(B // R,),
        in_specs=[
            pl.BlockSpec((R, _ACT * _ATOMS), lambda i: (i, 0)),
            pl.BlockSpec((R, 1), lambda i: (i, 0)),
            pl.BlockSpec((R, 1), lambda i: (i, 0)),
        ],
        out_specs=[
            pl.BlockSpec((R, 64), lambda i: (i, 0)),
            pl.BlockSpec((R, 64), lambda i: (i, 0)),
        ],
        out_shape=[
            jax.ShapeDtypeStruct((B, 64), jnp.float32),
            jax.ShapeDtypeStruct((B, 64), jnp.float32),
        ],
    )(target_logits.reshape(B, _ACT * _ATOMS), rewards.reshape(B, 1),
      terminals.astype(jnp.float32).reshape(B, 1))

    m_flat = _make_sc(B)(p_sel.reshape(B * 64), bq.reshape(B * 64))
    m = m_flat.reshape(B, 64)

    R2 = 512
    loss = pl.pallas_call(
        _tc2_body,
        grid=(B // R2,),
        in_specs=[
            pl.BlockSpec((R2, 64), lambda i: (i, 0)),
            pl.BlockSpec((R2, _ACT * _ATOMS), lambda i: (i, 0)),
            pl.BlockSpec((R2, 1), lambda i: (i, 0)),
        ],
        out_specs=pl.BlockSpec((R2, 1), lambda i: (i, 0)),
        out_shape=jax.ShapeDtypeStruct((B, 1), jnp.float32),
    )(m, training_logits.reshape(B, _ACT * _ATOMS), actions.reshape(B, 1))
    return loss.reshape(B)

# --- scband reference (transcript-rebuilt; emitter-appended) ---
"""Pipeline reference for scband-categorical-dqnmodel-28793460752482 (READ-ONLY COPY).

The authoritative reference and input builder live on the scoring server;
editing this copy changes nothing except your own understanding.
"""

import jax, jax.numpy as jnp
import numpy as np

DIST_MIN = -10.0
DIST_MAX = 10.0
NUM_ATOMS = 51
NUM_ACTIONS = 18
DISCOUNT = 0.99
BATCH = 16384


def setup_inputs(seed: int = 0) -> dict:
    key = jax.random.key(seed)
    k1, k2, k3, k4, k5 = jax.random.split(key, 5)
    training_logits = jax.random.normal(k1, (BATCH, NUM_ACTIONS, NUM_ATOMS), dtype=jnp.float32)
    target_logits = jax.random.normal(k2, (BATCH, NUM_ACTIONS, NUM_ATOMS), dtype=jnp.float32)
    actions = jax.random.randint(k3, (BATCH,), 0, NUM_ACTIONS, dtype=jnp.int32)
    rewards = jax.random.normal(k4, (BATCH,), dtype=jnp.float32)
    terminals = jax.random.randint(k5, (BATCH,), 0, 2, dtype=jnp.int32).astype(jnp.bool_)
    return {"training_logits": training_logits, "target_logits": target_logits,
            "actions": actions, "rewards": rewards, "terminals": terminals}


def reference(training_logits, target_logits, actions, rewards, terminals):
    # Quantized support (histogram bin centers), identical to np.arange construction in the TF code
    scaling_increment = (DIST_MAX - DIST_MIN) / (NUM_ATOMS - 1)
    quantized_steps = DIST_MIN + jnp.arange(NUM_ATOMS, dtype=jnp.float32) * scaling_increment

    batch = rewards.shape[0]

    # Target network action selection: softmax over atoms, expected Q, argmax over actions
    target_probs = jax.nn.softmax(target_logits, axis=-1)                     # [B, A, atoms]
    target_qval = jnp.sum(target_probs * quantized_steps, axis=-1)            # [B, A]
    target_action = jnp.argmax(target_qval, axis=-1)                          # [B]

    # Bellman update of the support, then clip to distribution bounds
    reward = rewards[:, None]                                                 # [B, 1]
    terminal = terminals.astype(jnp.float32)[:, None]                         # [B, 1]
    broadcasted_rewards = reward + (1.0 - terminal) * (quantized_steps * DISCOUNT)
    quantized_discounted_reward = jnp.clip(broadcasted_rewards, DIST_MIN, DIST_MAX)  # [B, atoms]

    # Histogram binning: fractional bin position, lower/upper bin indices
    closest_quantization = (quantized_discounted_reward - DIST_MIN) / scaling_increment
    lower_ind = jnp.floor(closest_quantization)
    upper_ind = jnp.ceil(closest_quantization)

    # Probabilities of the greedy target action
    target_p_of_action = jnp.take_along_axis(
        target_probs, target_action[:, None, None], axis=1)[:, 0, :]          # [B, atoms]

    distance_lower = target_p_of_action * (closest_quantization - lower_ind)  # [B, atoms]
    distance_upper = target_p_of_action * (upper_ind - closest_quantization)  # [B, atoms]

    # scatter_nd-style accumulation into the projected histogram
    batch_tiled_selection = jnp.repeat(jnp.arange(batch, dtype=jnp.int32), NUM_ATOMS)
    low_flat = lower_ind.astype(jnp.int32).reshape(-1)
    up_flat = upper_ind.astype(jnp.int32).reshape(-1)
    tq_lower = jnp.zeros((batch, NUM_ATOMS), dtype=jnp.float32).at[
        batch_tiled_selection, low_flat].add(distance_lower.reshape(-1))
    tq_upper = jnp.zeros((batch, NUM_ATOMS), dtype=jnp.float32).at[
        batch_tiled_selection, up_flat].add(distance_upper.reshape(-1))
    target_quantized_probabilities = jax.lax.stop_gradient(tq_lower + tq_upper)  # [B, atoms]

    # Gather training logits for the taken action, cross-entropy vs projected target
    logits_for_action = jnp.take_along_axis(
        training_logits, actions[:, None, None].astype(jnp.int32), axis=1)[:, 0, :]  # [B, atoms]
    log_sm = jax.nn.log_softmax(logits_for_action, axis=-1)
    loss_per_instance = -jnp.sum(target_quantized_probabilities * log_sm, axis=-1)   # [B]
    return loss_per_instance

if __name__ == "__main__":
    import jax
    _d = setup_inputs()
    print(jax.jit(kernel)(*tuple(_d.values())))

</pallas_src>

<mosaic_0001>
#map = affine_map<(d0, d1) -> (0)>
module attributes {stable_mosaic.version = 14 : i64} {
  func.func @_sc_body(%arg0: i32, %arg1: i32, %arg2: memref<1048576xf32, #tpu.memory_space<hbm>>, %arg3: memref<1048576xf32, #tpu.memory_space<hbm>>, %arg4: memref<1048576xf32, #tpu.memory_space<hbm>>, %arg5: memref<8192xf32, #tpu.memory_space<vmem>>, %arg6: memref<8192xf32, #tpu.memory_space<vmem>>, %arg7: memref<8192xf32, #tpu.memory_space<vmem>>) attributes {dimension_semantics = [#tpu.dimension_semantics<core_parallel>, #tpu.dimension_semantics<subcore_parallel>], iteration_bounds = array<i64: 2, 16>, scalar_prefetch = 0 : i64, scratch_operands = 3 : i64, tpu.core_type = #tpu.core_type<sc_vector_subcore>, window_params = [{transform_indices = #map}, {transform_indices = #map}, {transform_indices = #map}]} {
    %mul3A = arith.constant 2 : i32
    %mul3A_0 = arith.muli %arg1, %mul3A : i32
    %add3A = arith.addi %mul3A_0, %arg0 : i32
    %iota3A = tpu.iota {dimensions = array<i32: 0>} : vector<16xi32>
    %broadcast_in_dim3A = arith.constant 0.000000e+00 : f32
    %broadcast_in_dim3A_1 = vector.broadcast %broadcast_in_dim3A : f32 to vector<16xf32>
    %scan3A = arith.constant 0 : i32
    %scan3A_2 = arith.constant 0 : i32
    %scan3A_3 = arith.constant 4 : i32
    %scan3A_4 = arith.addi %scan3A_2, %scan3A_3 : i32
    %scan3A_5 = arith.constant 1 : i32
    scf.for %scan3A_7 = %scan3A_2 to %scan3A_4 step %scan3A_5  : i32 {
      %mul3A_8 = arith.constant 512 : i32
      %mul3A_9 = arith.muli %add3A, %mul3A_8 : i32
      %mul3A_10 = arith.constant 128 : i32
      %mul3A_11 = arith.muli %scan3A_7, %mul3A_10 : i32
      %add3A_12 = arith.addi %mul3A_9, %mul3A_11 : i32
      %mul3A_13 = arith.constant 64 : i32
      %mul3A_14 = arith.muli %add3A_12, %mul3A_13 : i32
      "tpu.region"() ({
        %run_scoped3A = tpu.sem_alloc : memref<!tpu.dma_semaphore, #tpu.memory_space<semaphore_mem>>
        %dma_start3A = tpu.memref_slice %arg3[%mul3A_14] : memref<1048576xf32, #tpu.memory_space<hbm>> -> memref<8192xf32, #tpu.memory_space<hbm>>
        %dma_start3A_31 = tpu.memref_slice %arg3[%mul3A_14] : memref<1048576xf32, #tpu.memory_space<hbm>> -> memref<8192xf32, #tpu.memory_space<hbm>>
        tpu.enqueue_dma source(%dma_start3A_31 : memref<8192xf32, #tpu.memory_space<hbm>>) target(%arg5 : memref<8192xf32, #tpu.memory_space<vmem>>) target_semaphore(%run_scoped3A : memref<!tpu.dma_semaphore, #tpu.memory_space<semaphore_mem>>)
        %dma_wait3A = tpu.memref_slice %arg3[%mul3A_14] : memref<1048576xf32, #tpu.memory_space<hbm>> -> memref<8192xf32, #tpu.memory_space<hbm>>
        %dma_wait3A_32 = tpu.memref_slice %arg3[%mul3A_14] : memref<1048576xf32, #tpu.memory_space<hbm>> -> memref<8192xf32, #tpu.memory_space<hbm>>
        tpu.wait_dma2 semaphore(%run_scoped3A : memref<!tpu.dma_semaphore, #tpu.memory_space<semaphore_mem>>) src(%dma_wait3A_32 : memref<8192xf32, #tpu.memory_space<hbm>>) dst(%arg5 : memref<8192xf32, #tpu.memory_space<vmem>>)
        tpu.yield
      }) : () -> ()
      %mul3A_15 = arith.constant 64 : i32
      %mul3A_16 = arith.muli %add3A_12, %mul3A_15 : i32
      "tpu.region"() ({
        %run_scoped3A = tpu.sem_alloc : memref<!tpu.dma_semaphore, #tpu.memory_space<semaphore_mem>>
        %dma_start3A = tpu.memref_slice %arg2[%mul3A_16] : memref<1048576xf32, #tpu.memory_space<hbm>> -> memref<8192xf32, #tpu.memory_space<hbm>>
        %dma_start3A_31 = tpu.memref_slice %arg2[%mul3A_16] : memref<1048576xf32, #tpu.memory_space<hbm>> -> memref<8192xf32, #tpu.memory_space<hbm>>
        tpu.enqueue_dma source(%dma_start3A_31 : memref<8192xf32, #tpu.memory_space<hbm>>) target(%arg6 : memref<8192xf32, #tpu.memory_space<vmem>>) target_semaphore(%run_scoped3A : memref<!tpu.dma_semaphore, #tpu.memory_space<semaphore_mem>>)
        %dma_wait3A = tpu.memref_slice %arg2[%mul3A_16] : memref<1048576xf32, #tpu.memory_space<hbm>> -> memref<8192xf32, #tpu.memory_space<hbm>>
        %dma_wait3A_32 = tpu.memref_slice %arg2[%mul3A_16] : memref<1048576xf32, #tpu.memory_space<hbm>> -> memref<8192xf32, #tpu.memory_space<hbm>>
        tpu.wait_dma2 semaphore(%run_scoped3A : memref<!tpu.dma_semaphore, #tpu.memory_space<semaphore_mem>>) src(%dma_wait3A_32 : memref<8192xf32, #tpu.memory_space<hbm>>) dst(%arg6 : memref<8192xf32, #tpu.memory_space<vmem>>)
        tpu.yield
      }) : () -> ()
      %scan3A_17 = arith.constant 0 : i32
      %scan3A_18 = arith.constant 0 : i32
      %scan3A_19 = arith.constant 128 : i32
      %scan3A_20 = arith.addi %scan3A_18, %scan3A_19 : i32
      %scan3A_21 = arith.constant 1 : i32
      scf.for %scan3A_31 = %scan3A_18 to %scan3A_20 step %scan3A_21  : i32 {
        %mul3A_32 = arith.constant 64 : i32
        %mul3A_33 = arith.muli %scan3A_31, %mul3A_32 : i32
        %add3A_34 = arith.constant 0 : i32
        %add3A_35 = arith.addi %mul3A_33, %add3A_34 : i32
        %swap3A = arith.index_cast %add3A_35 : i32 to index
        %swap3A_36 = tpu.vector_load %arg7[%swap3A] {strides = array<i32>} : memref<8192xf32, #tpu.memory_space<vmem>>, vector<16xf32>,
        tpu.vector_store %arg7[%swap3A], %broadcast_in_dim3A_1 {strides = array<i32>} : memref<8192xf32, #tpu.memory_space<vmem>>, vector<16xf32>,
        %mul3A_37 = arith.constant 64 : i32
        %mul3A_38 = arith.muli %scan3A_31, %mul3A_37 : i32
        %add3A_39 = arith.constant 16 : i32
        %add3A_40 = arith.addi %mul3A_38, %add3A_39 : i32
        %swap3A_41 = arith.index_cast %add3A_40 : i32 to index
        %swap3A_42 = tpu.vector_load %arg7[%swap3A_41] {strides = array<i32>} : memref<8192xf32, #tpu.memory_space<vmem>>, vector<16xf32>,
        tpu.vector_store %arg7[%swap3A_41], %broadcast_in_dim3A_1 {strides = array<i32>} : memref<8192xf32, #tpu.memory_space<vmem>>, vector<16xf32>,
        %mul3A_43 = arith.constant 64 : i32
        %mul3A_44 = arith.muli %scan3A_31, %mul3A_43 : i32
        %add3A_45 = arith.constant 32 : i32
        %add3A_46 = arith.addi %mul3A_44, %add3A_45 : i32
        %swap3A_47 = arith.index_cast %add3A_46 : i32 to index
        %swap3A_48 = tpu.vector_load %arg7[%swap3A_47] {strides = array<i32>} : memref<8192xf32, #tpu.memory_space<vmem>>, vector<16xf32>,
        tpu.vector_store %arg7[%swap3A_47], %broadcast_in_dim3A_1 {strides = array<i32>} : memref<8192xf32, #tpu.memory_space<vmem>>, vector<16xf32>,
        %mul3A_49 = arith.constant 64 : i32
        %mul3A_50 = arith.muli %scan3A_31, %mul3A_49 : i32
        %add3A_51 = arith.constant 48 : i32
        %add3A_52 = arith.addi %mul3A_50, %add3A_51 : i32
        %swap3A_53 = arith.index_cast %add3A_52 : i32 to index
        %swap3A_54 = tpu.vector_load %arg7[%swap3A_53] {strides = array<i32>} : memref<8192xf32, #tpu.memory_space<vmem>>, vector<16xf32>,
        tpu.vector_store %arg7[%swap3A_53], %broadcast_in_dim3A_1 {strides = array<i32>} : memref<8192xf32, #tpu.memory_space<vmem>>, vector<16xf32>,
      }
      %scan3A_22 = arith.constant 128 : i32
      %scan3A_23 = arith.constant 0 : i32
      %scan3A_24 = arith.constant 0 : i32
      %scan3A_25 = arith.constant 8 : i32
      %scan3A_26 = arith.addi %scan3A_24, %scan3A_25 : i32
      %scan3A_27 = arith.constant 1 : i32
      scf.for %scan3A_31 = %scan3A_24 to %scan3A_26 step %scan3A_27  : i32 {
        %mul3A_32 = arith.constant 16 : i32
        %mul3A_33 = arith.muli %scan3A_31, %mul3A_32 : i32
        %add3A_34 = vector.broadcast %mul3A_33 : i32 to vector<16xi32>
        %add3A_35 = arith.addi %add3A_34, %iota3A : vector<16xi32>
        %mul3A_36 = arith.constant 64 : i32
        %mul3A_37 = vector.broadcast %mul3A_36 : i32 to vector<16xi32>
        %mul3A_38 = arith.muli %add3A_35, %mul3A_37 : vector<16xi32>
        %add3A_39 = arith.constant 0 : i32
        %add3A_40 = vector.broadcast %add3A_39 : i32 to vector<16xi32>
        %add3A_41 = arith.addi %mul3A_38, %add3A_40 : vector<16xi32>
        %gather3A = tpu.vector_load_idx %arg5[%add3A_41] : memref<8192xf32, #tpu.memory_space<vmem>>[vector<16xi32>], vector<16xf32>,
        %add3A_42 = arith.constant 0 : i32
        %add3A_43 = vector.broadcast %add3A_42 : i32 to vector<16xi32>
        %add3A_44 = arith.addi %mul3A_38, %add3A_43 : vector<16xi32>
        %gather3A_45 = tpu.vector_load_idx %arg6[%add3A_44] : memref<8192xf32, #tpu.memory_space<vmem>>[vector<16xi32>], vector<16xf32>,
        %convert_element_type3A = arith.fptosi %gather3A : vector<16xf32> to vector<16xi32>
        %convert_element_type3A_46 = arith.sitofp %convert_element_type3A : vector<16xi32> to vector<16xf32>
        %sub3A = arith.subf %gather3A, %convert_element_type3A_46 : vector<16xf32>
        %gt3A = arith.constant 0.000000e+00 : f32
        %gt3A_47 = vector.broadcast %gt3A : f32 to vector<16xf32>
        %gt3A_48 = arith.cmpf ogt, %sub3A, %gt3A_47 : vector<16xf32>
        %jit3A = arith.constant 1.000000e+00 : f32
        %jit3A_49 = arith.constant 0.000000e+00 : f32
        %broadcast_in_dim3A_50 = vector.broadcast %jit3A : f32 to vector<16xf32>
        %broadcast_in_dim3A_51 = vector.broadcast %jit3A_49 : f32 to vector<16xf32>
        %select_n3A = arith.select %gt3A_48, %broadcast_in_dim3A_50, %broadcast_in_dim3A_51 : vector<16xi1>, vector<16xf32>
        %convert_element_type3A_52 = arith.fptosi %select_n3A : vector<16xf32> to vector<16xi32>
        %add3A_53 = arith.addi %convert_element_type3A, %convert_element_type3A_52 : vector<16xi32>
        %add3A_54 = arith.addi %mul3A_38, %convert_element_type3A : vector<16xi32>
        %mul3A_55 = arith.mulf %gather3A_45, %sub3A : vector<16xf32>
        tpu.vector_store_idx %arg7[%add3A_54], %mul3A_55 {add = true} : memref<8192xf32, #tpu.memory_space<vmem>>[vector<16xi32>], vector<16xf32>,
        %add3A_56 = arith.addi %mul3A_38, %add3A_53 : vector<16xi32>
        %sub3A_57 = arith.subf %select_n3A, %sub3A : vector<16xf32>
        %mul3A_58 = arith.mulf %gather3A_45, %sub3A_57 : vector<16xf32>
        tpu.vector_store_idx %arg7[%add3A_56], %mul3A_58 {add = true} : memref<8192xf32, #tpu.memory_space<vmem>>[vector<16xi32>], vector<16xf32>,
        %add3A_59 = arith.constant 1 : i32
        %add3A_60 = vector.broadcast %add3A_59 : i32 to vector<16xi32>
        %add3A_61 = arith.addi %mul3A_38, %add3A_60 : vector<16xi32>
        %gather3A_62 = tpu.vector_load_idx %arg5[%add3A_61] : memref<8192xf32, #tpu.memory_space<vmem>>[vector<16xi32>], vector<16xf32>,
        %add3A_63 = arith.constant 1 : i32
        %add3A_64 = vector.broadcast %add3A_63 : i32 to vector<16xi32>
        %add3A_65 = arith.addi %mul3A_38, %add3A_64 : vector<16xi32>
        %gather3A_66 = tpu.vector_load_idx %arg6[%add3A_65] : memref<8192xf32, #tpu.memory_space<vmem>>[vector<16xi32>], vector<16xf32>,
        %convert_element_type3A_67 = arith.fptosi %gather3A_62 : vector<16xf32> to vector<16xi32>
        %convert_element_type3A_68 = arith.sitofp %convert_element_type3A_67 : vector<16xi32> to vector<16xf32>
        %sub3A_69 = arith.subf %gather3A_62, %convert_element_type3A_68 : vector<16xf32>
        %gt3A_70 = arith.constant 0.000000e+00 : f32
        %gt3A_71 = vector.broadcast %gt3A_70 : f32 to vector<16xf32>
        %gt3A_72 = arith.cmpf ogt, %sub3A_69, %gt3A_71 : vector<16xf32>
        %jit3A_73 = arith.constant 1.000000e+00 : f32
        %jit3A_74 = arith.constant 0.000000e+00 : f32
        %broadcast_in_dim3A_75 = vector.broadcast %jit3A_73 : f32 to vector<16xf32>
        %broadcast_in_dim3A_76 = vector.broadcast %jit3A_74 : f32 to vector<16xf32>
        %select_n3A_77 = arith.select %gt3A_72, %broadcast_in_dim3A_75, %broadcast_in_dim3A_76 : vector<16xi1>, vector<16xf32>
        %convert_element_type3A_78 = arith.fptosi %select_n3A_77 : vector<16xf32> to vector<16xi32>
        %add3A_79 = arith.addi %convert_element_type3A_67, %convert_element_type3A_78 : vector<16xi32>
        %add3A_80 = arith.addi %mul3A_38, %convert_element_type3A_67 : vector<16xi32>
        %mul3A_81 = arith.mulf %gather3A_66, %sub3A_69 : vector<16xf32>
        tpu.vector_store_idx %arg7[%add3A_80], %mul3A_81 {add = true} : memref<8192xf32, #tpu.memory_space<vmem>>[vector<16xi32>], vector<16xf32>,
        %add3A_82 = arith.addi %mul3A_38, %add3A_79 : vector<16xi32>
        %sub3A_83 = arith.subf %select_n3A_77, %sub3A_69 : vector<16xf32>
        %mul3A_84 = arith.mulf %gather3A_66, %sub3A_83 : vector<16xf32>
        tpu.vector_store_idx %arg7[%add3A_82], %mul3A_84 {add = true} : memref<8192xf32, #tpu.memory_space<vmem>>[vector<16xi32>], vector<16xf32>,
        %add3A_85 = arith.constant 2 : i32
        %add3A_86 = vector.broadcast %add3A_85 : i32 to vector<16xi32>
        %add3A_87 = arith.addi %mul3A_38, %add3A_86 : vector<16xi32>
        %gather3A_88 = tpu.vector_load_idx %arg5[%add3A_87] : memref<8192xf32, #tpu.memory_space<vmem>>[vector<16xi32>], vector<16xf32>,
        %add3A_89 = arith.constant 2 : i32
        %add3A_90 = vector.broadcast %add3A_89 : i32 to vector<16xi32>
        %add3A_91 = arith.addi %mul3A_38, %add3A_90 : vector<16xi32>
        %gather3A_92 = tpu.vector_load_idx %arg6[%add3A_91] : memref<8192xf32, #tpu.memory_space<vmem>>[vector<16xi32>], vector<16xf32>,
        %convert_element_type3A_93 = arith.fptosi %gather3A_88 : vector<16xf32> to vector<16xi32>
        %convert_element_type3A_94 = arith.sitofp %convert_element_type3A_93 : vector<16xi32> to vector<16xf32>
        %sub3A_95 = arith.subf %gather3A_88, %convert_element_type3A_94 : vector<16xf32>
        %gt3A_96 = arith.constant 0.000000e+00 : f32
        %gt3A_97 = vector.broadcast %gt3A_96 : f32 to vector<16xf32>
        %gt3A_98 = arith.cmpf ogt, %sub3A_95, %gt3A_97 : vector<16xf32>
        %jit3A_99 = arith.constant 1.000000e+00 : f32
        %jit3A_100 = arith.constant 0.000000e+00 : f32
        %broadcast_in_dim3A_101 = vector.broadcast %jit3A_99 : f32 to vector<16xf32>
        %broadcast_in_dim3A_102 = vector.broadcast %jit3A_100 : f32 to vector<16xf32>
        %select_n3A_103 = arith.select %gt3A_98, %broadcast_in_dim3A_101, %broadcast_in_dim3A_102 : vector<16xi1>, vector<16xf32>
        %convert_element_type3A_104 = arith.fptosi %select_n3A_103 : vector<16xf32> to vector<16xi32>
        %add3A_105 = arith.addi %convert_element_type3A_93, %convert_element_type3A_104 : vector<16xi32>
        %add3A_106 = arith.addi %mul3A_38, %convert_element_type3A_93 : vector<16xi32>
        %mul3A_107 = arith.mulf %gather3A_92, %sub3A_95 : vector<16xf32>
        tpu.vector_store_idx %arg7[%add3A_106], %mul3A_107 {add = true} : memref<8192xf32, #tpu.memory_space<vmem>>[vector<16xi32>], vector<16xf32>,
        %add3A_108 = arith.addi %mul3A_38, %add3A_105 : vector<16xi32>
        %sub3A_109 = arith.subf %select_n3A_103, %sub3A_95 : vector<16xf32>
        %mul3A_110 = arith.mulf %gather3A_92, %sub3A_109 : vector<16xf32>
        tpu.vector_store_idx %arg7[%add3A_108], %mul3A_110 {add = true} : memref<8192xf32, #tpu.memory_space<vmem>>[vector<16xi32>], vector<16xf32>,
        %add3A_111 = arith.constant 3 : i32
        %add3A_112 = vector.broadcast %add3A_111 : i32 to vector<16xi32>
        %add3A_113 = arith.addi %mul3A_38, %add3A_112 : vector<16xi32>
        %gather3A_114 = tpu.vector_load_idx %arg5[%add3A_113] : memref<8192xf32, #tpu.memory_space<vmem>>[vector<16xi32>], vector<16xf32>,
        %add3A_115 = arith.constant 3 : i32
        %add3A_116 = vector.broadcast %add3A_115 : i32 to vector<16xi32>
        %add3A_117 = arith.addi %mul3A_38, %add3A_116 : vector<16xi32>
        %gather3A_118 = tpu.vector_load_idx %arg6[%add3A_117] : memref<8192xf32, #tpu.memory_space<vmem>>[vector<16xi32>], vector<16xf32>,
        %convert_element_type3A_119 = arith.fptosi %gather3A_114 : vector<16xf32> to vector<16xi32>
        %convert_element_type3A_120 = arith.sitofp %convert_element_type3A_119 : vector<16xi32> to vector<16xf32>
        %sub3A_121 = arith.subf %gather3A_114, %convert_element_type3A_120 : vector<16xf32>
        %gt3A_122 = arith.constant 0.000000e+00 : f32
        %gt3A_123 = vector.broadcast %gt3A_122 : f32 to vector<16xf32>
        %gt3A_124 = arith.cmpf ogt, %sub3A_121, %gt3A_123 : vector<16xf32>
        %jit3A_125 = arith.constant 1.000000e+00 : f32
        %jit3A_126 = arith.constant 0.000000e+00 : f32
        %broadcast_in_dim3A_127 = vector.broadcast %jit3A_125 : f32 to vector<16xf32>
        %broadcast_in_dim3A_128 = vector.broadcast %jit3A_126 : f32 to vector<16xf32>
        %select_n3A_129 = arith.select %gt3A_124, %broadcast_in_dim3A_127, %broadcast_in_dim3A_128 : vector<16xi1>, vector<16xf32>
        %convert_element_type3A_130 = arith.fptosi %select_n3A_129 : vector<16xf32> to vector<16xi32>
        %add3A_131 = arith.addi %convert_element_type3A_119, %convert_element_type3A_130 : vector<16xi32>
        %add3A_132 = arith.addi %mul3A_38, %convert_element_type3A_119 : vector<16xi32>
        %mul3A_133 = arith.mulf %gather3A_118, %sub3A_121 : vector<16xf32>
        tpu.vector_store_idx %arg7[%add3A_132], %mul3A_133 {add = true} : memref<8192xf32, #tpu.memory_space<vmem>>[vector<16xi32>], vector<16xf32>,
        %add3A_134 = arith.addi %mul3A_38, %add3A_131 : vector<16xi32>
        %sub3A_135 = arith.subf %select_n3A_129, %sub3A_121 : vector<16xf32>
        %mul3A_136 = arith.mulf %gather3A_118, %sub3A_135 : vector<16xf32>
        tpu.vector_store_idx %arg7[%add3A_134], %mul3A_136 {add = true} : memref<8192xf32, #tpu.memory_space<vmem>>[vector<16xi32>], vector<16xf32>,
        %add3A_137 = arith.constant 4 : i32
        %add3A_138 = vector.broadcast %add3A_137 : i32 to vector<16xi32>
        %add3A_139 = arith.addi %mul3A_38, %add3A_138 : vector<16xi32>
        %gather3A_140 = tpu.vector_load_idx %arg5[%add3A_139] : memref<8192xf32, #tpu.memory_space<vmem>>[vector<16xi32>], vector<16xf32>,
        %add3A_141 = arith.constant 4 : i32
        %add3A_142 = vector.broadcast %add3A_141 : i32 to vector<16xi32>
        %add3A_143 = arith.addi %mul3A_38, %add3A_142 : vector<16xi32>
        %gather3A_144 = tpu.vector_load_idx %arg6[%add3A_143] : memref<8192xf32, #tpu.memory_space<vmem>>[vector<16xi32>], vector<16xf32>,
        %convert_element_type3A_145 = arith.fptosi %gather3A_140 : vector<16xf32> to vector<16xi32>
        %convert_element_type3A_146 = arith.sitofp %convert_element_type3A_145 : vector<16xi32> to vector<16xf32>
        %sub3A_147 = arith.subf %gather3A_140, %convert_element_type3A_146 : vector<16xf32>
        %gt3A_148 = arith.constant 0.000000e+00 : f32
        %gt3A_149 = vector.broadcast %gt3A_148 : f32 to vector<16xf32>
        %gt3A_150 = arith.cmpf ogt, %sub3A_147, %gt3A_149 : vector<16xf32>
        %jit3A_151 = arith.constant 1.000000e+00 : f32
        %jit3A_152 = arith.constant 0.000000e+00 : f32
        %broadcast_in_dim3A_153 = vector.broadcast %jit3A_151 : f32 to vector<16xf32>
        %broadcast_in_dim3A_154 = vector.broadcast %jit3A_152 : f32 to vector<16xf32>
        %select_n3A_155 = arith.select %gt3A_150, %broadcast_in_dim3A_153, %broadcast_in_dim3A_154 : vector<16xi1>, vector<16xf32>
        %convert_element_type3A_156 = arith.fptosi %select_n3A_155 : vector<16xf32> to vector<16xi32>
        %add3A_157 = arith.addi %convert_element_type3A_145, %convert_element_type3A_156 : vector<16xi32>
        %add3A_158 = arith.addi %mul3A_38, %convert_element_type3A_145 : vector<16xi32>
        %mul3A_159 = arith.mulf %gather3A_144, %sub3A_147 : vector<16xf32>
        tpu.vector_store_idx %arg7[%add3A_158], %mul3A_159 {add = true} : memref<8192xf32, #tpu.memory_space<vmem>>[vector<16xi32>], vector<16xf32>,
        %add3A_160 = arith.addi %mul3A_38, %add3A_157 : vector<16xi32>
        %sub3A_161 = arith.subf %select_n3A_155, %sub3A_147 : vector<16xf32>
        %mul3A_162 = arith.mulf %gather3A_144, %sub3A_161 : vector<16xf32>
        tpu.vector_store_idx %arg7[%add3A_160], %mul3A_162 {add = true} : memref<8192xf32, #tpu.memory_space<vmem>>[vector<16xi32>], vector<16xf32>,
        %add3A_163 = arith.constant 5 : i32
        %add3A_164 = vector.broadcast %add3A_163 : i32 to vector<16xi32>
        %add3A_165 = arith.addi %mul3A_38, %add3A_164 : vector<16xi32>
        %gather3A_166 = tpu.vector_load_idx %arg5[%add3A_165] : memref<8192xf32, #tpu.memory_space<vmem>>[vector<16xi32>], vector<16xf32>,
        %add3A_167 = arith.constant 5 : i32
        %add3A_168 = vector.broadcast %add3A_167 : i32 to vector<16xi32>
        %add3A_169 = arith.addi %mul3A_38, %add3A_168 : vector<16xi32>
        %gather3A_170 = tpu.vector_load_idx %arg6[%add3A_169] : memref<8192xf32, #tpu.memory_space<vmem>>[vector<16xi32>], vector<16xf32>,
        %convert_element_type3A_171 = arith.fptosi %gather3A_166 : vector<16xf32> to vector<16xi32>
        %convert_element_type3A_172 = arith.sitofp %convert_element_type3A_171 : vector<16xi32> to vector<16xf32>
        %sub3A_173 = arith.subf %gather3A_166, %convert_element_type3A_172 : vector<16xf32>
        %gt3A_174 = arith.constant 0.000000e+00 : f32
        %gt3A_175 = vector.broadcast %gt3A_174 : f32 to vector<16xf32>
        %gt3A_176 = arith.cmpf ogt, %sub3A_173, %gt3A_175 : vector<16xf32>
        %jit3A_177 = arith.constant 1.000000e+00 : f32
        %jit3A_178 = arith.constant 0.000000e+00 : f32
        %broadcast_in_dim3A_179 = vector.broadcast %jit3A_177 : f32 to vector<16xf32>
        %broadcast_in_dim3A_180 = vector.broadcast %jit3A_178 : f32 to vector<16xf32>
        %select_n3A_181 = arith.select %gt3A_176, %broadcast_in_dim3A_179, %broadcast_in_dim3A_180 : vector<16xi1>, vector<16xf32>
        %convert_element_type3A_182 = arith.fptosi %select_n3A_181 : vector<16xf32> to vector<16xi32>
        %add3A_183 = arith.addi %convert_element_type3A_171, %convert_element_type3A_182 : vector<16xi32>
        %add3A_184 = arith.addi %mul3A_38, %convert_element_type3A_171 : vector<16xi32>
        %mul3A_185 = arith.mulf %gather3A_170, %sub3A_173 : vector<16xf32>
        tpu.vector_store_idx %arg7[%add3A_184], %mul3A_185 {add = true} : memref<8192xf32, #tpu.memory_space<vmem>>[vector<16xi32>], vector<16xf32>,
        %add3A_186 = arith.addi %mul3A_38, %add3A_183 : vector<16xi32>
        %sub3A_187 = arith.subf %select_n3A_181, %sub3A_173 : vector<16xf32>
        %mul3A_188 = arith.mulf %gather3A_170, %sub3A_187 : vector<16xf32>
        tpu.vector_store_idx %arg7[%add3A_186], %mul3A_188 {add = true} : memref<8192xf32, #tpu.memory_space<vmem>>[vector<16xi32>], vector<16xf32>,
        %add3A_189 = arith.constant 6 : i32
        %add3A_190 = vector.broadcast %add3A_189 : i32 to vector<16xi32>
        %add3A_191 = arith.addi %mul3A_38, %add3A_190 : vector<16xi32>
        %gather3A_192 = tpu.vector_load_idx %arg5[%add3A_191] : memref<8192xf32, #tpu.memory_space<vmem>>[vector<16xi32>], vector<16xf32>,
        %add3A_193 = arith.constant 6 : i32
        %add3A_194 = vector.broadcast %add3A_193 : i32 to vector<16xi32>
        %add3A_195 = arith.addi %mul3A_38, %add3A_194 : vector<16xi32>
        %gather3A_196 = tpu.vector_load_idx %arg6[%add3A_195] : memref<8192xf32, #tpu.memory_space<vmem>>[vector<16xi32>], vector<16xf32>,
        %convert_element_type3A_197 = arith.fptosi %gather3A_192 : vector<16xf32> to vector<16xi32>
        %convert_element_type3A_198 = arith.sitofp %convert_element_type3A_197 : vector<16xi32> to vector<16xf32>
        %sub3A_199 = arith.subf %gather3A_192, %convert_element_type3A_198 : vector<16xf32>
        %gt3A_200 = arith.constant 0.000000e+00 : f32
        %gt3A_201 = vector.broadcast %gt3A_200 : f32 to vector<16xf32>
        %gt3A_202 = arith.cmpf ogt, %sub3A_199, %gt3A_201 : vector<16xf32>
        %jit3A_203 = arith.constant 1.000000e+00 : f32
        %jit3A_204 = arith.constant 0.000000e+00 : f32
        %broadcast_in_dim3A_205 = vector.broadcast %jit3A_203 : f32 to vector<16xf32>
        %broadcast_in_dim3A_206 = vector.broadcast %jit3A_204 : f32 to vector<16xf32>
        %select_n3A_207 = arith.select %gt3A_202, %broadcast_in_dim3A_205, %broadcast_in_dim3A_206 : vector<16xi1>, vector<16xf32>
        %convert_element_type3A_208 = arith.fptosi %select_n3A_207 : vector<16xf32> to vector<16xi32>
        %add3A_209 = arith.addi %convert_element_type3A_197, %convert_element_type3A_208 : vector<16xi32>
        %add3A_210 = arith.addi %mul3A_38, %convert_element_type3A_197 : vector<16xi32>
        %mul3A_211 = arith.mulf %gather3A_196, %sub3A_199 : vector<16xf32>
        tpu.vector_store_idx %arg7[%add3A_210], %mul3A_211 {add = true} : memref<8192xf32, #tpu.memory_space<vmem>>[vector<16xi32>], vector<16xf32>,
        %add3A_212 = arith.addi %mul3A_38, %add3A_209 : vector<16xi32>
        %sub3A_213 = arith.subf %select_n3A_207, %sub3A_199 : vector<16xf32>
        %mul3A_214 = arith.mulf %gather3A_196, %sub3A_213 : vector<16xf32>
        tpu.vector_store_idx %arg7[%add3A_212], %mul3A_214 {add = true} : memref<8192xf32, #tpu.memory_space<vmem>>[vector<16xi32>], vector<16xf32>,
        %add3A_215 = arith.constant 7 : i32
        %add3A_216 = vector.broadcast %add3A_215 : i32 to vector<16xi32>
        %add3A_217 = arith.addi %mul3A_38, %add3A_216 : vector<16xi32>
        %gather3A_218 = tpu.vector_load_idx %arg5[%add3A_217] : memref<8192xf32, #tpu.memory_space<vmem>>[vector<16xi32>], vector<16xf32>,
        %add3A_219 = arith.constant 7 : i32
        %add3A_220 = vector.broadcast %add3A_219 : i32 to vector<16xi32>
        %add3A_221 = arith.addi %mul3A_38, %add3A_220 : vector<16xi32>
        %gather3A_222 = tpu.vector_load_idx %arg6[%add3A_221] : memref<8192xf32, #tpu.memory_space<vmem>>[vector<16xi32>], vector<16xf32>,
        %convert_element_type3A_223 = arith.fptosi %gather3A_218 : vector<16xf32> to vector<16xi32>
        %convert_element_type3A_224 = arith.sitofp %convert_element_type3A_223 : vector<16xi32> to vector<16xf32>
        %sub3A_225 = arith.subf %gather3A_218, %convert_element_type3A_224 : vector<16xf32>
        %gt3A_226 = arith.constant 0.000000e+00 : f32
        %gt3A_227 = vector.broadcast %gt3A_226 : f32 to vector<16xf32>
        %gt3A_228 = arith.cmpf ogt, %sub3A_225, %gt3A_227 : vector<16xf32>
        %jit3A_229 = arith.constant 1.000000e+00 : f32
        %jit3A_230 = arith.constant 0.000000e+00 : f32
        %broadcast_in_dim3A_231 = vector.broadcast %jit3A_229 : f32 to vector<16xf32>
        %broadcast_in_dim3A_232 = vector.broadcast %jit3A_230 : f32 to vector<16xf32>
        %select_n3A_233 = arith.select %gt3A_228, %broadcast_in_dim3A_231, %broadcast_in_dim3A_232 : vector<16xi1>, vector<16xf32>
        %convert_element_type3A_234 = arith.fptosi %select_n3A_233 : vector<16xf32> to vector<16xi32>
        %add3A_235 = arith.addi %convert_element_type3A_223, %convert_element_type3A_234 : vector<16xi32>
        %add3A_236 = arith.addi %mul3A_38, %convert_element_type3A_223 : vector<16xi32>
        %mul3A_237 = arith.mulf %gather3A_222, %sub3A_225 : vector<16xf32>
        tpu.vector_store_idx %arg7[%add3A_236], %mul3A_237 {add = true} : memref<8192xf32, #tpu.memory_space<vmem>>[vector<16xi32>], vector<16xf32>,
        %add3A_238 = arith.addi %mul3A_38, %add3A_235 : vector<16xi32>
        %sub3A_239 = arith.subf %select_n3A_233, %sub3A_225 : vector<16xf32>
        %mul3A_240 = arith.mulf %gather3A_222, %sub3A_239 : vector<16xf32>
        tpu.vector_store_idx %arg7[%add3A_238], %mul3A_240 {add = true} : memref<8192xf32, #tpu.memory_space<vmem>>[vector<16xi32>], vector<16xf32>,
        %add3A_241 = arith.constant 8 : i32
        %add3A_242 = vector.broadcast %add3A_241 : i32 to vector<16xi32>
        %add3A_243 = arith.addi %mul3A_38, %add3A_242 : vector<16xi32>
        %gather3A_244 = tpu.vector_load_idx %arg5[%add3A_243] : memref<8192xf32, #tpu.memory_space<vmem>>[vector<16xi32>], vector<16xf32>,
        %add3A_245 = arith.constant 8 : i32
        %add3A_246 = vector.broadcast %add3A_245 : i32 to vector<16xi32>
        %add3A_247 = arith.addi %mul3A_38, %add3A_246 : vector<16xi32>
        %gather3A_248 = tpu.vector_load_idx %arg6[%add3A_247] : memref<8192xf32, #tpu.memory_space<vmem>>[vector<16xi32>], vector<16xf32>,
        %convert_element_type3A_249 = arith.fptosi %gather3A_244 : vector<16xf32> to vector<16xi32>
        %convert_element_type3A_250 = arith.sitofp %convert_element_type3A_249 : vector<16xi32> to vector<16xf32>
        %sub3A_251 = arith.subf %gather3A_244, %convert_element_type3A_250 : vector<16xf32>
        %gt3A_252 = arith.constant 0.000000e+00 : f32
        %gt3A_253 = vector.broadcast %gt3A_252 : f32 to vector<16xf32>
        %gt3A_254 = arith.cmpf ogt, %sub3A_251, %gt3A_253 : vector<16xf32>
        %jit3A_255 = arith.constant 1.000000e+00 : f32
        %jit3A_256 = arith.constant 0.000000e+00 : f32
        %broadcast_in_dim3A_257 = vector.broadcast %jit3A_255 : f32 to vector<16xf32>
        %broadcast_in_dim3A_258 = vector.broadcast %jit3A_256 : f32 to vector<16xf32>
        %select_n3A_259 = arith.select %gt3A_254, %broadcast_in_dim3A_257, %broadcast_in_dim3A_258 : vector<16xi1>, vector<16xf32>
        %convert_element_type3A_260 = arith.fptosi %select_n3A_259 : vector<16xf32> to vector<16xi32>
        %add3A_261 = arith.addi %convert_element_type3A_249, %convert_element_type3A_260 : vector<16xi32>
        %add3A_262 = arith.addi %mul3A_38, %convert_element_type3A_249 : vector<16xi32>
        %mul3A_263 = arith.mulf %gather3A_248, %sub3A_251 : vector<16xf32>
        tpu.vector_store_idx %arg7[%add3A_262], %mul3A_263 {add = true} : memref<8192xf32, #tpu.memory_space<vmem>>[vector<16xi32>], vector<16xf32>,
        %add3A_264 = arith.addi %mul3A_38, %add3A_261 : vector<16xi32>
        %sub3A_265 = arith.subf %select_n3A_259, %sub3A_251 : vector<16xf32>
        %mul3A_266 = arith.mulf %gather3A_248, %sub3A_265 : vector<16xf32>
        tpu.vector_store_idx %arg7[%add3A_264], %mul3A_266 {add = true} : memref<8192xf32, #tpu.memory_space<vmem>>[vector<16xi32>], vector<16xf32>,
        %add3A_267 = arith.constant 9 : i32
        %add3A_268 = vector.broadcast %add3A_267 : i32 to vector<16xi32>
        %add3A_269 = arith.addi %mul3A_38, %add3A_268 : vector<16xi32>
        %gather3A_270 = tpu.vector_load_idx %arg5[%add3A_269] : memref<8192xf32, #tpu.memory_space<vmem>>[vector<16xi32>], vector<16xf32>,
        %add3A_271 = arith.constant 9 : i32
        %add3A_272 = vector.broadcast %add3A_271 : i32 to vector<16xi32>
        %add3A_273 = arith.addi %mul3A_38, %add3A_272 : vector<16xi32>
        %gather3A_274 = tpu.vector_load_idx %arg6[%add3A_273] : memref<8192xf32, #tpu.memory_space<vmem>>[vector<16xi32>], vector<16xf32>,
        %convert_element_type3A_275 = arith.fptosi %gather3A_270 : vector<16xf32> to vector<16xi32>
        %convert_element_type3A_276 = arith.sitofp %convert_element_type3A_275 : vector<16xi32> to vector<16xf32>
        %sub3A_277 = arith.subf %gather3A_270, %convert_element_type3A_276 : vector<16xf32>
        %gt3A_278 = arith.constant 0.000000e+00 : f32
        %gt3A_279 = vector.broadcast %gt3A_278 : f32 to vector<16xf32>
        %gt3A_280 = arith.cmpf ogt, %sub3A_277, %gt3A_279 : vector<16xf32>
        %jit3A_281 = arith.constant 1.000000e+00 : f32
        %jit3A_282 = arith.constant 0.000000e+00 : f32
        %broadcast_in_dim3A_283 = vector.broadcast %jit3A_281 : f32 to vector<16xf32>
        %broadcast_in_dim3A_284 = vector.broadcast %jit3A_282 : f32 to vector<16xf32>
        %select_n3A_285 = arith.select %gt3A_280, %broadcast_in_dim3A_283, %broadcast_in_dim3A_284 : vector<16xi1>, vector<16xf32>
        %convert_element_type3A_286 = arith.fptosi %select_n3A_285 : vector<16xf32> to vector<16xi32>
        %add3A_287 = arith.addi %convert_element_type3A_275, %convert_element_type3A_286 : vector<16xi32>
        %add3A_288 = arith.addi %mul3A_38, %convert_element_type3A_275 : vector<16xi32>
        %mul3A_289 = arith.mulf %gather3A_274, %sub3A_277 : vector<16xf32>
        tpu.vector_store_idx %arg7[%add3A_288], %mul3A_289 {add = true} : memref<8192xf32, #tpu.memory_space<vmem>>[vector<16xi32>], vector<16xf32>,
        %add3A_290 = arith.addi %mul3A_38, %add3A_287 : vector<16xi32>
        %sub3A_291 = arith.subf %select_n3A_285, %sub3A_277 : vector<16xf32>
        %mul3A_292 = arith.mulf %gather3A_274, %sub3A_291 : vector<16xf32>
        tpu.vector_store_idx %arg7[%add3A_290], %mul3A_292 {add = true} : memref<8192xf32, #tpu.memory_space<vmem>>[vector<16xi32>], vector<16xf32>,
        %add3A_293 = arith.constant 10 : i32
        %add3A_294 = vector.broadcast %add3A_293 : i32 to vector<16xi32>
        %add3A_295 = arith.addi %mul3A_38, %add3A_294 : vector<16xi32>
        %gather3A_296 = tpu.vector_load_idx %arg5[%add3A_295] : memref<8192xf32, #tpu.memory_space<vmem>>[vector<16xi32>], vector<16xf32>,
        %add3A_297 = arith.constant 10 : i32
        %add3A_298 = vector.broadcast %add3A_297 : i32 to vector<16xi32>
        %add3A_299 = arith.addi %mul3A_38, %add3A_298 : vector<16xi32>
        %gather3A_300 = tpu.vector_load_idx %arg6[%add3A_299] : memref<8192xf32, #tpu.memory_space<vmem>>[vector<16xi32>], vector<16xf32>,
        %convert_element_type3A_301 = arith.fptosi %gather3A_296 : vector<16xf32> to vector<16xi32>
        %convert_element_type3A_302 = arith.sitofp %convert_element_type3A_301 : vector<16xi32> to vector<16xf32>
        %sub3A_303 = arith.subf %gather3A_296, %convert_element_type3A_302 : vector<16xf32>
        %gt3A_304 = arith.constant 0.000000e+00 : f32
        %gt3A_305 = vector.broadcast %gt3A_304 : f32 to vector<16xf32>
        %gt3A_306 = arith.cmpf ogt, %sub3A_303, %gt3A_305 : vector<16xf32>
        %jit3A_307 = arith.constant 1.000000e+00 : f32
        %jit3A_308 = arith.constant 0.000000e+00 : f32
        %broadcast_in_dim3A_309 = vector.broadcast %jit3A_307 : f32 to vector<16xf32>
        %broadcast_in_dim3A_310 = vector.broadcast %jit3A_308 : f32 to vector<16xf32>
        %select_n3A_311 = arith.select %gt3A_306, %broadcast_in_dim3A_309, %broadcast_in_dim3A_310 : vector<16xi1>, vector<16xf32>
        %convert_element_type3A_312 = arith.fptosi %select_n3A_311 : vector<16xf32> to vector<16xi32>
        %add3A_313 = arith.addi %convert_element_type3A_301, %convert_element_type3A_312 : vector<16xi32>
        %add3A_314 = arith.addi %mul3A_38, %convert_element_type3A_301 : vector<16xi32>
        %mul3A_315 = arith.mulf %gather3A_300, %sub3A_303 : vector<16xf32>
        tpu.vector_store_idx %arg7[%add3A_314], %mul3A_315 {add = true} : memref<8192xf32, #tpu.memory_space<vmem>>[vector<16xi32>], vector<16xf32>,
        %add3A_316 = arith.addi %mul3A_38, %add3A_313 : vector<16xi32>
        %sub3A_317 = arith.subf %select_n3A_311, %sub3A_303 : vector<16xf32>
        %mul3A_318 = arith.mulf %gather3A_300, %sub3A_317 : vector<16xf32>
        tpu.vector_store_idx %arg7[%add3A_316], %mul3A_318 {add = true} : memref<8192xf32, #tpu.memory_space<vmem>>[vector<16xi32>], vector<16xf32>,
        %add3A_319 = arith.constant 11 : i32
        %add3A_320 = vector.broadcast %add3A_319 : i32 to vector<16xi32>
        %add3A_321 = arith.addi %mul3A_38, %add3A_320 : vector<16xi32>
        %gather3A_322 = tpu.vector_load_idx %arg5[%add3A_321] : memref<8192xf32, #tpu.memory_space<vmem>>[vector<16xi32>], vector<16xf32>,
        %add3A_323 = arith.constant 11 : i32
        %add3A_324 = vector.broadcast %add3A_323 : i32 to vector<16xi32>
        %add3A_325 = arith.addi %mul3A_38, %add3A_324 : vector<16xi32>
        %gather3A_326 = tpu.vector_load_idx %arg6[%add3A_325] : memref<8192xf32, #tpu.memory_space<vmem>>[vector<16xi32>], vector<16xf32>,
        %convert_element_type3A_327 = arith.fptosi %gather3A_322 : vector<16xf32> to vector<16xi32>
        %convert_element_type3A_328 = arith.sitofp %convert_element_type3A_327 : vector<16xi32> to vector<16xf32>
        %sub3A_329 = arith.subf %gather3A_322, %convert_element_type3A_328 : vector<16xf32>
        %gt3A_330 = arith.constant 0.000000e+00 : f32
        %gt3A_331 = vector.broadcast %gt3A_330 : f32 to vector<16xf32>
        %gt3A_332 = arith.cmpf ogt, %sub3A_329, %gt3A_331 : vector<16xf32>
        %jit3A_333 = arith.constant 1.000000e+00 : f32
        %jit3A_334 = arith.constant 0.000000e+00 : f32
        %broadcast_in_dim3A_335 = vector.broadcast %jit3A_333 : f32 to vector<16xf32>
        %broadcast_in_dim3A_336 = vector.broadcast %jit3A_334 : f32 to vector<16xf32>
        %select_n3A_337 = arith.select %gt3A_332, %broadcast_in_dim3A_335, %broadcast_in_dim3A_336 : vector<16xi1>, vector<16xf32>
        %convert_element_type3A_338 = arith.fptosi %select_n3A_337 : vector<16xf32> to vector<16xi32>
        %add3A_339 = arith.addi %convert_element_type3A_327, %convert_element_type3A_338 : vector<16xi32>
        %add3A_340 = arith.addi %mul3A_38, %convert_element_type3A_327 : vector<16xi32>
        %mul3A_341 = arith.mulf %gather3A_326, %sub3A_329 : vector<16xf32>
        tpu.vector_store_idx %arg7[%add3A_340], %mul3A_341 {add = true} : memref<8192xf32, #tpu.memory_space<vmem>>[vector<16xi32>], vector<16xf32>,
        %add3A_342 = arith.addi %mul3A_38, %add3A_339 : vector<16xi32>
        %sub3A_343 = arith.subf %select_n3A_337, %sub3A_329 : vector<16xf32>
        %mul3A_344 = arith.mulf %gather3A_326, %sub3A_343 : vector<16xf32>
        tpu.vector_store_idx %arg7[%add3A_342], %mul3A_344 {add = true} : memref<8192xf32, #tpu.memory_space<vmem>>[vector<16xi32>], vector<16xf32>,
        %add3A_345 = arith.constant 12 : i32
        %add3A_346 = vector.broadcast %add3A_345 : i32 to vector<16xi32>
        %add3A_347 = arith.addi %mul3A_38, %add3A_346 : vector<16xi32>
        %gather3A_348 = tpu.vector_load_idx %arg5[%add3A_347] : memref<8192xf32, #tpu.memory_space<vmem>>[vector<16xi32>], vector<16xf32>,
        %add3A_349 = arith.constant 12 : i32
        %add3A_350 = vector.broadcast %add3A_349 : i32 to vector<16xi32>
        %add3A_351 = arith.addi %mul3A_38, %add3A_350 : vector<16xi32>
        %gather3A_352 = tpu.vector_load_idx %arg6[%add3A_351] : memref<8192xf32, #tpu.memory_space<vmem>>[vector<16xi32>], vector<16xf32>,
        %convert_element_type3A_353 = arith.fptosi %gather3A_348 : vector<16xf32> to vector<16xi32>
        %convert_element_type3A_354 = arith.sitofp %convert_element_type3A_353 : vector<16xi32> to vector<16xf32>
        %sub3A_355 = arith.subf %gather3A_348, %convert_element_type3A_354 : vector<16xf32>
        %gt3A_356 = arith.constant 0.000000e+00 : f32
        %gt3A_357 = vector.broadcast %gt3A_356 : f32 to vector<16xf32>
        %gt3A_358 = arith.cmpf ogt, %sub3A_355, %gt3A_357 : vector<16xf32>
        %jit3A_359 = arith.constant 1.000000e+00 : f32
        %jit3A_360 = arith.constant 0.000000e+00 : f32
        %broadcast_in_dim3A_361 = vector.broadcast %jit3A_359 : f32 to vector<16xf32>
        %broadcast_in_dim3A_362 = vector.broadcast %jit3A_360 : f32 to vector<16xf32>
        %select_n3A_363 = arith.select %gt3A_358, %broadcast_in_dim3A_361, %broadcast_in_dim3A_362 : vector<16xi1>, vector<16xf32>
        %convert_element_type3A_364 = arith.fptosi %select_n3A_363 : vector<16xf32> to vector<16xi32>
        %add3A_365 = arith.addi %convert_element_type3A_353, %convert_element_type3A_364 : vector<16xi32>
        %add3A_366 = arith.addi %mul3A_38, %convert_element_type3A_353 : vector<16xi32>
        %mul3A_367 = arith.mulf %gather3A_352, %sub3A_355 : vector<16xf32>
        tpu.vector_store_idx %arg7[%add3A_366], %mul3A_367 {add = true} : memref<8192xf32, #tpu.memory_space<vmem>>[vector<16xi32>], vector<16xf32>,
        %add3A_368 = arith.addi %mul3A_38, %add3A_365 : vector<16xi32>
        %sub3A_369 = arith.subf %select_n3A_363, %sub3A_355 : vector<16xf32>
        %mul3A_370 = arith.mulf %gather3A_352, %sub3A_369 : vector<16xf32>
        tpu.vector_store_idx %arg7[%add3A_368], %mul3A_370 {add = true} : memref<8192xf32, #tpu.memory_space<vmem>>[vector<16xi32>], vector<16xf32>,
        %add3A_371 = arith.constant 13 : i32
        %add3A_372 = vector.broadcast %add3A_371 : i32 to vector<16xi32>
        %add3A_373 = arith.addi %mul3A_38, %add3A_372 : vector<16xi32>
        %gather3A_374 = tpu.vector_load_idx %arg5[%add3A_373] : memref<8192xf32, #tpu.memory_space<vmem>>[vector<16xi32>], vector<16xf32>,
        %add3A_375 = arith.constant 13 : i32
        %add3A_376 = vector.broadcast %add3A_375 : i32 to vector<16xi32>
        %add3A_377 = arith.addi %mul3A_38, %add3A_376 : vector<16xi32>
        %gather3A_378 = tpu.vector_load_idx %arg6[%add3A_377] : memref<8192xf32, #tpu.memory_space<vmem>>[vector<16xi32>], vector<16xf32>,
        %convert_element_type3A_379 = arith.fptosi %gather3A_374 : vector<16xf32> to vector<16xi32>
        %convert_element_type3A_380 = arith.sitofp %convert_element_type3A_379 : vector<16xi32> to vector<16xf32>
        %sub3A_381 = arith.subf %gather3A_374, %convert_element_type3A_380 : vector<16xf32>
        %gt3A_382 = arith.constant 0.000000e+00 : f32
        %gt3A_383 = vector.broadcast %gt3A_382 : f32 to vector<16xf32>
        %gt3A_384 = arith.cmpf ogt, %sub3A_381, %gt3A_383 : vector<16xf32>
        %jit3A_385 = arith.constant 1.000000e+00 : f32
        %jit3A_386 = arith.constant 0.000000e+00 : f32
        %broadcast_in_dim3A_387 = vector.broadcast %jit3A_385 : f32 to vector<16xf32>
        %broadcast_in_dim3A_388 = vector.broadcast %jit3A_386 : f32 to vector<16xf32>
        %select_n3A_389 = arith.select %gt3A_384, %broadcast_in_dim3A_387, %broadcast_in_dim3A_388 : vector<16xi1>, vector<16xf32>
        %convert_element_type3A_390 = arith.fptosi %select_n3A_389 : vector<16xf32> to vector<16xi32>
        %add3A_391 = arith.addi %convert_element_type3A_379, %convert_element_type3A_390 : vector<16xi32>
        %add3A_392 = arith.addi %mul3A_38, %convert_element_type3A_379 : vector<16xi32>
        %mul3A_393 = arith.mulf %gather3A_378, %sub3A_381 : vector<16xf32>
        tpu.vector_store_idx %arg7[%add3A_392], %mul3A_393 {add = true} : memref<8192xf32, #tpu.memory_space<vmem>>[vector<16xi32>], vector<16xf32>,
        %add3A_394 = arith.addi %mul3A_38, %add3A_391 : vector<16xi32>
        %sub3A_395 = arith.subf %select_n3A_389, %sub3A_381 : vector<16xf32>
        %mul3A_396 = arith.mulf %gather3A_378, %sub3A_395 : vector<16xf32>
        tpu.vector_store_idx %arg7[%add3A_394], %mul3A_396 {add = true} : memref<8192xf32, #tpu.memory_space<vmem>>[vector<16xi32>], vector<16xf32>,
        %add3A_397 = arith.constant 14 : i32
        %add3A_398 = vector.broadcast %add3A_397 : i32 to vector<16xi32>
        %add3A_399 = arith.addi %mul3A_38, %add3A_398 : vector<16xi32>
        %gather3A_400 = tpu.vector_load_idx %arg5[%add3A_399] : memref<8192xf32, #tpu.memory_space<vmem>>[vector<16xi32>], vector<16xf32>,
        %add3A_401 = arith.constant 14 : i32
        %add3A_402 = vector.broadcast %add3A_401 : i32 to vector<16xi32>
        %add3A_403 = arith.addi %mul3A_38, %add3A_402 : vector<16xi32>
        %gather3A_404 = tpu.vector_load_idx %arg6[%add3A_403] : memref<8192xf32, #tpu.memory_space<vmem>>[vector<16xi32>], vector<16xf32>,
        %convert_element_type3A_405 = arith.fptosi %gather3A_400 : vector<16xf32> to vector<16xi32>
        %convert_element_type3A_406 = arith.sitofp %convert_element_type3A_405 : vector<16xi32> to vector<16xf32>
        %sub3A_407 = arith.subf %gather3A_400, %convert_element_type3A_406 : vector<16xf32>
        %gt3A_408 = arith.constant 0.000000e+00 : f32
        %gt3A_409 = vector.broadcast %gt3A_408 : f32 to vector<16xf32>
        %gt3A_410 = arith.cmpf ogt, %sub3A_407, %gt3A_409 : vector<16xf32>
        %jit3A_411 = arith.constant 1.000000e+00 : f32
        %jit3A_412 = arith.constant 0.000000e+00 : f32
        %broadcast_in_dim3A_413 = vector.broadcast %jit3A_411 : f32 to vector<16xf32>
        %broadcast_in_dim3A_414 = vector.broadcast %jit3A_412 : f32 to vector<16xf32>
        %select_n3A_415 = arith.select %gt3A_410, %broadcast_in_dim3A_413, %broadcast_in_dim3A_414 : vector<16xi1>, vector<16xf32>
        %convert_element_type3A_416 = arith.fptosi %select_n3A_415 : vector<16xf32> to vector<16xi32>
        %add3A_417 = arith.addi %convert_element_type3A_405, %convert_element_type3A_416 : vector<16xi32>
        %add3A_418 = arith.addi %mul3A_38, %convert_element_type3A_405 : vector<16xi32>
        %mul3A_419 = arith.mulf %gather3A_404, %sub3A_407 : vector<16xf32>
        tpu.vector_store_idx %arg7[%add3A_418], %mul3A_419 {add = true} : memref<8192xf32, #tpu.memory_space<vmem>>[vector<16xi32>], vector<16xf32>,
        %add3A_420 = arith.addi %mul3A_38, %add3A_417 : vector<16xi32>
        %sub3A_421 = arith.subf %select_n3A_415, %sub3A_407 : vector<16xf32>
        %mul3A_422 = arith.mulf %gather3A_404, %sub3A_421 : vector<16xf32>
        tpu.vector_store_idx %arg7[%add3A_420], %mul3A_422 {add = true} : memref<8192xf32, #tpu.memory_space<vmem>>[vector<16xi32>], vector<16xf32>,
        %add3A_423 = arith.constant 15 : i32
        %add3A_424 = vector.broadcast %add3A_423 : i32 to vector<16xi32>
        %add3A_425 = arith.addi %mul3A_38, %add3A_424 : vector<16xi32>
        %gather3A_426 = tpu.vector_load_idx %arg5[%add3A_425] : memref<8192xf32, #tpu.memory_space<vmem>>[vector<16xi32>], vector<16xf32>,
        %add3A_427 = arith.constant 15 : i32
        %add3A_428 = vector.broadcast %add3A_427 : i32 to vector<16xi32>
        %add3A_429 = arith.addi %mul3A_38, %add3A_428 : vector<16xi32>
        %gather3A_430 = tpu.vector_load_idx %arg6[%add3A_429] : memref<8192xf32, #tpu.memory_space<vmem>>[vector<16xi32>], vector<16xf32>,
        %convert_element_type3A_431 = arith.fptosi %gather3A_426 : vector<16xf32> to vector<16xi32>
        %convert_element_type3A_432 = arith.sitofp %convert_element_type3A_431 : vector<16xi32> to vector<16xf32>
        %sub3A_433 = arith.subf %gather3A_426, %convert_element_type3A_432 : vector<16xf32>
        %gt3A_434 = arith.constant 0.000000e+00 : f32
        %gt3A_435 = vector.broadcast %gt3A_434 : f32 to vector<16xf32>
        %gt3A_436 = arith.cmpf ogt, %sub3A_433, %gt3A_435 : vector<16xf32>
        %jit3A_437 = arith.constant 1.000000e+00 : f32
        %jit3A_438 = arith.constant 0.000000e+00 : f32
        %broadcast_in_dim3A_439 = vector.broadcast %jit3A_437 : f32 to vector<16xf32>
        %broadcast_in_dim3A_440 = vector.broadcast %jit3A_438 : f32 to vector<16xf32>
        %select_n3A_441 = arith.select %gt3A_436, %broadcast_in_dim3A_439, %broadcast_in_dim3A_440 : vector<16xi1>, vector<16xf32>
        %convert_element_type3A_442 = arith.fptosi %select_n3A_441 : vector<16xf32> to vector<16xi32>
        %add3A_443 = arith.addi %convert_element_type3A_431, %convert_element_type3A_442 : vector<16xi32>
        %add3A_444 = arith.addi %mul3A_38, %convert_element_type3A_431 : vector<16xi32>
        %mul3A_445 = arith.mulf %gather3A_430, %sub3A_433 : vector<16xf32>
        tpu.vector_store_idx %arg7[%add3A_444], %mul3A_445 {add = true} : memref<8192xf32, #tpu.memory_space<vmem>>[vector<16xi32>], vector<16xf32>,
        %add3A_446 = arith.addi %mul3A_38, %add3A_443 : vector<16xi32>
        %sub3A_447 = arith.subf %select_n3A_441, %sub3A_433 : vector<16xf32>
        %mul3A_448 = arith.mulf %gather3A_430, %sub3A_447 : vector<16xf32>
        tpu.vector_store_idx %arg7[%add3A_446], %mul3A_448 {add = true} : memref<8192xf32, #tpu.memory_space<vmem>>[vector<16xi32>], vector<16xf32>,
        %add3A_449 = arith.constant 16 : i32
        %add3A_450 = vector.broadcast %add3A_449 : i32 to vector<16xi32>
        %add3A_451 = arith.addi %mul3A_38, %add3A_450 : vector<16xi32>
        %gather3A_452 = tpu.vector_load_idx %arg5[%add3A_451] : memref<8192xf32, #tpu.memory_space<vmem>>[vector<16xi32>], vector<16xf32>,
        %add3A_453 = arith.constant 16 : i32
        %add3A_454 = vector.broadcast %add3A_453 : i32 to vector<16xi32>
        %add3A_455 = arith.addi %mul3A_38, %add3A_454 : vector<16xi32>
        %gather3A_456 = tpu.vector_load_idx %arg6[%add3A_455] : memref<8192xf32, #tpu.memory_space<vmem>>[vector<16xi32>], vector<16xf32>,
        %convert_element_type3A_457 = arith.fptosi %gather3A_452 : vector<16xf32> to vector<16xi32>
        %convert_element_type3A_458 = arith.sitofp %convert_element_type3A_457 : vector<16xi32> to vector<16xf32>
        %sub3A_459 = arith.subf %gather3A_452, %convert_element_type3A_458 : vector<16xf32>
        %gt3A_460 = arith.constant 0.000000e+00 : f32
        %gt3A_461 = vector.broadcast %gt3A_460 : f32 to vector<16xf32>
        %gt3A_462 = arith.cmpf ogt, %sub3A_459, %gt3A_461 : vector<16xf32>
        %jit3A_463 = arith.constant 1.000000e+00 : f32
        %jit3A_464 = arith.constant 0.000000e+00 : f32
        %broadcast_in_dim3A_465 = vector.broadcast %jit3A_463 : f32 to vector<16xf32>
        %broadcast_in_dim3A_466 = vector.broadcast %jit3A_464 : f32 to vector<16xf32>
        %select_n3A_467 = arith.select %gt3A_462, %broadcast_in_dim3A_465, %broadcast_in_dim3A_466 : vector<16xi1>, vector<16xf32>
        %convert_element_type3A_468 = arith.fptosi %select_n3A_467 : vector<16xf32> to vector<16xi32>
        %add3A_469 = arith.addi %convert_element_type3A_457, %convert_element_type3A_468 : vector<16xi32>
        %add3A_470 = arith.addi %mul3A_38, %convert_element_type3A_457 : vector<16xi32>
        %mul3A_471 = arith.mulf %gather3A_456, %sub3A_459 : vector<16xf32>
        tpu.vector_store_idx %arg7[%add3A_470], %mul3A_471 {add = true} : memref<8192xf32, #tpu.memory_space<vmem>>[vector<16xi32>], vector<16xf32>,
        %add3A_472 = arith.addi %mul3A_38, %add3A_469 : vector<16xi32>
        %sub3A_473 = arith.subf %select_n3A_467, %sub3A_459 : vector<16xf32>
        %mul3A_474 = arith.mulf %gather3A_456, %sub3A_473 : vector<16xf32>
        tpu.vector_store_idx %arg7[%add3A_472], %mul3A_474 {add = true} : memref<8192xf32, #tpu.memory_space<vmem>>[vector<16xi32>], vector<16xf32>,
        %add3A_475 = arith.constant 17 : i32
        %add3A_476 = vector.broadcast %add3A_475 : i32 to vector<16xi32>
        %add3A_477 = arith.addi %mul3A_38, %add3A_476 : vector<16xi32>
        %gather3A_478 = tpu.vector_load_idx %arg5[%add3A_477] : memref<8192xf32, #tpu.memory_space<vmem>>[vector<16xi32>], vector<16xf32>,
        %add3A_479 = arith.constant 17 : i32
        %add3A_480 = vector.broadcast %add3A_479 : i32 to vector<16xi32>
        %add3A_481 = arith.addi %mul3A_38, %add3A_480 : vector<16xi32>
        %gather3A_482 = tpu.vector_load_idx %arg6[%add3A_481] : memref<8192xf32, #tpu.memory_space<vmem>>[vector<16xi32>], vector<16xf32>,
        %convert_element_type3A_483 = arith.fptosi %gather3A_478 : vector<16xf32> to vector<16xi32>
        %convert_element_type3A_484 = arith.sitofp %convert_element_type3A_483 : vector<16xi32> to vector<16xf32>
        %sub3A_485 = arith.subf %gather3A_478, %convert_element_type3A_484 : vector<16xf32>
        %gt3A_486 = arith.constant 0.000000e+00 : f32
        %gt3A_487 = vector.broadcast %gt3A_486 : f32 to vector<16xf32>
        %gt3A_488 = arith.cmpf ogt, %sub3A_485, %gt3A_487 : vector<16xf32>
        %jit3A_489 = arith.constant 1.000000e+00 : f32
        %jit3A_490 = arith.constant 0.000000e+00 : f32
        %broadcast_in_dim3A_491 = vector.broadcast %jit3A_489 : f32 to vector<16xf32>
        %broadcast_in_dim3A_492 = vector.broadcast %jit3A_490 : f32 to vector<16xf32>
        %select_n3A_493 = arith.select %gt3A_488, %broadcast_in_dim3A_491, %broadcast_in_dim3A_492 : vector<16xi1>, vector<16xf32>
        %convert_element_type3A_494 = arith.fptosi %select_n3A_493 : vector<16xf32> to vector<16xi32>
        %add3A_495 = arith.addi %convert_element_type3A_483, %convert_element_type3A_494 : vector<16xi32>
        %add3A_496 = arith.addi %mul3A_38, %convert_element_type3A_483 : vector<16xi32>
        %mul3A_497 = arith.mulf %gather3A_482, %sub3A_485 : vector<16xf32>
        tpu.vector_store_idx %arg7[%add3A_496], %mul3A_497 {add = true} : memref<8192xf32, #tpu.memory_space<vmem>>[vector<16xi32>], vector<16xf32>,
        %add3A_498 = arith.addi %mul3A_38, %add3A_495 : vector<16xi32>
        %sub3A_499 = arith.subf %select_n3A_493, %sub3A_485 : vector<16xf32>
        %mul3A_500 = arith.mulf %gather3A_482, %sub3A_499 : vector<16xf32>
        tpu.vector_store_idx %arg7[%add3A_498], %mul3A_500 {add = true} : memref<8192xf32, #tpu.memory_space<vmem>>[vector<16xi32>], vector<16xf32>,
        %add3A_501 = arith.constant 18 : i32
        %add3A_502 = vector.broadcast %add3A_501 : i32 to vector<16xi32>
        %add3A_503 = arith.addi %mul3A_38, %add3A_502 : vector<16xi32>
        %gather3A_504 = tpu.vector_load_idx %arg5[%add3A_503] : memref<8192xf32, #tpu.memory_space<vmem>>[vector<16xi32>], vector<16xf32>,
        %add3A_505 = arith.constant 18 : i32
        %add3A_506 = vector.broadcast %add3A_505 : i32 to vector<16xi32>
        %add3A_507 = arith.addi %mul3A_38, %add3A_506 : vector<16xi32>
        %gather3A_508 = tpu.vector_load_idx %arg6[%add3A_507] : memref<8192xf32, #tpu.memory_space<vmem>>[vector<16xi32>], vector<16xf32>,
        %convert_element_type3A_509 = arith.fptosi %gather3A_504 : vector<16xf32> to vector<16xi32>
        %convert_element_type3A_510 = arith.sitofp %convert_element_type3A_509 : vector<16xi32> to vector<16xf32>
        %sub3A_511 = arith.subf %gather3A_504, %convert_element_type3A_510 : vector<16xf32>
        %gt3A_512 = arith.constant 0.000000e+00 : f32
        %gt3A_513 = vector.broadcast %gt3A_512 : f32 to vector<16xf32>
        %gt3A_514 = arith.cmpf ogt, %sub3A_511, %gt3A_513 : vector<16xf32>
        %jit3A_515 = arith.constant 1.000000e+00 : f32
        %jit3A_516 = arith.constant 0.000000e+00 : f32
        %broadcast_in_dim3A_517 = vector.broadcast %jit3A_515 : f32 to vector<16xf32>
        %broadcast_in_dim3A_518 = vector.broadcast %jit3A_516 : f32 to vector<16xf32>
        %select_n3A_519 = arith.select %gt3A_514, %broadcast_in_dim3A_517, %broadcast_in_dim3A_518 : vector<16xi1>, vector<16xf32>
        %convert_element_type3A_520 = arith.fptosi %select_n3A_519 : vector<16xf32> to vector<16xi32>
        %add3A_521 = arith.addi %convert_element_type3A_509, %convert_element_type3A_520 : vector<16xi32>
        %add3A_522 = arith.addi %mul3A_38, %convert_element_type3A_509 : vector<16xi32>
        %mul3A_523 = arith.mulf %gather3A_508, %sub3A_511 : vector<16xf32>
        tpu.vector_store_idx %arg7[%add3A_522], %mul3A_523 {add = true} : memref<8192xf32, #tpu.memory_space<vmem>>[vector<16xi32>], vector<16xf32>,
        %add3A_524 = arith.addi %mul3A_38, %add3A_521 : vector<16xi32>
        %sub3A_525 = arith.subf %select_n3A_519, %sub3A_511 : vector<16xf32>
        %mul3A_526 = arith.mulf %gather3A_508, %sub3A_525 : vector<16xf32>
        tpu.vector_store_idx %arg7[%add3A_524], %mul3A_526 {add = true} : memref<8192xf32, #tpu.memory_space<vmem>>[vector<16xi32>], vector<16xf32>,
        %add3A_527 = arith.constant 19 : i32
        %add3A_528 = vector.broadcast %add3A_527 : i32 to vector<16xi32>
        %add3A_529 = arith.addi %mul3A_38, %add3A_528 : vector<16xi32>
        %gather3A_530 = tpu.vector_load_idx %arg5[%add3A_529] : memref<8192xf32, #tpu.memory_space<vmem>>[vector<16xi32>], vector<16xf32>,
        %add3A_531 = arith.constant 19 : i32
        %add3A_532 = vector.broadcast %add3A_531 : i32 to vector<16xi32>
        %add3A_533 = arith.addi %mul3A_38, %add3A_532 : vector<16xi32>
        %gather3A_534 = tpu.vector_load_idx %arg6[%add3A_533] : memref<8192xf32, #tpu.memory_space<vmem>>[vector<16xi32>], vector<16xf32>,
        %convert_element_type3A_535 = arith.fptosi %gather3A_530 : vector<16xf32> to vector<16xi32>
        %convert_element_type3A_536 = arith.sitofp %convert_element_type3A_535 : vector<16xi32> to vector<16xf32>
        %sub3A_537 = arith.subf %gather3A_530, %convert_element_type3A_536 : vector<16xf32>
        %gt3A_538 = arith.constant 0.000000e+00 : f32
        %gt3A_539 = vector.broadcast %gt3A_538 : f32 to vector<16xf32>
        %gt3A_540 = arith.cmpf ogt, %sub3A_537, %gt3A_539 : vector<16xf32>
        %jit3A_541 = arith.constant 1.000000e+00 : f32
        %jit3A_542 = arith.constant 0.000000e+00 : f32
        %broadcast_in_dim3A_543 = vector.broadcast %jit3A_541 : f32 to vector<16xf32>
        %broadcast_in_dim3A_544 = vector.broadcast %jit3A_542 : f32 to vector<16xf32>
        %select_n3A_545 = arith.select %gt3A_540, %broadcast_in_dim3A_543, %broadcast_in_dim3A_544 : vector<16xi1>, vector<16xf32>
        %convert_element_type3A_546 = arith.fptosi %select_n3A_545 : vector<16xf32> to vector<16xi32>
        %add3A_547 = arith.addi %convert_element_type3A_535, %convert_element_type3A_546 : vector<16xi32>
        %add3A_548 = arith.addi %mul3A_38, %convert_element_type3A_535 : vector<16xi32>
        %mul3A_549 = arith.mulf %gather3A_534, %sub3A_537 : vector<16xf32>
        tpu.vector_store_idx %arg7[%add3A_548], %mul3A_549 {add = true} : memref<8192xf32, #tpu.memory_space<vmem>>[vector<16xi32>], vector<16xf32>,
        %add3A_550 = arith.addi %mul3A_38, %add3A_547 : vector<16xi32>
        %sub3A_551 = arith.subf %select_n3A_545, %sub3A_537 : vector<16xf32>
        %mul3A_552 = arith.mulf %gather3A_534, %sub3A_551 : vector<16xf32>
        tpu.vector_store_idx %arg7[%add3A_550], %mul3A_552 {add = true} : memref<8192xf32, #tpu.memory_space<vmem>>[vector<16xi32>], vector<16xf32>,
        %add3A_553 = arith.constant 20 : i32
        %add3A_554 = vector.broadcast %add3A_553 : i32 to vector<16xi32>
        %add3A_555 = arith.addi %mul3A_38, %add3A_554 : vector<16xi32>
        %gather3A_556 = tpu.vector_load_idx %arg5[%add3A_555] : memref<8192xf32, #tpu.memory_space<vmem>>[vector<16xi32>], vector<16xf32>,
        %add3A_557 = arith.constant 20 : i32
        %add3A_558 = vector.broadcast %add3A_557 : i32 to vector<16xi32>
        %add3A_559 = arith.addi %mul3A_38, %add3A_558 : vector<16xi32>
        %gather3A_560 = tpu.vector_load_idx %arg6[%add3A_559] : memref<8192xf32, #tpu.memory_space<vmem>>[vector<16xi32>], vector<16xf32>,
        %convert_element_type3A_561 = arith.fptosi %gather3A_556 : vector<16xf32> to vector<16xi32>
        %convert_element_type3A_562 = arith.sitofp %convert_element_type3A_561 : vector<16xi32> to vector<16xf32>
        %sub3A_563 = arith.subf %gather3A_556, %convert_element_type3A_562 : vector<16xf32>
        %gt3A_564 = arith.constant 0.000000e+00 : f32
        %gt3A_565 = vector.broadcast %gt3A_564 : f32 to vector<16xf32>
        %gt3A_566 = arith.cmpf ogt, %sub3A_563, %gt3A_565 : vector<16xf32>
        %jit3A_567 = arith.constant 1.000000e+00 : f32
        %jit3A_568 = arith.constant 0.000000e+00 : f32
        %broadcast_in_dim3A_569 = vector.broadcast %jit3A_567 : f32 to vector<16xf32>
        %broadcast_in_dim3A_570 = vector.broadcast %jit3A_568 : f32 to vector<16xf32>
        %select_n3A_571 = arith.select %gt3A_566, %broadcast_in_dim3A_569, %broadcast_in_dim3A_570 : vector<16xi1>, vector<16xf32>
        %convert_element_type3A_572 = arith.fptosi %select_n3A_571 : vector<16xf32> to vector<16xi32>
        %add3A_573 = arith.addi %convert_element_type3A_561, %convert_element_type3A_572 : vector<16xi32>
        %add3A_574 = arith.addi %mul3A_38, %convert_element_type3A_561 : vector<16xi32>
        %mul3A_575 = arith.mulf %gather3A_560, %sub3A_563 : vector<16xf32>
        tpu.vector_store_idx %arg7[%add3A_574], %mul3A_575 {add = true} : memref<8192xf32, #tpu.memory_space<vmem>>[vector<16xi32>], vector<16xf32>,
        %add3A_576 = arith.addi %mul3A_38, %add3A_573 : vector<16xi32>
        %sub3A_577 = arith.subf %select_n3A_571, %sub3A_563 : vector<16xf32>
        %mul3A_578 = arith.mulf %gather3A_560, %sub3A_577 : vector<16xf32>
        tpu.vector_store_idx %arg7[%add3A_576], %mul3A_578 {add = true} : memref<8192xf32, #tpu.memory_space<vmem>>[vector<16xi32>], vector<16xf32>,
        %add3A_579 = arith.constant 21 : i32
        %add3A_580 = vector.broadcast %add3A_579 : i32 to vector<16xi32>
        %add3A_581 = arith.addi %mul3A_38, %add3A_580 : vector<16xi32>
        %gather3A_582 = tpu.vector_load_idx %arg5[%add3A_581] : memref<8192xf32, #tpu.memory_space<vmem>>[vector<16xi32>], vector<16xf32>,
        %add3A_583 = arith.constant 21 : i32
        %add3A_584 = vector.broadcast %add3A_583 : i32 to vector<16xi32>
        %add3A_585 = arith.addi %mul3A_38, %add3A_584 : vector<16xi32>
        %gather3A_586 = tpu.vector_load_idx %arg6[%add3A_585] : memref<8192xf32, #tpu.memory_space<vmem>>[vector<16xi32>], vector<16xf32>,
        %convert_element_type3A_587 = arith.fptosi %gather3A_582 : vector<16xf32> to vector<16xi32>
        %convert_element_type3A_588 = arith.sitofp %convert_element_type3A_587 : vector<16xi32> to vector<16xf32>
        %sub3A_589 = arith.subf %gather3A_582, %convert_element_type3A_588 : vector<16xf32>
        %gt3A_590 = arith.constant 0.000000e+00 : f32
        %gt3A_591 = vector.broadcast %gt3A_590 : f32 to vector<16xf32>
        %gt3A_592 = arith.cmpf ogt, %sub3A_589, %gt3A_591 : vector<16xf32>
        %jit3A_593 = arith.constant 1.000000e+00 : f32
        %jit3A_594 = arith.constant 0.000000e+00 : f32
        %broadcast_in_dim3A_595 = vector.broadcast %jit3A_593 : f32 to vector<16xf32>
        %broadcast_in_dim3A_596 = vector.broadcast %jit3A_594 : f32 to vector<16xf32>
        %select_n3A_597 = arith.select %gt3A_592, %broadcast_in_dim3A_595, %broadcast_in_dim3A_596 : vector<16xi1>, vector<16xf32>
        %convert_element_type3A_598 = arith.fptosi %select_n3A_597 : vector<16xf32> to vector<16xi32>
        %add3A_599 = arith.addi %convert_element_type3A_587, %convert_element_type3A_598 : vector<16xi32>
        %add3A_600 = arith.addi %mul3A_38, %convert_element_type3A_587 : vector<16xi32>
        %mul3A_601 = arith.mulf %gather3A_586, %sub3A_589 : vector<16xf32>
        tpu.vector_store_idx %arg7[%add3A_600], %mul3A_601 {add = true} : memref<8192xf32, #tpu.memory_space<vmem>>[vector<16xi32>], vector<16xf32>,
        %add3A_602 = arith.addi %mul3A_38, %add3A_599 : vector<16xi32>
        %sub3A_603 = arith.subf %select_n3A_597, %sub3A_589 : vector<16xf32>
        %mul3A_604 = arith.mulf %gather3A_586, %sub3A_603 : vector<16xf32>
        tpu.vector_store_idx %arg7[%add3A_602], %mul3A_604 {add = true} : memref<8192xf32, #tpu.memory_space<vmem>>[vector<16xi32>], vector<16xf32>,
        %add3A_605 = arith.constant 22 : i32
        %add3A_606 = vector.broadcast %add3A_605 : i32 to vector<16xi32>
        %add3A_607 = arith.addi %mul3A_38, %add3A_606 : vector<16xi32>
        %gather3A_608 = tpu.vector_load_idx %arg5[%add3A_607] : memref<8192xf32, #tpu.memory_space<vmem>>[vector<16xi32>], vector<16xf32>,
        %add3A_609 = arith.constant 22 : i32
        %add3A_610 = vector.broadcast %add3A_609 : i32 to vector<16xi32>
        %add3A_611 = arith.addi %mul3A_38, %add3A_610 : vector<16xi32>
        %gather3A_612 = tpu.vector_load_idx %arg6[%add3A_611] : memref<8192xf32, #tpu.memory_space<vmem>>[vector<16xi32>], vector<16xf32>,
        %convert_element_type3A_613 = arith.fptosi %gather3A_608 : vector<16xf32> to vector<16xi32>
        %convert_element_type3A_614 = arith.sitofp %convert_element_type3A_613 : vector<16xi32> to vector<16xf32>
        %sub3A_615 = arith.subf %gather3A_608, %convert_element_type3A_614 : vector<16xf32>
        %gt3A_616 = arith.constant 0.000000e+00 : f32
        %gt3A_617 = vector.broadcast %gt3A_616 : f32 to vector<16xf32>
        %gt3A_618 = arith.cmpf ogt, %sub3A_615, %gt3A_617 : vector<16xf32>
        %jit3A_619 = arith.constant 1.000000e+00 : f32
        %jit3A_620 = arith.constant 0.000000e+00 : f32
        %broadcast_in_dim3A_621 = vector.broadcast %jit3A_619 : f32 to vector<16xf32>
        %broadcast_in_dim3A_622 = vector.broadcast %jit3A_620 : f32 to vector<16xf32>
        %select_n3A_623 = arith.select %gt3A_618, %broadcast_in_dim3A_621, %broadcast_in_dim3A_622 : vector<16xi1>, vector<16xf32>
        %convert_element_type3A_624 = arith.fptosi %select_n3A_623 : vector<16xf32> to vector<16xi32>
        %add3A_625 = arith.addi %convert_element_type3A_613, %convert_element_type3A_624 : vector<16xi32>
        %add3A_626 = arith.addi %mul3A_38, %convert_element_type3A_613 : vector<16xi32>
        %mul3A_627 = arith.mulf %gather3A_612, %sub3A_615 : vector<16xf32>
        tpu.vector_store_idx %arg7[%add3A_626], %mul3A_627 {add = true} : memref<8192xf32, #tpu.memory_space<vmem>>[vector<16xi32>], vector<16xf32>,
        %add3A_628 = arith.addi %mul3A_38, %add3A_625 : vector<16xi32>
        %sub3A_629 = arith.subf %select_n3A_623, %sub3A_615 : vector<16xf32>
        %mul3A_630 = arith.mulf %gather3A_612, %sub3A_629 : vector<16xf32>
        tpu.vector_store_idx %arg7[%add3A_628], %mul3A_630 {add = true} : memref<8192xf32, #tpu.memory_space<vmem>>[vector<16xi32>], vector<16xf32>,
        %add3A_631 = arith.constant 23 : i32
        %add3A_632 = vector.broadcast %add3A_631 : i32 to vector<16xi32>
        %add3A_633 = arith.addi %mul3A_38, %add3A_632 : vector<16xi32>
        %gather3A_634 = tpu.vector_load_idx %arg5[%add3A_633] : memref<8192xf32, #tpu.memory_space<vmem>>[vector<16xi32>], vector<16xf32>,
        %add3A_635 = arith.constant 23 : i32
        %add3A_636 = vector.broadcast %add3A_635 : i32 to vector<16xi32>
        %add3A_637 = arith.addi %mul3A_38, %add3A_636 : vector<16xi32>
        %gather3A_638 = tpu.vector_load_idx %arg6[%add3A_637] : memref<8192xf32, #tpu.memory_space<vmem>>[vector<16xi32>], vector<16xf32>,
        %convert_element_type3A_639 = arith.fptosi %gather3A_634 : vector<16xf32> to vector<16xi32>
        %convert_element_type3A_640 = arith.sitofp %convert_element_type3A_639 : vector<16xi32> to vector<16xf32>
        %sub3A_641 = arith.subf %gather3A_634, %convert_element_type3A_640 : vector<16xf32>
        %gt3A_642 = arith.constant 0.000000e+00 : f32
        %gt3A_643 = vector.broadcast %gt3A_642 : f32 to vector<16xf32>
        %gt3A_644 = arith.cmpf ogt, %sub3A_641, %gt3A_643 : vector<16xf32>
        %jit3A_645 = arith.constant 1.000000e+00 : f32
        %jit3A_646 = arith.constant 0.000000e+00 : f32
        %broadcast_in_dim3A_647 = vector.broadcast %jit3A_645 : f32 to vector<16xf32>
        %broadcast_in_dim3A_648 = vector.broadcast %jit3A_646 : f32 to vector<16xf32>
        %select_n3A_649 = arith.select %gt3A_644, %broadcast_in_dim3A_647, %broadcast_in_dim3A_648 : vector<16xi1>, vector<16xf32>
        %convert_element_type3A_650 = arith.fptosi %select_n3A_649 : vector<16xf32> to vector<16xi32>
        %add3A_651 = arith.addi %convert_element_type3A_639, %convert_element_type3A_650 : vector<16xi32>
        %add3A_652 = arith.addi %mul3A_38, %convert_element_type3A_639 : vector<16xi32>
        %mul3A_653 = arith.mulf %gather3A_638, %sub3A_641 : vector<16xf32>
        tpu.vector_store_idx %arg7[%add3A_652], %mul3A_653 {add = true} : memref<8192xf32, #tpu.memory_space<vmem>>[vector<16xi32>], vector<16xf32>,
        %add3A_654 = arith.addi %mul3A_38, %add3A_651 : vector<16xi32>
        %sub3A_655 = arith.subf %select_n3A_649, %sub3A_641 : vector<16xf32>
        %mul3A_656 = arith.mulf %gather3A_638, %sub3A_655 : vector<16xf32>
        tpu.vector_store_idx %arg7[%add3A_654], %mul3A_656 {add = true} : memref<8192xf32, #tpu.memory_space<vmem>>[vector<16xi32>], vector<16xf32>,
        %add3A_657 = arith.constant 24 : i32
        %add3A_658 = vector.broadcast %add3A_657 : i32 to vector<16xi32>
        %add3A_659 = arith.addi %mul3A_38, %add3A_658 : vector<16xi32>
        %gather3A_660 = tpu.vector_load_idx %arg5[%add3A_659] : memref<8192xf32, #tpu.memory_space<vmem>>[vector<16xi32>], vector<16xf32>,
        %add3A_661 = arith.constant 24 : i32
        %add3A_662 = vector.broadcast %add3A_661 : i32 to vector<16xi32>
        %add3A_663 = arith.addi %mul3A_38, %add3A_662 : vector<16xi32>
        %gather3A_664 = tpu.vector_load_idx %arg6[%add3A_663] : memref<8192xf32, #tpu.memory_space<vmem>>[vector<16xi32>], vector<16xf32>,
        %convert_element_type3A_665 = arith.fptosi %gather3A_660 : vector<16xf32> to vector<16xi32>
        %convert_element_type3A_666 = arith.sitofp %convert_element_type3A_665 : vector<16xi32> to vector<16xf32>
        %sub3A_667 = arith.subf %gather3A_660, %convert_element_type3A_666 : vector<16xf32>
        %gt3A_668 = arith.constant 0.000000e+00 : f32
        %gt3A_669 = vector.broadcast %gt3A_668 : f32 to vector<16xf32>
        %gt3A_670 = arith.cmpf ogt, %sub3A_667, %gt3A_669 : vector<16xf32>
        %jit3A_671 = arith.constant 1.000000e+00 : f32
        %jit3A_672 = arith.constant 0.000000e+00 : f32
        %broadcast_in_dim3A_673 = vector.broadcast %jit3A_671 : f32 to vector<16xf32>
        %broadcast_in_dim3A_674 = vector.broadcast %jit3A_672 : f32 to vector<16xf32>
        %select_n3A_675 = arith.select %gt3A_670, %broadcast_in_dim3A_673, %broadcast_in_dim3A_674 : vector<16xi1>, vector<16xf32>
        %convert_element_type3A_676 = arith.fptosi %select_n3A_675 : vector<16xf32> to vector<16xi32>
        %add3A_677 = arith.addi %convert_element_type3A_665, %convert_element_type3A_676 : vector<16xi32>
        %add3A_678 = arith.addi %mul3A_38, %convert_element_type3A_665 : vector<16xi32>
        %mul3A_679 = arith.mulf %gather3A_664, %sub3A_667 : vector<16xf32>
        tpu.vector_store_idx %arg7[%add3A_678], %mul3A_679 {add = true} : memref<8192xf32, #tpu.memory_space<vmem>>[vector<16xi32>], vector<16xf32>,
        %add3A_680 = arith.addi %mul3A_38, %add3A_677 : vector<16xi32>
        %sub3A_681 = arith.subf %select_n3A_675, %sub3A_667 : vector<16xf32>
        %mul3A_682 = arith.mulf %gather3A_664, %sub3A_681 : vector<16xf32>
        tpu.vector_store_idx %arg7[%add3A_680], %mul3A_682 {add = true} : memref<8192xf32, #tpu.memory_space<vmem>>[vector<16xi32>], vector<16xf32>,
        %add3A_683 = arith.constant 25 : i32
        %add3A_684 = vector.broadcast %add3A_683 : i32 to vector<16xi32>
        %add3A_685 = arith.addi %mul3A_38, %add3A_684 : vector<16xi32>
        %gather3A_686 = tpu.vector_load_idx %arg5[%add3A_685] : memref<8192xf32, #tpu.memory_space<vmem>>[vector<16xi32>], vector<16xf32>,
        %add3A_687 = arith.constant 25 : i32
        %add3A_688 = vector.broadcast %add3A_687 : i32 to vector<16xi32>
        %add3A_689 = arith.addi %mul3A_38, %add3A_688 : vector<16xi32>
        %gather3A_690 = tpu.vector_load_idx %arg6[%add3A_689] : memref<8192xf32, #tpu.memory_space<vmem>>[vector<16xi32>], vector<16xf32>,
        %convert_element_type3A_691 = arith.fptosi %gather3A_686 : vector<16xf32> to vector<16xi32>
        %convert_element_type3A_692 = arith.sitofp %convert_element_type3A_691 : vector<16xi32> to vector<16xf32>
        %sub3A_693 = arith.subf %gather3A_686, %convert_element_type3A_692 : vector<16xf32>
        %gt3A_694 = arith.constant 0.000000e+00 : f32
        %gt3A_695 = vector.broadcast %gt3A_694 : f32 to vector<16xf32>
        %gt3A_696 = arith.cmpf ogt, %sub3A_693, %gt3A_695 : vector<16xf32>
        %jit3A_697 = arith.constant 1.000000e+00 : f32
        %jit3A_698 = arith.constant 0.000000e+00 : f32
        %broadcast_in_dim3A_699 = vector.broadcast %jit3A_697 : f32 to vector<16xf32>
        %broadcast_in_dim3A_700 = vector.broadcast %jit3A_698 : f32 to vector<16xf32>
        %select_n3A_701 = arith.select %gt3A_696, %broadcast_in_dim3A_699, %broadcast_in_dim3A_700 : vector<16xi1>, vector<16xf32>
        %convert_element_type3A_702 = arith.fptosi %select_n3A_701 : vector<16xf32> to vector<16xi32>
        %add3A_703 = arith.addi %convert_element_type3A_691, %convert_element_type3A_702 : vector<16xi32>
        %add3A_704 = arith.addi %mul3A_38, %convert_element_type3A_691 : vector<16xi32>
        %mul3A_705 = arith.mulf %gather3A_690, %sub3A_693 : vector<16xf32>
        tpu.vector_store_idx %arg7[%add3A_704], %mul3A_705 {add = true} : memref<8192xf32, #tpu.memory_space<vmem>>[vector<16xi32>], vector<16xf32>,
        %add3A_706 = arith.addi %mul3A_38, %add3A_703 : vector<16xi32>
        %sub3A_707 = arith.subf %select_n3A_701, %sub3A_693 : vector<16xf32>
        %mul3A_708 = arith.mulf %gather3A_690, %sub3A_707 : vector<16xf32>
        tpu.vector_store_idx %arg7[%add3A_706], %mul3A_708 {add = true} : memref<8192xf32, #tpu.memory_space<vmem>>[vector<16xi32>], vector<16xf32>,
        %add3A_709 = arith.constant 26 : i32
        %add3A_710 = vector.broadcast %add3A_709 : i32 to vector<16xi32>
        %add3A_711 = arith.addi %mul3A_38, %add3A_710 : vector<16xi32>
        %gather3A_712 = tpu.vector_load_idx %arg5[%add3A_711] : memref<8192xf32, #tpu.memory_space<vmem>>[vector<16xi32>], vector<16xf32>,
        %add3A_713 = arith.constant 26 : i32
        %add3A_714 = vector.broadcast %add3A_713 : i32 to vector<16xi32>
        %add3A_715 = arith.addi %mul3A_38, %add3A_714 : vector<16xi32>
        %gather3A_716 = tpu.vector_load_idx %arg6[%add3A_715] : memref<8192xf32, #tpu.memory_space<vmem>>[vector<16xi32>], vector<16xf32>,
        %convert_element_type3A_717 = arith.fptosi %gather3A_712 : vector<16xf32> to vector<16xi32>
        %convert_element_type3A_718 = arith.sitofp %convert_element_type3A_717 : vector<16xi32> to vector<16xf32>
        %sub3A_719 = arith.subf %gather3A_712, %convert_element_type3A_718 : vector<16xf32>
        %gt3A_720 = arith.constant 0.000000e+00 : f32
        %gt3A_721 = vector.broadcast %gt3A_720 : f32 to vector<16xf32>
        %gt3A_722 = arith.cmpf ogt, %sub3A_719, %gt3A_721 : vector<16xf32>
        %jit3A_723 = arith.constant 1.000000e+00 : f32
        %jit3A_724 = arith.constant 0.000000e+00 : f32
        %broadcast_in_dim3A_725 = vector.broadcast %jit3A_723 : f32 to vector<16xf32>
        %broadcast_in_dim3A_726 = vector.broadcast %jit3A_724 : f32 to vector<16xf32>
        %select_n3A_727 = arith.select %gt3A_722, %broadcast_in_dim3A_725, %broadcast_in_dim3A_726 : vector<16xi1>, vector<16xf32>
        %convert_element_type3A_728 = arith.fptosi %select_n3A_727 : vector<16xf32> to vector<16xi32>
        %add3A_729 = arith.addi %convert_element_type3A_717, %convert_element_type3A_728 : vector<16xi32>
        %add3A_730 = arith.addi %mul3A_38, %convert_element_type3A_717 : vector<16xi32>
        %mul3A_731 = arith.mulf %gather3A_716, %sub3A_719 : vector<16xf32>
        tpu.vector_store_idx %arg7[%add3A_730], %mul3A_731 {add = true} : memref<8192xf32, #tpu.memory_space<vmem>>[vector<16xi32>], vector<16xf32>,
        %add3A_732 = arith.addi %mul3A_38, %add3A_729 : vector<16xi32>
        %sub3A_733 = arith.subf %select_n3A_727, %sub3A_719 : vector<16xf32>
        %mul3A_734 = arith.mulf %gather3A_716, %sub3A_733 : vector<16xf32>
        tpu.vector_store_idx %arg7[%add3A_732], %mul3A_734 {add = true} : memref<8192xf32, #tpu.memory_space<vmem>>[vector<16xi32>], vector<16xf32>,
        %add3A_735 = arith.constant 27 : i32
        %add3A_736 = vector.broadcast %add3A_735 : i32 to vector<16xi32>
        %add3A_737 = arith.addi %mul3A_38, %add3A_736 : vector<16xi32>
        %gather3A_738 = tpu.vector_load_idx %arg5[%add3A_737] : memref<8192xf32, #tpu.memory_space<vmem>>[vector<16xi32>], vector<16xf32>,
        %add3A_739 = arith.constant 27 : i32
        %add3A_740 = vector.broadcast %add3A_739 : i32 to vector<16xi32>
        %add3A_741 = arith.addi %mul3A_38, %add3A_740 : vector<16xi32>
        %gather3A_742 = tpu.vector_load_idx %arg6[%add3A_741] : memref<8192xf32, #tpu.memory_space<vmem>>[vector<16xi32>], vector<16xf32>,
        %convert_element_type3A_743 = arith.fptosi %gather3A_738 : vector<16xf32> to vector<16xi32>
        %convert_element_type3A_744 = arith.sitofp %convert_element_type3A_743 : vector<16xi32> to vector<16xf32>
        %sub3A_745 = arith.subf %gather3A_738, %convert_element_type3A_744 : vector<16xf32>
        %gt3A_746 = arith.constant 0.000000e+00 : f32
        %gt3A_747 = vector.broadcast %gt3A_746 : f32 to vector<16xf32>
        %gt3A_748 = arith.cmpf ogt, %sub3A_745, %gt3A_747 : vector<16xf32>
        %jit3A_749 = arith.constant 1.000000e+00 : f32
        %jit3A_750 = arith.constant 0.000000e+00 : f32
        %broadcast_in_dim3A_751 = vector.broadcast %jit3A_749 : f32 to vector<16xf32>
        %broadcast_in_dim3A_752 = vector.broadcast %jit3A_750 : f32 to vector<16xf32>
        %select_n3A_753 = arith.select %gt3A_748, %broadcast_in_dim3A_751, %broadcast_in_dim3A_752 : vector<16xi1>, vector<16xf32>
        %convert_element_type3A_754 = arith.fptosi %select_n3A_753 : vector<16xf32> to vector<16xi32>
        %add3A_755 = arith.addi %convert_element_type3A_743, %convert_element_type3A_754 : vector<16xi32>
        %add3A_756 = arith.addi %mul3A_38, %convert_element_type3A_743 : vector<16xi32>
        %mul3A_757 = arith.mulf %gather3A_742, %sub3A_745 : vector<16xf32>
        tpu.vector_store_idx %arg7[%add3A_756], %mul3A_757 {add = true} : memref<8192xf32, #tpu.memory_space<vmem>>[vector<16xi32>], vector<16xf32>,
        %add3A_758 = arith.addi %mul3A_38, %add3A_755 : vector<16xi32>
        %sub3A_759 = arith.subf %select_n3A_753, %sub3A_745 : vector<16xf32>
        %mul3A_760 = arith.mulf %gather3A_742, %sub3A_759 : vector<16xf32>
        tpu.vector_store_idx %arg7[%add3A_758], %mul3A_760 {add = true} : memref<8192xf32, #tpu.memory_space<vmem>>[vector<16xi32>], vector<16xf32>,
        %add3A_761 = arith.constant 28 : i32
        %add3A_762 = vector.broadcast %add3A_761 : i32 to vector<16xi32>
        %add3A_763 = arith.addi %mul3A_38, %add3A_762 : vector<16xi32>
        %gather3A_764 = tpu.vector_load_idx %arg5[%add3A_763] : memref<8192xf32, #tpu.memory_space<vmem>>[vector<16xi32>], vector<16xf32>,
        %add3A_765 = arith.constant 28 : i32
        %add3A_766 = vector.broadcast %add3A_765 : i32 to vector<16xi32>
        %add3A_767 = arith.addi %mul3A_38, %add3A_766 : vector<16xi32>
        %gather3A_768 = tpu.vector_load_idx %arg6[%add3A_767] : memref<8192xf32, #tpu.memory_space<vmem>>[vector<16xi32>], vector<16xf32>,
        %convert_element_type3A_769 = arith.fptosi %gather3A_764 : vector<16xf32> to vector<16xi32>
        %convert_element_type3A_770 = arith.sitofp %convert_element_type3A_769 : vector<16xi32> to vector<16xf32>
        %sub3A_771 = arith.subf %gather3A_764, %convert_element_type3A_770 : vector<16xf32>
        %gt3A_772 = arith.constant 0.000000e+00 : f32
        %gt3A_773 = vector.broadcast %gt3A_772 : f32 to vector<16xf32>
        %gt3A_774 = arith.cmpf ogt, %sub3A_771, %gt3A_773 : vector<16xf32>
        %jit3A_775 = arith.constant 1.000000e+00 : f32
        %jit3A_776 = arith.constant 0.000000e+00 : f32
        %broadcast_in_dim3A_777 = vector.broadcast %jit3A_775 : f32 to vector<16xf32>
        %broadcast_in_dim3A_778 = vector.broadcast %jit3A_776 : f32 to vector<16xf32>
        %select_n3A_779 = arith.select %gt3A_774, %broadcast_in_dim3A_777, %broadcast_in_dim3A_778 : vector<16xi1>, vector<16xf32>
        %convert_element_type3A_780 = arith.fptosi %select_n3A_779 : vector<16xf32> to vector<16xi32>
        %add3A_781 = arith.addi %convert_element_type3A_769, %convert_element_type3A_780 : vector<16xi32>
        %add3A_782 = arith.addi %mul3A_38, %convert_element_type3A_769 : vector<16xi32>
        %mul3A_783 = arith.mulf %gather3A_768, %sub3A_771 : vector<16xf32>
        tpu.vector_store_idx %arg7[%add3A_782], %mul3A_783 {add = true} : memref<8192xf32, #tpu.memory_space<vmem>>[vector<16xi32>], vector<16xf32>,
        %add3A_784 = arith.addi %mul3A_38, %add3A_781 : vector<16xi32>
        %sub3A_785 = arith.subf %select_n3A_779, %sub3A_771 : vector<16xf32>
        %mul3A_786 = arith.mulf %gather3A_768, %sub3A_785 : vector<16xf32>
        tpu.vector_store_idx %arg7[%add3A_784], %mul3A_786 {add = true} : memref<8192xf32, #tpu.memory_space<vmem>>[vector<16xi32>], vector<16xf32>,
        %add3A_787 = arith.constant 29 : i32
        %add3A_788 = vector.broadcast %add3A_787 : i32 to vector<16xi32>
        %add3A_789 = arith.addi %mul3A_38, %add3A_788 : vector<16xi32>
        %gather3A_790 = tpu.vector_load_idx %arg5[%add3A_789] : memref<8192xf32, #tpu.memory_space<vmem>>[vector<16xi32>], vector<16xf32>,
        %add3A_791 = arith.constant 29 : i32
        %add3A_792 = vector.broadcast %add3A_791 : i32 to vector<16xi32>
        %add3A_793 = arith.addi %mul3A_38, %add3A_792 : vector<16xi32>
        %gather3A_794 = tpu.vector_load_idx %arg6[%add3A_793] : memref<8192xf32, #tpu.memory_space<vmem>>[vector<16xi32>], vector<16xf32>,
        %convert_element_type3A_795 = arith.fptosi %gather3A_790 : vector<16xf32> to vector<16xi32>
        %convert_element_type3A_796 = arith.sitofp %convert_element_type3A_795 : vector<16xi32> to vector<16xf32>
        %sub3A_797 = arith.subf %gather3A_790, %convert_element_type3A_796 : vector<16xf32>
        %gt3A_798 = arith.constant 0.000000e+00 : f32
        %gt3A_799 = vector.broadcast %gt3A_798 : f32 to vector<16xf32>
        %gt3A_800 = arith.cmpf ogt, %sub3A_797, %gt3A_799 : vector<16xf32>
        %jit3A_801 = arith.constant 1.000000e+00 : f32
        %jit3A_802 = arith.constant 0.000000e+00 : f32
        %broadcast_in_dim3A_803 = vector.broadcast %jit3A_801 : f32 to vector<16xf32>
        %broadcast_in_dim3A_804 = vector.broadcast %jit3A_802 : f32 to vector<16xf32>
        %select_n3A_805 = arith.select %gt3A_800, %broadcast_in_dim3A_803, %broadcast_in_dim3A_804 : vector<16xi1>, vector<16xf32>
        %convert_element_type3A_806 = arith.fptosi %select_n3A_805 : vector<16xf32> to vector<16xi32>
        %add3A_807 = arith.addi %convert_element_type3A_795, %convert_element_type3A_806 : vector<16xi32>
        %add3A_808 = arith.addi %mul3A_38, %convert_element_type3A_795 : vector<16xi32>
        %mul3A_809 = arith.mulf %gather3A_794, %sub3A_797 : vector<16xf32>
        tpu.vector_store_idx %arg7[%add3A_808], %mul3A_809 {add = true} : memref<8192xf32, #tpu.memory_space<vmem>>[vector<16xi32>], vector<16xf32>,
        %add3A_810 = arith.addi %mul3A_38, %add3A_807 : vector<16xi32>
        %sub3A_811 = arith.subf %select_n3A_805, %sub3A_797 : vector<16xf32>
        %mul3A_812 = arith.mulf %gather3A_794, %sub3A_811 : vector<16xf32>
        tpu.vector_store_idx %arg7[%add3A_810], %mul3A_812 {add = true} : memref<8192xf32, #tpu.memory_space<vmem>>[vector<16xi32>], vector<16xf32>,
        %add3A_813 = arith.constant 30 : i32
        %add3A_814 = vector.broadcast %add3A_813 : i32 to vector<16xi32>
        %add3A_815 = arith.addi %mul3A_38, %add3A_814 : vector<16xi32>
        %gather3A_816 = tpu.vector_load_idx %arg5[%add3A_815] : memref<8192xf32, #tpu.memory_space<vmem>>[vector<16xi32>], vector<16xf32>,
        %add3A_817 = arith.constant 30 : i32
        %add3A_818 = vector.broadcast %add3A_817 : i32 to vector<16xi32>
        %add3A_819 = arith.addi %mul3A_38, %add3A_818 : vector<16xi32>
        %gather3A_820 = tpu.vector_load_idx %arg6[%add3A_819] : memref<8192xf32, #tpu.memory_space<vmem>>[vector<16xi32>], vector<16xf32>,
        %convert_element_type3A_821 = arith.fptosi %gather3A_816 : vector<16xf32> to vector<16xi32>
        %convert_element_type3A_822 = arith.sitofp %convert_element_type3A_821 : vector<16xi32> to vector<16xf32>
        %sub3A_823 = arith.subf %gather3A_816, %convert_element_type3A_822 : vector<16xf32>
        %gt3A_824 = arith.constant 0.000000e+00 : f32
        %gt3A_825 = vector.broadcast %gt3A_824 : f32 to vector<16xf32>
        %gt3A_826 = arith.cmpf ogt, %sub3A_823, %gt3A_825 : vector<16xf32>
        %jit3A_827 = arith.constant 1.000000e+00 : f32
        %jit3A_828 = arith.constant 0.000000e+00 : f32
        %broadcast_in_dim3A_829 = vector.broadcast %jit3A_827 : f32 to vector<16xf32>
        %broadcast_in_dim3A_830 = vector.broadcast %jit3A_828 : f32 to vector<16xf32>
        %select_n3A_831 = arith.select %gt3A_826, %broadcast_in_dim3A_829, %broadcast_in_dim3A_830 : vector<16xi1>, vector<16xf32>
        %convert_element_type3A_832 = arith.fptosi %select_n3A_831 : vector<16xf32> to vector<16xi32>
        %add3A_833 = arith.addi %convert_element_type3A_821, %convert_element_type3A_832 : vector<16xi32>
        %add3A_834 = arith.addi %mul3A_38, %convert_element_type3A_821 : vector<16xi32>
        %mul3A_835 = arith.mulf %gather3A_820, %sub3A_823 : vector<16xf32>
        tpu.vector_store_idx %arg7[%add3A_834], %mul3A_835 {add = true} : memref<8192xf32, #tpu.memory_space<vmem>>[vector<16xi32>], vector<16xf32>,
        %add3A_836 = arith.addi %mul3A_38, %add3A_833 : vector<16xi32>
        %sub3A_837 = arith.subf %select_n3A_831, %sub3A_823 : vector<16xf32>
        %mul3A_838 = arith.mulf %gather3A_820, %sub3A_837 : vector<16xf32>
        tpu.vector_store_idx %arg7[%add3A_836], %mul3A_838 {add = true} : memref<8192xf32, #tpu.memory_space<vmem>>[vector<16xi32>], vector<16xf32>,
        %add3A_839 = arith.constant 31 : i32
        %add3A_840 = vector.broadcast %add3A_839 : i32 to vector<16xi32>
        %add3A_841 = arith.addi %mul3A_38, %add3A_840 : vector<16xi32>
        %gather3A_842 = tpu.vector_load_idx %arg5[%add3A_841] : memref<8192xf32, #tpu.memory_space<vmem>>[vector<16xi32>], vector<16xf32>,
        %add3A_843 = arith.constant 31 : i32
        %add3A_844 = vector.broadcast %add3A_843 : i32 to vector<16xi32>
        %add3A_845 = arith.addi %mul3A_38, %add3A_844 : vector<16xi32>
        %gather3A_846 = tpu.vector_load_idx %arg6[%add3A_845] : memref<8192xf32, #tpu.memory_space<vmem>>[vector<16xi32>], vector<16xf32>,
        %convert_element_type3A_847 = arith.fptosi %gather3A_842 : vector<16xf32> to vector<16xi32>
        %convert_element_type3A_848 = arith.sitofp %convert_element_type3A_847 : vector<16xi32> to vector<16xf32>
        %sub3A_849 = arith.subf %gather3A_842, %convert_element_type3A_848 : vector<16xf32>
        %gt3A_850 = arith.constant 0.000000e+00 : f32
        %gt3A_851 = vector.broadcast %gt3A_850 : f32 to vector<16xf32>
        %gt3A_852 = arith.cmpf ogt, %sub3A_849, %gt3A_851 : vector<16xf32>
        %jit3A_853 = arith.constant 1.000000e+00 : f32
        %jit3A_854 = arith.constant 0.000000e+00 : f32
        %broadcast_in_dim3A_855 = vector.broadcast %jit3A_853 : f32 to vector<16xf32>
        %broadcast_in_dim3A_856 = vector.broadcast %jit3A_854 : f32 to vector<16xf32>
        %select_n3A_857 = arith.select %gt3A_852, %broadcast_in_dim3A_855, %broadcast_in_dim3A_856 : vector<16xi1>, vector<16xf32>
        %convert_element_type3A_858 = arith.fptosi %select_n3A_857 : vector<16xf32> to vector<16xi32>
        %add3A_859 = arith.addi %convert_element_type3A_847, %convert_element_type3A_858 : vector<16xi32>
        %add3A_860 = arith.addi %mul3A_38, %convert_element_type3A_847 : vector<16xi32>
        %mul3A_861 = arith.mulf %gather3A_846, %sub3A_849 : vector<16xf32>
        tpu.vector_store_idx %arg7[%add3A_860], %mul3A_861 {add = true} : memref<8192xf32, #tpu.memory_space<vmem>>[vector<16xi32>], vector<16xf32>,
        %add3A_862 = arith.addi %mul3A_38, %add3A_859 : vector<16xi32>
        %sub3A_863 = arith.subf %select_n3A_857, %sub3A_849 : vector<16xf32>
        %mul3A_864 = arith.mulf %gather3A_846, %sub3A_863 : vector<16xf32>
        tpu.vector_store_idx %arg7[%add3A_862], %mul3A_864 {add = true} : memref<8192xf32, #tpu.memory_space<vmem>>[vector<16xi32>], vector<16xf32>,
        %add3A_865 = arith.constant 32 : i32
        %add3A_866 = vector.broadcast %add3A_865 : i32 to vector<16xi32>
        %add3A_867 = arith.addi %mul3A_38, %add3A_866 : vector<16xi32>
        %gather3A_868 = tpu.vector_load_idx %arg5[%add3A_867] : memref<8192xf32, #tpu.memory_space<vmem>>[vector<16xi32>], vector<16xf32>,
        %add3A_869 = arith.constant 32 : i32
        %add3A_870 = vector.broadcast %add3A_869 : i32 to vector<16xi32>
        %add3A_871 = arith.addi %mul3A_38, %add3A_870 : vector<16xi32>
        %gather3A_872 = tpu.vector_load_idx %arg6[%add3A_871] : memref<8192xf32, #tpu.memory_space<vmem>>[vector<16xi32>], vector<16xf32>,
        %convert_element_type3A_873 = arith.fptosi %gather3A_868 : vector<16xf32> to vector<16xi32>
        %convert_element_type3A_874 = arith.sitofp %convert_element_type3A_873 : vector<16xi32> to vector<16xf32>
        %sub3A_875 = arith.subf %gather3A_868, %convert_element_type3A_874 : vector<16xf32>
        %gt3A_876 = arith.constant 0.000000e+00 : f32
        %gt3A_877 = vector.broadcast %gt3A_876 : f32 to vector<16xf32>
        %gt3A_878 = arith.cmpf ogt, %sub3A_875, %gt3A_877 : vector<16xf32>
        %jit3A_879 = arith.constant 1.000000e+00 : f32
        %jit3A_880 = arith.constant 0.000000e+00 : f32
        %broadcast_in_dim3A_881 = vector.broadcast %jit3A_879 : f32 to vector<16xf32>
        %broadcast_in_dim3A_882 = vector.broadcast %jit3A_880 : f32 to vector<16xf32>
        %select_n3A_883 = arith.select %gt3A_878, %broadcast_in_dim3A_881, %broadcast_in_dim3A_882 : vector<16xi1>, vector<16xf32>
        %convert_element_type3A_884 = arith.fptosi %select_n3A_883 : vector<16xf32> to vector<16xi32>
        %add3A_885 = arith.addi %convert_element_type3A_873, %convert_element_type3A_884 : vector<16xi32>
        %add3A_886 = arith.addi %mul3A_38, %convert_element_type3A_873 : vector<16xi32>
        %mul3A_887 = arith.mulf %gather3A_872, %sub3A_875 : vector<16xf32>
        tpu.vector_store_idx %arg7[%add3A_886], %mul3A_887 {add = true} : memref<8192xf32, #tpu.memory_space<vmem>>[vector<16xi32>], vector<16xf32>,
        %add3A_888 = arith.addi %mul3A_38, %add3A_885 : vector<16xi32>
        %sub3A_889 = arith.subf %select_n3A_883, %sub3A_875 : vector<16xf32>
        %mul3A_890 = arith.mulf %gather3A_872, %sub3A_889 : vector<16xf32>
        tpu.vector_store_idx %arg7[%add3A_888], %mul3A_890 {add = true} : memref<8192xf32, #tpu.memory_space<vmem>>[vector<16xi32>], vector<16xf32>,
        %add3A_891 = arith.constant 33 : i32
        %add3A_892 = vector.broadcast %add3A_891 : i32 to vector<16xi32>
        %add3A_893 = arith.addi %mul3A_38, %add3A_892 : vector<16xi32>
        %gather3A_894 = tpu.vector_load_idx %arg5[%add3A_893] : memref<8192xf32, #tpu.memory_space<vmem>>[vector<16xi32>], vector<16xf32>,
        %add3A_895 = arith.constant 33 : i32
        %add3A_896 = vector.broadcast %add3A_895 : i32 to vector<16xi32>
        %add3A_897 = arith.addi %mul3A_38, %add3A_896 : vector<16xi32>
        %gather3A_898 = tpu.vector_load_idx %arg6[%add3A_897] : memref<8192xf32, #tpu.memory_space<vmem>>[vector<16xi32>], vector<16xf32>,
        %convert_element_type3A_899 = arith.fptosi %gather3A_894 : vector<16xf32> to vector<16xi32>
        %convert_element_type3A_900 = arith.sitofp %convert_element_type3A_899 : vector<16xi32> to vector<16xf32>
        %sub3A_901 = arith.subf %gather3A_894, %convert_element_type3A_900 : vector<16xf32>
        %gt3A_902 = arith.constant 0.000000e+00 : f32
        %gt3A_903 = vector.broadcast %gt3A_902 : f32 to vector<16xf32>
        %gt3A_904 = arith.cmpf ogt, %sub3A_901, %gt3A_903 : vector<16xf32>
        %jit3A_905 = arith.constant 1.000000e+00 : f32
        %jit3A_906 = arith.constant 0.000000e+00 : f32
        %broadcast_in_dim3A_907 = vector.broadcast %jit3A_905 : f32 to vector<16xf32>
        %broadcast_in_dim3A_908 = vector.broadcast %jit3A_906 : f32 to vector<16xf32>
        %select_n3A_909 = arith.select %gt3A_904, %broadcast_in_dim3A_907, %broadcast_in_dim3A_908 : vector<16xi1>, vector<16xf32>
        %convert_element_type3A_910 = arith.fptosi %select_n3A_909 : vector<16xf32> to vector<16xi32>
        %add3A_911 = arith.addi %convert_element_type3A_899, %convert_element_type3A_910 : vector<16xi32>
        %add3A_912 = arith.addi %mul3A_38, %convert_element_type3A_899 : vector<16xi32>
        %mul3A_913 = arith.mulf %gather3A_898, %sub3A_901 : vector<16xf32>
        tpu.vector_store_idx %arg7[%add3A_912], %mul3A_913 {add = true} : memref<8192xf32, #tpu.memory_space<vmem>>[vector<16xi32>], vector<16xf32>,
        %add3A_914 = arith.addi %mul3A_38, %add3A_911 : vector<16xi32>
        %sub3A_915 = arith.subf %select_n3A_909, %sub3A_901 : vector<16xf32>
        %mul3A_916 = arith.mulf %gather3A_898, %sub3A_915 : vector<16xf32>
        tpu.vector_store_idx %arg7[%add3A_914], %mul3A_916 {add = true} : memref<8192xf32, #tpu.memory_space<vmem>>[vector<16xi32>], vector<16xf32>,
        %add3A_917 = arith.constant 34 : i32
        %add3A_918 = vector.broadcast %add3A_917 : i32 to vector<16xi32>
        %add3A_919 = arith.addi %mul3A_38, %add3A_918 : vector<16xi32>
        %gather3A_920 = tpu.vector_load_idx %arg5[%add3A_919] : memref<8192xf32, #tpu.memory_space<vmem>>[vector<16xi32>], vector<16xf32>,
        %add3A_921 = arith.constant 34 : i32
        %add3A_922 = vector.broadcast %add3A_921 : i32 to vector<16xi32>
        %add3A_923 = arith.addi %mul3A_38, %add3A_922 : vector<16xi32>
        %gather3A_924 = tpu.vector_load_idx %arg6[%add3A_923] : memref<8192xf32, #tpu.memory_space<vmem>>[vector<16xi32>], vector<16xf32>,
        %convert_element_type3A_925 = arith.fptosi %gather3A_920 : vector<16xf32> to vector<16xi32>
        %convert_element_type3A_926 = arith.sitofp %convert_element_type3A_925 : vector<16xi32> to vector<16xf32>
        %sub3A_927 = arith.subf %gather3A_920, %convert_element_type3A_926 : vector<16xf32>
        %gt3A_928 = arith.constant 0.000000e+00 : f32
        %gt3A_929 = vector.broadcast %gt3A_928 : f32 to vector<16xf32>
        %gt3A_930 = arith.cmpf ogt, %sub3A_927, %gt3A_929 : vector<16xf32>
        %jit3A_931 = arith.constant 1.000000e+00 : f32
        %jit3A_932 = arith.constant 0.000000e+00 : f32
        %broadcast_in_dim3A_933 = vector.broadcast %jit3A_931 : f32 to vector<16xf32>
        %broadcast_in_dim3A_934 = vector.broadcast %jit3A_932 : f32 to vector<16xf32>
        %select_n3A_935 = arith.select %gt3A_930, %broadcast_in_dim3A_933, %broadcast_in_dim3A_934 : vector<16xi1>, vector<16xf32>
        %convert_element_type3A_936 = arith.fptosi %select_n3A_935 : vector<16xf32> to vector<16xi32>
        %add3A_937 = arith.addi %convert_element_type3A_925, %convert_element_type3A_936 : vector<16xi32>
        %add3A_938 = arith.addi %mul3A_38, %convert_element_type3A_925 : vector<16xi32>
        %mul3A_939 = arith.mulf %gather3A_924, %sub3A_927 : vector<16xf32>
        tpu.vector_store_idx %arg7[%add3A_938], %mul3A_939 {add = true} : memref<8192xf32, #tpu.memory_space<vmem>>[vector<16xi32>], vector<16xf32>,
        %add3A_940 = arith.addi %mul3A_38, %add3A_937 : vector<16xi32>
        %sub3A_941 = arith.subf %select_n3A_935, %sub3A_927 : vector<16xf32>
        %mul3A_942 = arith.mulf %gather3A_924, %sub3A_941 : vector<16xf32>
        tpu.vector_store_idx %arg7[%add3A_940], %mul3A_942 {add = true} : memref<8192xf32, #tpu.memory_space<vmem>>[vector<16xi32>], vector<16xf32>,
        %add3A_943 = arith.constant 35 : i32
        %add3A_944 = vector.broadcast %add3A_943 : i32 to vector<16xi32>
        %add3A_945 = arith.addi %mul3A_38, %add3A_944 : vector<16xi32>
        %gather3A_946 = tpu.vector_load_idx %arg5[%add3A_945] : memref<8192xf32, #tpu.memory_space<vmem>>[vector<16xi32>], vector<16xf32>,
        %add3A_947 = arith.constant 35 : i32
        %add3A_948 = vector.broadcast %add3A_947 : i32 to vector<16xi32>
        %add3A_949 = arith.addi %mul3A_38, %add3A_948 : vector<16xi32>
        %gather3A_950 = tpu.vector_load_idx %arg6[%add3A_949] : memref<8192xf32, #tpu.memory_space<vmem>>[vector<16xi32>], vector<16xf32>,
        %convert_element_type3A_951 = arith.fptosi %gather3A_946 : vector<16xf32> to vector<16xi32>
        %convert_element_type3A_952 = arith.sitofp %convert_element_type3A_951 : vector<16xi32> to vector<16xf32>
        %sub3A_953 = arith.subf %gather3A_946, %convert_element_type3A_952 : vector<16xf32>
        %gt3A_954 = arith.constant 0.000000e+00 : f32
        %gt3A_955 = vector.broadcast %gt3A_954 : f32 to vector<16xf32>
        %gt3A_956 = arith.cmpf ogt, %sub3A_953, %gt3A_955 : vector<16xf32>
        %jit3A_957 = arith.constant 1.000000e+00 : f32
        %jit3A_958 = arith.constant 0.000000e+00 : f32
        %broadcast_in_dim3A_959 = vector.broadcast %jit3A_957 : f32 to vector<16xf32>
        %broadcast_in_dim3A_960 = vector.broadcast %jit3A_958 : f32 to vector<16xf32>
        %select_n3A_961 = arith.select %gt3A_956, %broadcast_in_dim3A_959, %broadcast_in_dim3A_960 : vector<16xi1>, vector<16xf32>
        %convert_element_type3A_962 = arith.fptosi %select_n3A_961 : vector<16xf32> to vector<16xi32>
        %add3A_963 = arith.addi %convert_element_type3A_951, %convert_element_type3A_962 : vector<16xi32>
        %add3A_964 = arith.addi %mul3A_38, %convert_element_type3A_951 : vector<16xi32>
        %mul3A_965 = arith.mulf %gather3A_950, %sub3A_953 : vector<16xf32>
        tpu.vector_store_idx %arg7[%add3A_964], %mul3A_965 {add = true} : memref<8192xf32, #tpu.memory_space<vmem>>[vector<16xi32>], vector<16xf32>,
        %add3A_966 = arith.addi %mul3A_38, %add3A_963 : vector<16xi32>
        %sub3A_967 = arith.subf %select_n3A_961, %sub3A_953 : vector<16xf32>
        %mul3A_968 = arith.mulf %gather3A_950, %sub3A_967 : vector<16xf32>
        tpu.vector_store_idx %arg7[%add3A_966], %mul3A_968 {add = true} : memref<8192xf32, #tpu.memory_space<vmem>>[vector<16xi32>], vector<16xf32>,
        %add3A_969 = arith.constant 36 : i32
        %add3A_970 = vector.broadcast %add3A_969 : i32 to vector<16xi32>
        %add3A_971 = arith.addi %mul3A_38, %add3A_970 : vector<16xi32>
        %gather3A_972 = tpu.vector_load_idx %arg5[%add3A_971] : memref<8192xf32, #tpu.memory_space<vmem>>[vector<16xi32>], vector<16xf32>,
        %add3A_973 = arith.constant 36 : i32
        %add3A_974 = vector.broadcast %add3A_973 : i32 to vector<16xi32>
        %add3A_975 = arith.addi %mul3A_38, %add3A_974 : vector<16xi32>
        %gather3A_976 = tpu.vector_load_idx %arg6[%add3A_975] : memref<8192xf32, #tpu.memory_space<vmem>>[vector<16xi32>], vector<16xf32>,
        %convert_element_type3A_977 = arith.fptosi %gather3A_972 : vector<16xf32> to vector<16xi32>
        %convert_element_type3A_978 = arith.sitofp %convert_element_type3A_977 : vector<16xi32> to vector<16xf32>
        %sub3A_979 = arith.subf %gather3A_972, %convert_element_type3A_978 : vector<16xf32>
        %gt3A_980 = arith.constant 0.000000e+00 : f32
        %gt3A_981 = vector.broadcast %gt3A_980 : f32 to vector<16xf32>
        %gt3A_982 = arith.cmpf ogt, %sub3A_979, %gt3A_981 : vector<16xf32>
        %jit3A_983 = arith.constant 1.000000e+00 : f32
        %jit3A_984 = arith.constant 0.000000e+00 : f32
        %broadcast_in_dim3A_985 = vector.broadcast %jit3A_983 : f32 to vector<16xf32>
        %broadcast_in_dim3A_986 = vector.broadcast %jit3A_984 : f32 to vector<16xf32>
        %select_n3A_987 = arith.select %gt3A_982, %broadcast_in_dim3A_985, %broadcast_in_dim3A_986 : vector<16xi1>, vector<16xf32>
        %convert_element_type3A_988 = arith.fptosi %select_n3A_987 : vector<16xf32> to vector<16xi32>
        %add3A_989 = arith.addi %convert_element_type3A_977, %convert_element_type3A_988 : vector<16xi32>
        %add3A_990 = arith.addi %mul3A_38, %convert_element_type3A_977 : vector<16xi32>
        %mul3A_991 = arith.mulf %gather3A_976, %sub3A_979 : vector<16xf32>
        tpu.vector_store_idx %arg7[%add3A_990], %mul3A_991 {add = true} : memref<8192xf32, #tpu.memory_space<vmem>>[vector<16xi32>], vector<16xf32>,
        %add3A_992 = arith.addi %mul3A_38, %add3A_989 : vector<16xi32>
        %sub3A_993 = arith.subf %select_n3A_987, %sub3A_979 : vector<16xf32>
        %mul3A_994 = arith.mulf %gather3A_976, %sub3A_993 : vector<16xf32>
        tpu.vector_store_idx %arg7[%add3A_992], %mul3A_994 {add = true} : memref<8192xf32, #tpu.memory_space<vmem>>[vector<16xi32>], vector<16xf32>,
        %add3A_995 = arith.constant 37 : i32
        %add3A_996 = vector.broadcast %add3A_995 : i32 to vector<16xi32>
        %add3A_997 = arith.addi %mul3A_38, %add3A_996 : vector<16xi32>
        %gather3A_998 = tpu.vector_load_idx %arg5[%add3A_997] : memref<8192xf32, #tpu.memory_space<vmem>>[vector<16xi32>], vector<16xf32>,
        %add3A_999 = arith.constant 37 : i32
        %add3A_1000 = vector.broadcast %add3A_999 : i32 to vector<16xi32>
        %add3A_1001 = arith.addi %mul3A_38, %add3A_1000 : vector<16xi32>
        %gather3A_1002 = tpu.vector_load_idx %arg6[%add3A_1001] : memref<8192xf32, #tpu.memory_space<vmem>>[vector<16xi32>], vector<16xf32>,
        %convert_element_type3A_1003 = arith.fptosi %gather3A_998 : vector<16xf32> to vector<16xi32>
        %convert_element_type3A_1004 = arith.sitofp %convert_element_type3A_1003 : vector<16xi32> to vector<16xf32>
        %sub3A_1005 = arith.subf %gather3A_998, %convert_element_type3A_1004 : vector<16xf32>
        %gt3A_1006 = arith.constant 0.000000e+00 : f32
        %gt3A_1007 = vector.broadcast %gt3A_1006 : f32 to vector<16xf32>
        %gt3A_1008 = arith.cmpf ogt, %sub3A_1005, %gt3A_1007 : vector<16xf32>
        %jit3A_1009 = arith.constant 1.000000e+00 : f32
        %jit3A_1010 = arith.constant 0.000000e+00 : f32
        %broadcast_in_dim3A_1011 = vector.broadcast %jit3A_1009 : f32 to vector<16xf32>
        %broadcast_in_dim3A_1012 = vector.broadcast %jit3A_1010 : f32 to vector<16xf32>
        %select_n3A_1013 = arith.select %gt3A_1008, %broadcast_in_dim3A_1011, %broadcast_in_dim3A_1012 : vector<16xi1>, vector<16xf32>
        %convert_element_type3A_1014 = arith.fptosi %select_n3A_1013 : vector<16xf32> to vector<16xi32>
        %add3A_1015 = arith.addi %convert_element_type3A_1003, %convert_element_type3A_1014 : vector<16xi32>
        %add3A_1016 = arith.addi %mul3A_38, %convert_element_type3A_1003 : vector<16xi32>
        %mul3A_1017 = arith.mulf %gather3A_1002, %sub3A_1005 : vector<16xf32>
        tpu.vector_store_idx %arg7[%add3A_1016], %mul3A_1017 {add = true} : memref<8192xf32, #tpu.memory_space<vmem>>[vector<16xi32>], vector<16xf32>,
        %add3A_1018 = arith.addi %mul3A_38, %add3A_1015 : vector<16xi32>
        %sub3A_1019 = arith.subf %select_n3A_1013, %sub3A_1005 : vector<16xf32>
        %mul3A_1020 = arith.mulf %gather3A_1002, %sub3A_1019 : vector<16xf32>
        tpu.vector_store_idx %arg7[%add3A_1018], %mul3A_1020 {add = true} : memref<8192xf32, #tpu.memory_space<vmem>>[vector<16xi32>], vector<16xf32>,
        %add3A_1021 = arith.constant 38 : i32
        %add3A_1022 = vector.broadcast %add3A_1021 : i32 to vector<16xi32>
        %add3A_1023 = arith.addi %mul3A_38, %add3A_1022 : vector<16xi32>
        %gather3A_1024 = tpu.vector_load_idx %arg5[%add3A_1023] : memref<8192xf32, #tpu.memory_space<vmem>>[vector<16xi32>], vector<16xf32>,
        %add3A_1025 = arith.constant 38 : i32
        %add3A_1026 = vector.broadcast %add3A_1025 : i32 to vector<16xi32>
        %add3A_1027 = arith.addi %mul3A_38, %add3A_1026 : vector<16xi32>
        %gather3A_1028 = tpu.vector_load_idx %arg6[%add3A_1027] : memref<8192xf32, #tpu.memory_space<vmem>>[vector<16xi32>], vector<16xf32>,
        %convert_element_type3A_1029 = arith.fptosi %gather3A_1024 : vector<16xf32> to vector<16xi32>
        %convert_element_type3A_1030 = arith.sitofp %convert_element_type3A_1029 : vector<16xi32> to vector<16xf32>
        %sub3A_1031 = arith.subf %gather3A_1024, %convert_element_type3A_1030 : vector<16xf32>
        %gt3A_1032 = arith.constant 0.000000e+00 : f32
        %gt3A_1033 = vector.broadcast %gt3A_1032 : f32 to vector<16xf32>
        %gt3A_1034 = arith.cmpf ogt, %sub3A_1031, %gt3A_1033 : vector<16xf32>
        %jit3A_1035 = arith.constant 1.000000e+00 : f32
        %jit3A_1036 = arith.constant 0.000000e+00 : f32
        %broadcast_in_dim3A_1037 = vector.broadcast %jit3A_1035 : f32 to vector<16xf32>
        %broadcast_in_dim3A_1038 = vector.broadcast %jit3A_1036 : f32 to vector<16xf32>
        %select_n3A_1039 = arith.select %gt3A_1034, %broadcast_in_dim3A_1037, %broadcast_in_dim3A_1038 : vector<16xi1>, vector<16xf32>
        %convert_element_type3A_1040 = arith.fptosi %select_n3A_1039 : vector<16xf32> to vector<16xi32>
        %add3A_1041 = arith.addi %convert_element_type3A_1029, %convert_element_type3A_1040 : vector<16xi32>
        %add3A_1042 = arith.addi %mul3A_38, %convert_element_type3A_1029 : vector<16xi32>
        %mul3A_1043 = arith.mulf %gather3A_1028, %sub3A_1031 : vector<16xf32>
        tpu.vector_store_idx %arg7[%add3A_1042], %mul3A_1043 {add = true} : memref<8192xf32, #tpu.memory_space<vmem>>[vector<16xi32>], vector<16xf32>,
        %add3A_1044 = arith.addi %mul3A_38, %add3A_1041 : vector<16xi32>
        %sub3A_1045 = arith.subf %select_n3A_1039, %sub3A_1031 : vector<16xf32>
        %mul3A_1046 = arith.mulf %gather3A_1028, %sub3A_1045 : vector<16xf32>
        tpu.vector_store_idx %arg7[%add3A_1044], %mul3A_1046 {add = true} : memref<8192xf32, #tpu.memory_space<vmem>>[vector<16xi32>], vector<16xf32>,
        %add3A_1047 = arith.constant 39 : i32
        %add3A_1048 = vector.broadcast %add3A_1047 : i32 to vector<16xi32>
        %add3A_1049 = arith.addi %mul3A_38, %add3A_1048 : vector<16xi32>
        %gather3A_1050 = tpu.vector_load_idx %arg5[%add3A_1049] : memref<8192xf32, #tpu.memory_space<vmem>>[vector<16xi32>], vector<16xf32>,
        %add3A_1051 = arith.constant 39 : i32
        %add3A_1052 = vector.broadcast %add3A_1051 : i32 to vector<16xi32>
        %add3A_1053 = arith.addi %mul3A_38, %add3A_1052 : vector<16xi32>
        %gather3A_1054 = tpu.vector_load_idx %arg6[%add3A_1053] : memref<8192xf32, #tpu.memory_space<vmem>>[vector<16xi32>], vector<16xf32>,
        %convert_element_type3A_1055 = arith.fptosi %gather3A_1050 : vector<16xf32> to vector<16xi32>
        %convert_element_type3A_1056 = arith.sitofp %convert_element_type3A_1055 : vector<16xi32> to vector<16xf32>
        %sub3A_1057 = arith.subf %gather3A_1050, %convert_element_type3A_1056 : vector<16xf32>
        %gt3A_1058 = arith.constant 0.000000e+00 : f32
        %gt3A_1059 = vector.broadcast %gt3A_1058 : f32 to vector<16xf32>
        %gt3A_1060 = arith.cmpf ogt, %sub3A_1057, %gt3A_1059 : vector<16xf32>
        %jit3A_1061 = arith.constant 1.000000e+00 : f32
        %jit3A_1062 = arith.constant 0.000000e+00 : f32
        %broadcast_in_dim3A_1063 = vector.broadcast %jit3A_1061 : f32 to vector<16xf32>
        %broadcast_in_dim3A_1064 = vector.broadcast %jit3A_1062 : f32 to vector<16xf32>
        %select_n3A_1065 = arith.select %gt3A_1060, %broadcast_in_dim3A_1063, %broadcast_in_dim3A_1064 : vector<16xi1>, vector<16xf32>
        %convert_element_type3A_1066 = arith.fptosi %select_n3A_1065 : vector<16xf32> to vector<16xi32>
        %add3A_1067 = arith.addi %convert_element_type3A_1055, %convert_element_type3A_1066 : vector<16xi32>
        %add3A_1068 = arith.addi %mul3A_38, %convert_element_type3A_1055 : vector<16xi32>
        %mul3A_1069 = arith.mulf %gather3A_1054, %sub3A_1057 : vector<16xf32>
        tpu.vector_store_idx %arg7[%add3A_1068], %mul3A_1069 {add = true} : memref<8192xf32, #tpu.memory_space<vmem>>[vector<16xi32>], vector<16xf32>,
        %add3A_1070 = arith.addi %mul3A_38, %add3A_1067 : vector<16xi32>
        %sub3A_1071 = arith.subf %select_n3A_1065, %sub3A_1057 : vector<16xf32>
        %mul3A_1072 = arith.mulf %gather3A_1054, %sub3A_1071 : vector<16xf32>
        tpu.vector_store_idx %arg7[%add3A_1070], %mul3A_1072 {add = true} : memref<8192xf32, #tpu.memory_space<vmem>>[vector<16xi32>], vector<16xf32>,
        %add3A_1073 = arith.constant 40 : i32
        %add3A_1074 = vector.broadcast %add3A_1073 : i32 to vector<16xi32>
        %add3A_1075 = arith.addi %mul3A_38, %add3A_1074 : vector<16xi32>
        %gather3A_1076 = tpu.vector_load_idx %arg5[%add3A_1075] : memref<8192xf32, #tpu.memory_space<vmem>>[vector<16xi32>], vector<16xf32>,
        %add3A_1077 = arith.constant 40 : i32
        %add3A_1078 = vector.broadcast %add3A_1077 : i32 to vector<16xi32>
        %add3A_1079 = arith.addi %mul3A_38, %add3A_1078 : vector<16xi32>
        %gather3A_1080 = tpu.vector_load_idx %arg6[%add3A_1079] : memref<8192xf32, #tpu.memory_space<vmem>>[vector<16xi32>], vector<16xf32>,
        %convert_element_type3A_1081 = arith.fptosi %gather3A_1076 : vector<16xf32> to vector<16xi32>
        %convert_element_type3A_1082 = arith.sitofp %convert_element_type3A_1081 : vector<16xi32> to vector<16xf32>
        %sub3A_1083 = arith.subf %gather3A_1076, %convert_element_type3A_1082 : vector<16xf32>
        %gt3A_1084 = arith.constant 0.000000e+00 : f32
        %gt3A_1085 = vector.broadcast %gt3A_1084 : f32 to vector<16xf32>
        %gt3A_1086 = arith.cmpf ogt, %sub3A_1083, %gt3A_1085 : vector<16xf32>
        %jit3A_1087 = arith.constant 1.000000e+00 : f32
        %jit3A_1088 = arith.constant 0.000000e+00 : f32
        %broadcast_in_dim3A_1089 = vector.broadcast %jit3A_1087 : f32 to vector<16xf32>
        %broadcast_in_dim3A_1090 = vector.broadcast %jit3A_1088 : f32 to vector<16xf32>
        %select_n3A_1091 = arith.select %gt3A_1086, %broadcast_in_dim3A_1089, %broadcast_in_dim3A_1090 : vector<16xi1>, vector<16xf32>
        %convert_element_type3A_1092 = arith.fptosi %select_n3A_1091 : vector<16xf32> to vector<16xi32>
        %add3A_1093 = arith.addi %convert_element_type3A_1081, %convert_element_type3A_1092 : vector<16xi32>
        %add3A_1094 = arith.addi %mul3A_38, %convert_element_type3A_1081 : vector<16xi32>
        %mul3A_1095 = arith.mulf %gather3A_1080, %sub3A_1083 : vector<16xf32>
        tpu.vector_store_idx %arg7[%add3A_1094], %mul3A_1095 {add = true} : memref<8192xf32, #tpu.memory_space<vmem>>[vector<16xi32>], vector<16xf32>,
        %add3A_1096 = arith.addi %mul3A_38, %add3A_1093 : vector<16xi32>
        %sub3A_1097 = arith.subf %select_n3A_1091, %sub3A_1083 : vector<16xf32>
        %mul3A_1098 = arith.mulf %gather3A_1080, %sub3A_1097 : vector<16xf32>
        tpu.vector_store_idx %arg7[%add3A_1096], %mul3A_1098 {add = true} : memref<8192xf32, #tpu.memory_space<vmem>>[vector<16xi32>], vector<16xf32>,
        %add3A_1099 = arith.constant 41 : i32
        %add3A_1100 = vector.broadcast %add3A_1099 : i32 to vector<16xi32>
        %add3A_1101 = arith.addi %mul3A_38, %add3A_1100 : vector<16xi32>
        %gather3A_1102 = tpu.vector_load_idx %arg5[%add3A_1101] : memref<8192xf32, #tpu.memory_space<vmem>>[vector<16xi32>], vector<16xf32>,
        %add3A_1103 = arith.constant 41 : i32
        %add3A_1104 = vector.broadcast %add3A_1103 : i32 to vector<16xi32>
        %add3A_1105 = arith.addi %mul3A_38, %add3A_1104 : vector<16xi32>
        %gather3A_1106 = tpu.vector_load_idx %arg6[%add3A_1105] : memref<8192xf32, #tpu.memory_space<vmem>>[vector<16xi32>], vector<16xf32>,
        %convert_element_type3A_1107 = arith.fptosi %gather3A_1102 : vector<16xf32> to vector<16xi32>
        %convert_element_type3A_1108 = arith.sitofp %convert_element_type3A_1107 : vector<16xi32> to vector<16xf32>
        %sub3A_1109 = arith.subf %gather3A_1102, %convert_element_type3A_1108 : vector<16xf32>
        %gt3A_1110 = arith.constant 0.000000e+00 : f32
        %gt3A_1111 = vector.broadcast %gt3A_1110 : f32 to vector<16xf32>
        %gt3A_1112 = arith.cmpf ogt, %sub3A_1109, %gt3A_1111 : vector<16xf32>
        %jit3A_1113 = arith.constant 1.000000e+00 : f32
        %jit3A_1114 = arith.constant 0.000000e+00 : f32
        %broadcast_in_dim3A_1115 = vector.broadcast %jit3A_1113 : f32 to vector<16xf32>
        %broadcast_in_dim3A_1116 = vector.broadcast %jit3A_1114 : f32 to vector<16xf32>
        %select_n3A_1117 = arith.select %gt3A_1112, %broadcast_in_dim3A_1115, %broadcast_in_dim3A_1116 : vector<16xi1>, vector<16xf32>
        %convert_element_type3A_1118 = arith.fptosi %select_n3A_1117 : vector<16xf32> to vector<16xi32>
        %add3A_1119 = arith.addi %convert_element_type3A_1107, %convert_element_type3A_1118 : vector<16xi32>
        %add3A_1120 = arith.addi %mul3A_38, %convert_element_type3A_1107 : vector<16xi32>
        %mul3A_1121 = arith.mulf %gather3A_1106, %sub3A_1109 : vector<16xf32>
        tpu.vector_store_idx %arg7[%add3A_1120], %mul3A_1121 {add = true} : memref<8192xf32, #tpu.memory_space<vmem>>[vector<16xi32>], vector<16xf32>,
        %add3A_1122 = arith.addi %mul3A_38, %add3A_1119 : vector<16xi32>
        %sub3A_1123 = arith.subf %select_n3A_1117, %sub3A_1109 : vector<16xf32>
        %mul3A_1124 = arith.mulf %gather3A_1106, %sub3A_1123 : vector<16xf32>
        tpu.vector_store_idx %arg7[%add3A_1122], %mul3A_1124 {add = true} : memref<8192xf32, #tpu.memory_space<vmem>>[vector<16xi32>], vector<16xf32>,
        %add3A_1125 = arith.constant 42 : i32
        %add3A_1126 = vector.broadcast %add3A_1125 : i32 to vector<16xi32>
        %add3A_1127 = arith.addi %mul3A_38, %add3A_1126 : vector<16xi32>
        %gather3A_1128 = tpu.vector_load_idx %arg5[%add3A_1127] : memref<8192xf32, #tpu.memory_space<vmem>>[vector<16xi32>], vector<16xf32>,
        %add3A_1129 = arith.constant 42 : i32
        %add3A_1130 = vector.broadcast %add3A_1129 : i32 to vector<16xi32>
        %add3A_1131 = arith.addi %mul3A_38, %add3A_1130 : vector<16xi32>
        %gather3A_1132 = tpu.vector_load_idx %arg6[%add3A_1131] : memref<8192xf32, #tpu.memory_space<vmem>>[vector<16xi32>], vector<16xf32>,
        %convert_element_type3A_1133 = arith.fptosi %gather3A_1128 : vector<16xf32> to vector<16xi32>
        %convert_element_type3A_1134 = arith.sitofp %convert_element_type3A_1133 : vector<16xi32> to vector<16xf32>
        %sub3A_1135 = arith.subf %gather3A_1128, %convert_element_type3A_1134 : vector<16xf32>
        %gt3A_1136 = arith.constant 0.000000e+00 : f32
        %gt3A_1137 = vector.broadcast %gt3A_1136 : f32 to vector<16xf32>
        %gt3A_1138 = arith.cmpf ogt, %sub3A_1135, %gt3A_1137 : vector<16xf32>
        %jit3A_1139 = arith.constant 1.000000e+00 : f32
        %jit3A_1140 = arith.constant 0.000000e+00 : f32
        %broadcast_in_dim3A_1141 = vector.broadcast %jit3A_1139 : f32 to vector<16xf32>
        %broadcast_in_dim3A_1142 = vector.broadcast %jit3A_1140 : f32 to vector<16xf32>
        %select_n3A_1143 = arith.select %gt3A_1138, %broadcast_in_dim3A_1141, %broadcast_in_dim3A_1142 : vector<16xi1>, vector<16xf32>
        %convert_element_type3A_1144 = arith.fptosi %select_n3A_1143 : vector<16xf32> to vector<16xi32>
        %add3A_1145 = arith.addi %convert_element_type3A_1133, %convert_element_type3A_1144 : vector<16xi32>
        %add3A_1146 = arith.addi %mul3A_38, %convert_element_type3A_1133 : vector<16xi32>
        %mul3A_1147 = arith.mulf %gather3A_1132, %sub3A_1135 : vector<16xf32>
        tpu.vector_store_idx %arg7[%add3A_1146], %mul3A_1147 {add = true} : memref<8192xf32, #tpu.memory_space<vmem>>[vector<16xi32>], vector<16xf32>,
        %add3A_1148 = arith.addi %mul3A_38, %add3A_1145 : vector<16xi32>
        %sub3A_1149 = arith.subf %select_n3A_1143, %sub3A_1135 : vector<16xf32>
        %mul3A_1150 = arith.mulf %gather3A_1132, %sub3A_1149 : vector<16xf32>
        tpu.vector_store_idx %arg7[%add3A_1148], %mul3A_1150 {add = true} : memref<8192xf32, #tpu.memory_space<vmem>>[vector<16xi32>], vector<16xf32>,
        %add3A_1151 = arith.constant 43 : i32
        %add3A_1152 = vector.broadcast %add3A_1151 : i32 to vector<16xi32>
        %add3A_1153 = arith.addi %mul3A_38, %add3A_1152 : vector<16xi32>
        %gather3A_1154 = tpu.vector_load_idx %arg5[%add3A_1153] : memref<8192xf32, #tpu.memory_space<vmem>>[vector<16xi32>], vector<16xf32>,
        %add3A_1155 = arith.constant 43 : i32
        %add3A_1156 = vector.broadcast %add3A_1155 : i32 to vector<16xi32>
        %add3A_1157 = arith.addi %mul3A_38, %add3A_1156 : vector<16xi32>
        %gather3A_1158 = tpu.vector_load_idx %arg6[%add3A_1157] : memref<8192xf32, #tpu.memory_space<vmem>>[vector<16xi32>], vector<16xf32>,
        %convert_element_type3A_1159 = arith.fptosi %gather3A_1154 : vector<16xf32> to vector<16xi32>
        %convert_element_type3A_1160 = arith.sitofp %convert_element_type3A_1159 : vector<16xi32> to vector<16xf32>
        %sub3A_1161 = arith.subf %gather3A_1154, %convert_element_type3A_1160 : vector<16xf32>
        %gt3A_1162 = arith.constant 0.000000e+00 : f32
        %gt3A_1163 = vector.broadcast %gt3A_1162 : f32 to vector<16xf32>
        %gt3A_1164 = arith.cmpf ogt, %sub3A_1161, %gt3A_1163 : vector<16xf32>
        %jit3A_1165 = arith.constant 1.000000e+00 : f32
        %jit3A_1166 = arith.constant 0.000000e+00 : f32
        %broadcast_in_dim3A_1167 = vector.broadcast %jit3A_1165 : f32 to vector<16xf32>
        %broadcast_in_dim3A_1168 = vector.broadcast %jit3A_1166 : f32 to vector<16xf32>
        %select_n3A_1169 = arith.select %gt3A_1164, %broadcast_in_dim3A_1167, %broadcast_in_dim3A_1168 : vector<16xi1>, vector<16xf32>
        %convert_element_type3A_1170 = arith.fptosi %select_n3A_1169 : vector<16xf32> to vector<16xi32>
        %add3A_1171 = arith.addi %convert_element_type3A_1159, %convert_element_type3A_1170 : vector<16xi32>
        %add3A_1172 = arith.addi %mul3A_38, %convert_element_type3A_1159 : vector<16xi32>
        %mul3A_1173 = arith.mulf %gather3A_1158, %sub3A_1161 : vector<16xf32>
        tpu.vector_store_idx %arg7[%add3A_1172], %mul3A_1173 {add = true} : memref<8192xf32, #tpu.memory_space<vmem>>[vector<16xi32>], vector<16xf32>,
        %add3A_1174 = arith.addi %mul3A_38, %add3A_1171 : vector<16xi32>
        %sub3A_1175 = arith.subf %select_n3A_1169, %sub3A_1161 : vector<16xf32>
        %mul3A_1176 = arith.mulf %gather3A_1158, %sub3A_1175 : vector<16xf32>
        tpu.vector_store_idx %arg7[%add3A_1174], %mul3A_1176 {add = true} : memref<8192xf32, #tpu.memory_space<vmem>>[vector<16xi32>], vector<16xf32>,
        %add3A_1177 = arith.constant 44 : i32
        %add3A_1178 = vector.broadcast %add3A_1177 : i32 to vector<16xi32>
        %add3A_1179 = arith.addi %mul3A_38, %add3A_1178 : vector<16xi32>
        %gather3A_1180 = tpu.vector_load_idx %arg5[%add3A_1179] : memref<8192xf32, #tpu.memory_space<vmem>>[vector<16xi32>], vector<16xf32>,
        %add3A_1181 = arith.constant 44 : i32
        %add3A_1182 = vector.broadcast %add3A_1181 : i32 to vector<16xi32>
        %add3A_1183 = arith.addi %mul3A_38, %add3A_1182 : vector<16xi32>
        %gather3A_1184 = tpu.vector_load_idx %arg6[%add3A_1183] : memref<8192xf32, #tpu.memory_space<vmem>>[vector<16xi32>], vector<16xf32>,
        %convert_element_type3A_1185 = arith.fptosi %gather3A_1180 : vector<16xf32> to vector<16xi32>
        %convert_element_type3A_1186 = arith.sitofp %convert_element_type3A_1185 : vector<16xi32> to vector<16xf32>
        %sub3A_1187 = arith.subf %gather3A_1180, %convert_element_type3A_1186 : vector<16xf32>
        %gt3A_1188 = arith.constant 0.000000e+00 : f32
        %gt3A_1189 = vector.broadcast %gt3A_1188 : f32 to vector<16xf32>
        %gt3A_1190 = arith.cmpf ogt, %sub3A_1187, %gt3A_1189 : vector<16xf32>
        %jit3A_1191 = arith.constant 1.000000e+00 : f32
        %jit3A_1192 = arith.constant 0.000000e+00 : f32
        %broadcast_in_dim3A_1193 = vector.broadcast %jit3A_1191 : f32 to vector<16xf32>
        %broadcast_in_dim3A_1194 = vector.broadcast %jit3A_1192 : f32 to vector<16xf32>
        %select_n3A_1195 = arith.select %gt3A_1190, %broadcast_in_dim3A_1193, %broadcast_in_dim3A_1194 : vector<16xi1>, vector<16xf32>
        %convert_element_type3A_1196 = arith.fptosi %select_n3A_1195 : vector<16xf32> to vector<16xi32>
        %add3A_1197 = arith.addi %convert_element_type3A_1185, %convert_element_type3A_1196 : vector<16xi32>
        %add3A_1198 = arith.addi %mul3A_38, %convert_element_type3A_1185 : vector<16xi32>
        %mul3A_1199 = arith.mulf %gather3A_1184, %sub3A_1187 : vector<16xf32>
        tpu.vector_store_idx %arg7[%add3A_1198], %mul3A_1199 {add = true} : memref<8192xf32, #tpu.memory_space<vmem>>[vector<16xi32>], vector<16xf32>,
        %add3A_1200 = arith.addi %mul3A_38, %add3A_1197 : vector<16xi32>
        %sub3A_1201 = arith.subf %select_n3A_1195, %sub3A_1187 : vector<16xf32>
        %mul3A_1202 = arith.mulf %gather3A_1184, %sub3A_1201 : vector<16xf32>
        tpu.vector_store_idx %arg7[%add3A_1200], %mul3A_1202 {add = true} : memref<8192xf32, #tpu.memory_space<vmem>>[vector<16xi32>], vector<16xf32>,
        %add3A_1203 = arith.constant 45 : i32
        %add3A_1204 = vector.broadcast %add3A_1203 : i32 to vector<16xi32>
        %add3A_1205 = arith.addi %mul3A_38, %add3A_1204 : vector<16xi32>
        %gather3A_1206 = tpu.vector_load_idx %arg5[%add3A_1205] : memref<8192xf32, #tpu.memory_space<vmem>>[vector<16xi32>], vector<16xf32>,
        %add3A_1207 = arith.constant 45 : i32
        %add3A_1208 = vector.broadcast %add3A_1207 : i32 to vector<16xi32>
        %add3A_1209 = arith.addi %mul3A_38, %add3A_1208 : vector<16xi32>
        %gather3A_1210 = tpu.vector_load_idx %arg6[%add3A_1209] : memref<8192xf32, #tpu.memory_space<vmem>>[vector<16xi32>], vector<16xf32>,
        %convert_element_type3A_1211 = arith.fptosi %gather3A_1206 : vector<16xf32> to vector<16xi32>
        %convert_element_type3A_1212 = arith.sitofp %convert_element_type3A_1211 : vector<16xi32> to vector<16xf32>
        %sub3A_1213 = arith.subf %gather3A_1206, %convert_element_type3A_1212 : vector<16xf32>
        %gt3A_1214 = arith.constant 0.000000e+00 : f32
        %gt3A_1215 = vector.broadcast %gt3A_1214 : f32 to vector<16xf32>
        %gt3A_1216 = arith.cmpf ogt, %sub3A_1213, %gt3A_1215 : vector<16xf32>
        %jit3A_1217 = arith.constant 1.000000e+00 : f32
        %jit3A_1218 = arith.constant 0.000000e+00 : f32
        %broadcast_in_dim3A_1219 = vector.broadcast %jit3A_1217 : f32 to vector<16xf32>
        %broadcast_in_dim3A_1220 = vector.broadcast %jit3A_1218 : f32 to vector<16xf32>
        %select_n3A_1221 = arith.select %gt3A_1216, %broadcast_in_dim3A_1219, %broadcast_in_dim3A_1220 : vector<16xi1>, vector<16xf32>
        %convert_element_type3A_1222 = arith.fptosi %select_n3A_1221 : vector<16xf32> to vector<16xi32>
        %add3A_1223 = arith.addi %convert_element_type3A_1211, %convert_element_type3A_1222 : vector<16xi32>
        %add3A_1224 = arith.addi %mul3A_38, %convert_element_type3A_1211 : vector<16xi32>
        %mul3A_1225 = arith.mulf %gather3A_1210, %sub3A_1213 : vector<16xf32>
        tpu.vector_store_idx %arg7[%add3A_1224], %mul3A_1225 {add = true} : memref<8192xf32, #tpu.memory_space<vmem>>[vector<16xi32>], vector<16xf32>,
        %add3A_1226 = arith.addi %mul3A_38, %add3A_1223 : vector<16xi32>
        %sub3A_1227 = arith.subf %select_n3A_1221, %sub3A_1213 : vector<16xf32>
        %mul3A_1228 = arith.mulf %gather3A_1210, %sub3A_1227 : vector<16xf32>
        tpu.vector_store_idx %arg7[%add3A_1226], %mul3A_1228 {add = true} : memref<8192xf32, #tpu.memory_space<vmem>>[vector<16xi32>], vector<16xf32>,
        %add3A_1229 = arith.constant 46 : i32
        %add3A_1230 = vector.broadcast %add3A_1229 : i32 to vector<16xi32>
        %add3A_1231 = arith.addi %mul3A_38, %add3A_1230 : vector<16xi32>
        %gather3A_1232 = tpu.vector_load_idx %arg5[%add3A_1231] : memref<8192xf32, #tpu.memory_space<vmem>>[vector<16xi32>], vector<16xf32>,
        %add3A_1233 = arith.constant 46 : i32
        %add3A_1234 = vector.broadcast %add3A_1233 : i32 to vector<16xi32>
        %add3A_1235 = arith.addi %mul3A_38, %add3A_1234 : vector<16xi32>
        %gather3A_1236 = tpu.vector_load_idx %arg6[%add3A_1235] : memref<8192xf32, #tpu.memory_space<vmem>>[vector<16xi32>], vector<16xf32>,
        %convert_element_type3A_1237 = arith.fptosi %gather3A_1232 : vector<16xf32> to vector<16xi32>
        %convert_element_type3A_1238 = arith.sitofp %convert_element_type3A_1237 : vector<16xi32> to vector<16xf32>
        %sub3A_1239 = arith.subf %gather3A_1232, %convert_element_type3A_1238 : vector<16xf32>
        %gt3A_1240 = arith.constant 0.000000e+00 : f32
        %gt3A_1241 = vector.broadcast %gt3A_1240 : f32 to vector<16xf32>
        %gt3A_1242 = arith.cmpf ogt, %sub3A_1239, %gt3A_1241 : vector<16xf32>
        %jit3A_1243 = arith.constant 1.000000e+00 : f32
        %jit3A_1244 = arith.constant 0.000000e+00 : f32
        %broadcast_in_dim3A_1245 = vector.broadcast %jit3A_1243 : f32 to vector<16xf32>
        %broadcast_in_dim3A_1246 = vector.broadcast %jit3A_1244 : f32 to vector<16xf32>
        %select_n3A_1247 = arith.select %gt3A_1242, %broadcast_in_dim3A_1245, %broadcast_in_dim3A_1246 : vector<16xi1>, vector<16xf32>
        %convert_element_type3A_1248 = arith.fptosi %select_n3A_1247 : vector<16xf32> to vector<16xi32>
        %add3A_1249 = arith.addi %convert_element_type3A_1237, %convert_element_type3A_1248 : vector<16xi32>
        %add3A_1250 = arith.addi %mul3A_38, %convert_element_type3A_1237 : vector<16xi32>
        %mul3A_1251 = arith.mulf %gather3A_1236, %sub3A_1239 : vector<16xf32>
        tpu.vector_store_idx %arg7[%add3A_1250], %mul3A_1251 {add = true} : memref<8192xf32, #tpu.memory_space<vmem>>[vector<16xi32>], vector<16xf32>,
        %add3A_1252 = arith.addi %mul3A_38, %add3A_1249 : vector<16xi32>
        %sub3A_1253 = arith.subf %select_n3A_1247, %sub3A_1239 : vector<16xf32>
        %mul3A_1254 = arith.mulf %gather3A_1236, %sub3A_1253 : vector<16xf32>
        tpu.vector_store_idx %arg7[%add3A_1252], %mul3A_1254 {add = true} : memref<8192xf32, #tpu.memory_space<vmem>>[vector<16xi32>], vector<16xf32>,
        %add3A_1255 = arith.constant 47 : i32
        %add3A_1256 = vector.broadcast %add3A_1255 : i32 to vector<16xi32>
        %add3A_1257 = arith.addi %mul3A_38, %add3A_1256 : vector<16xi32>
        %gather3A_1258 = tpu.vector_load_idx %arg5[%add3A_1257] : memref<8192xf32, #tpu.memory_space<vmem>>[vector<16xi32>], vector<16xf32>,
        %add3A_1259 = arith.constant 47 : i32
        %add3A_1260 = vector.broadcast %add3A_1259 : i32 to vector<16xi32>
        %add3A_1261 = arith.addi %mul3A_38, %add3A_1260 : vector<16xi32>
        %gather3A_1262 = tpu.vector_load_idx %arg6[%add3A_1261] : memref<8192xf32, #tpu.memory_space<vmem>>[vector<16xi32>], vector<16xf32>,
        %convert_element_type3A_1263 = arith.fptosi %gather3A_1258 : vector<16xf32> to vector<16xi32>
        %convert_element_type3A_1264 = arith.sitofp %convert_element_type3A_1263 : vector<16xi32> to vector<16xf32>
        %sub3A_1265 = arith.subf %gather3A_1258, %convert_element_type3A_1264 : vector<16xf32>
        %gt3A_1266 = arith.constant 0.000000e+00 : f32
        %gt3A_1267 = vector.broadcast %gt3A_1266 : f32 to vector<16xf32>
        %gt3A_1268 = arith.cmpf ogt, %sub3A_1265, %gt3A_1267 : vector<16xf32>
        %jit3A_1269 = arith.constant 1.000000e+00 : f32
        %jit3A_1270 = arith.constant 0.000000e+00 : f32
        %broadcast_in_dim3A_1271 = vector.broadcast %jit3A_1269 : f32 to vector<16xf32>
        %broadcast_in_dim3A_1272 = vector.broadcast %jit3A_1270 : f32 to vector<16xf32>
        %select_n3A_1273 = arith.select %gt3A_1268, %broadcast_in_dim3A_1271, %broadcast_in_dim3A_1272 : vector<16xi1>, vector<16xf32>
        %convert_element_type3A_1274 = arith.fptosi %select_n3A_1273 : vector<16xf32> to vector<16xi32>
        %add3A_1275 = arith.addi %convert_element_type3A_1263, %convert_element_type3A_1274 : vector<16xi32>
        %add3A_1276 = arith.addi %mul3A_38, %convert_element_type3A_1263 : vector<16xi32>
        %mul3A_1277 = arith.mulf %gather3A_1262, %sub3A_1265 : vector<16xf32>
        tpu.vector_store_idx %arg7[%add3A_1276], %mul3A_1277 {add = true} : memref<8192xf32, #tpu.memory_space<vmem>>[vector<16xi32>], vector<16xf32>,
        %add3A_1278 = arith.addi %mul3A_38, %add3A_1275 : vector<16xi32>
        %sub3A_1279 = arith.subf %select_n3A_1273, %sub3A_1265 : vector<16xf32>
        %mul3A_1280 = arith.mulf %gather3A_1262, %sub3A_1279 : vector<16xf32>
        tpu.vector_store_idx %arg7[%add3A_1278], %mul3A_1280 {add = true} : memref<8192xf32, #tpu.memory_space<vmem>>[vector<16xi32>], vector<16xf32>,
        %add3A_1281 = arith.constant 48 : i32
        %add3A_1282 = vector.broadcast %add3A_1281 : i32 to vector<16xi32>
        %add3A_1283 = arith.addi %mul3A_38, %add3A_1282 : vector<16xi32>
        %gather3A_1284 = tpu.vector_load_idx %arg5[%add3A_1283] : memref<8192xf32, #tpu.memory_space<vmem>>[vector<16xi32>], vector<16xf32>,
        %add3A_1285 = arith.constant 48 : i32
        %add3A_1286 = vector.broadcast %add3A_1285 : i32 to vector<16xi32>
        %add3A_1287 = arith.addi %mul3A_38, %add3A_1286 : vector<16xi32>
        %gather3A_1288 = tpu.vector_load_idx %arg6[%add3A_1287] : memref<8192xf32, #tpu.memory_space<vmem>>[vector<16xi32>], vector<16xf32>,
        %convert_element_type3A_1289 = arith.fptosi %gather3A_1284 : vector<16xf32> to vector<16xi32>
        %convert_element_type3A_1290 = arith.sitofp %convert_element_type3A_1289 : vector<16xi32> to vector<16xf32>
        %sub3A_1291 = arith.subf %gather3A_1284, %convert_element_type3A_1290 : vector<16xf32>
        %gt3A_1292 = arith.constant 0.000000e+00 : f32
        %gt3A_1293 = vector.broadcast %gt3A_1292 : f32 to vector<16xf32>
        %gt3A_1294 = arith.cmpf ogt, %sub3A_1291, %gt3A_1293 : vector<16xf32>
        %jit3A_1295 = arith.constant 1.000000e+00 : f32
        %jit3A_1296 = arith.constant 0.000000e+00 : f32
        %broadcast_in_dim3A_1297 = vector.broadcast %jit3A_1295 : f32 to vector<16xf32>
        %broadcast_in_dim3A_1298 = vector.broadcast %jit3A_1296 : f32 to vector<16xf32>
        %select_n3A_1299 = arith.select %gt3A_1294, %broadcast_in_dim3A_1297, %broadcast_in_dim3A_1298 : vector<16xi1>, vector<16xf32>
        %convert_element_type3A_1300 = arith.fptosi %select_n3A_1299 : vector<16xf32> to vector<16xi32>
        %add3A_1301 = arith.addi %convert_element_type3A_1289, %convert_element_type3A_1300 : vector<16xi32>
        %add3A_1302 = arith.addi %mul3A_38, %convert_element_type3A_1289 : vector<16xi32>
        %mul3A_1303 = arith.mulf %gather3A_1288, %sub3A_1291 : vector<16xf32>
        tpu.vector_store_idx %arg7[%add3A_1302], %mul3A_1303 {add = true} : memref<8192xf32, #tpu.memory_space<vmem>>[vector<16xi32>], vector<16xf32>,
        %add3A_1304 = arith.addi %mul3A_38, %add3A_1301 : vector<16xi32>
        %sub3A_1305 = arith.subf %select_n3A_1299, %sub3A_1291 : vector<16xf32>
        %mul3A_1306 = arith.mulf %gather3A_1288, %sub3A_1305 : vector<16xf32>
        tpu.vector_store_idx %arg7[%add3A_1304], %mul3A_1306 {add = true} : memref<8192xf32, #tpu.memory_space<vmem>>[vector<16xi32>], vector<16xf32>,
        %add3A_1307 = arith.constant 49 : i32
        %add3A_1308 = vector.broadcast %add3A_1307 : i32 to vector<16xi32>
        %add3A_1309 = arith.addi %mul3A_38, %add3A_1308 : vector<16xi32>
        %gather3A_1310 = tpu.vector_load_idx %arg5[%add3A_1309] : memref<8192xf32, #tpu.memory_space<vmem>>[vector<16xi32>], vector<16xf32>,
        %add3A_1311 = arith.constant 49 : i32
        %add3A_1312 = vector.broadcast %add3A_1311 : i32 to vector<16xi32>
        %add3A_1313 = arith.addi %mul3A_38, %add3A_1312 : vector<16xi32>
        %gather3A_1314 = tpu.vector_load_idx %arg6[%add3A_1313] : memref<8192xf32, #tpu.memory_space<vmem>>[vector<16xi32>], vector<16xf32>,
        %convert_element_type3A_1315 = arith.fptosi %gather3A_1310 : vector<16xf32> to vector<16xi32>
        %convert_element_type3A_1316 = arith.sitofp %convert_element_type3A_1315 : vector<16xi32> to vector<16xf32>
        %sub3A_1317 = arith.subf %gather3A_1310, %convert_element_type3A_1316 : vector<16xf32>
        %gt3A_1318 = arith.constant 0.000000e+00 : f32
        %gt3A_1319 = vector.broadcast %gt3A_1318 : f32 to vector<16xf32>
        %gt3A_1320 = arith.cmpf ogt, %sub3A_1317, %gt3A_1319 : vector<16xf32>
        %jit3A_1321 = arith.constant 1.000000e+00 : f32
        %jit3A_1322 = arith.constant 0.000000e+00 : f32
        %broadcast_in_dim3A_1323 = vector.broadcast %jit3A_1321 : f32 to vector<16xf32>
        %broadcast_in_dim3A_1324 = vector.broadcast %jit3A_1322 : f32 to vector<16xf32>
        %select_n3A_1325 = arith.select %gt3A_1320, %broadcast_in_dim3A_1323, %broadcast_in_dim3A_1324 : vector<16xi1>, vector<16xf32>
        %convert_element_type3A_1326 = arith.fptosi %select_n3A_1325 : vector<16xf32> to vector<16xi32>
        %add3A_1327 = arith.addi %convert_element_type3A_1315, %convert_element_type3A_1326 : vector<16xi32>
        %add3A_1328 = arith.addi %mul3A_38, %convert_element_type3A_1315 : vector<16xi32>
        %mul3A_1329 = arith.mulf %gather3A_1314, %sub3A_1317 : vector<16xf32>
        tpu.vector_store_idx %arg7[%add3A_1328], %mul3A_1329 {add = true} : memref<8192xf32, #tpu.memory_space<vmem>>[vector<16xi32>], vector<16xf32>,
        %add3A_1330 = arith.addi %mul3A_38, %add3A_1327 : vector<16xi32>
        %sub3A_1331 = arith.subf %select_n3A_1325, %sub3A_1317 : vector<16xf32>
        %mul3A_1332 = arith.mulf %gather3A_1314, %sub3A_1331 : vector<16xf32>
        tpu.vector_store_idx %arg7[%add3A_1330], %mul3A_1332 {add = true} : memref<8192xf32, #tpu.memory_space<vmem>>[vector<16xi32>], vector<16xf32>,
        %add3A_1333 = arith.constant 50 : i32
        %add3A_1334 = vector.broadcast %add3A_1333 : i32 to vector<16xi32>
        %add3A_1335 = arith.addi %mul3A_38, %add3A_1334 : vector<16xi32>
        %gather3A_1336 = tpu.vector_load_idx %arg5[%add3A_1335] : memref<8192xf32, #tpu.memory_space<vmem>>[vector<16xi32>], vector<16xf32>,
        %add3A_1337 = arith.constant 50 : i32
        %add3A_1338 = vector.broadcast %add3A_1337 : i32 to vector<16xi32>
        %add3A_1339 = arith.addi %mul3A_38, %add3A_1338 : vector<16xi32>
        %gather3A_1340 = tpu.vector_load_idx %arg6[%add3A_1339] : memref<8192xf32, #tpu.memory_space<vmem>>[vector<16xi32>], vector<16xf32>,
        %convert_element_type3A_1341 = arith.fptosi %gather3A_1336 : vector<16xf32> to vector<16xi32>
        %convert_element_type3A_1342 = arith.sitofp %convert_element_type3A_1341 : vector<16xi32> to vector<16xf32>
        %sub3A_1343 = arith.subf %gather3A_1336, %convert_element_type3A_1342 : vector<16xf32>
        %gt3A_1344 = arith.constant 0.000000e+00 : f32
        %gt3A_1345 = vector.broadcast %gt3A_1344 : f32 to vector<16xf32>
        %gt3A_1346 = arith.cmpf ogt, %sub3A_1343, %gt3A_1345 : vector<16xf32>
        %jit3A_1347 = arith.constant 1.000000e+00 : f32
        %jit3A_1348 = arith.constant 0.000000e+00 : f32
        %broadcast_in_dim3A_1349 = vector.broadcast %jit3A_1347 : f32 to vector<16xf32>
        %broadcast_in_dim3A_1350 = vector.broadcast %jit3A_1348 : f32 to vector<16xf32>
        %select_n3A_1351 = arith.select %gt3A_1346, %broadcast_in_dim3A_1349, %broadcast_in_dim3A_1350 : vector<16xi1>, vector<16xf32>
        %convert_element_type3A_1352 = arith.fptosi %select_n3A_1351 : vector<16xf32> to vector<16xi32>
        %add3A_1353 = arith.addi %convert_element_type3A_1341, %convert_element_type3A_1352 : vector<16xi32>
        %add3A_1354 = arith.addi %mul3A_38, %convert_element_type3A_1341 : vector<16xi32>
        %mul3A_1355 = arith.mulf %gather3A_1340, %sub3A_1343 : vector<16xf32>
        tpu.vector_store_idx %arg7[%add3A_1354], %mul3A_1355 {add = true} : memref<8192xf32, #tpu.memory_space<vmem>>[vector<16xi32>], vector<16xf32>,
        %add3A_1356 = arith.addi %mul3A_38, %add3A_1353 : vector<16xi32>
        %sub3A_1357 = arith.subf %select_n3A_1351, %sub3A_1343 : vector<16xf32>
        %mul3A_1358 = arith.mulf %gather3A_1340, %sub3A_1357 : vector<16xf32>
        tpu.vector_store_idx %arg7[%add3A_1356], %mul3A_1358 {add = true} : memref<8192xf32, #tpu.memory_space<vmem>>[vector<16xi32>], vector<16xf32>,
      }
      %scan3A_28 = arith.constant 8 : i32
      %mul3A_29 = arith.constant 64 : i32
      %mul3A_30 = arith.muli %add3A_12, %mul3A_29 : i32
      "tpu.region"() ({
        %run_scoped3A = tpu.sem_alloc : memref<!tpu.dma_semaphore, #tpu.memory_space<semaphore_mem>>
        %dma_start3A = tpu.memref_slice %arg4[%mul3A_30] : memref<1048576xf32, #tpu.memory_space<hbm>> -> memref<8192xf32, #tpu.memory_space<hbm>>
        %dma_start3A_31 = tpu.memref_slice %arg4[%mul3A_30] : memref<1048576xf32, #tpu.memory_space<hbm>> -> memref<8192xf32, #tpu.memory_space<hbm>>
        tpu.enqueue_dma source(%arg7 : memref<8192xf32, #tpu.memory_space<vmem>>) target(%dma_start3A_31 : memref<8192xf32, #tpu.memory_space<hbm>>) target_semaphore(%run_scoped3A : memref<!tpu.dma_semaphore, #tpu.memory_space<semaphore_mem>>)
        %dma_wait3A = tpu.memref_slice %arg4[%mul3A_30] : memref<1048576xf32, #tpu.memory_space<hbm>> -> memref<8192xf32, #tpu.memory_space<hbm>>
        %dma_wait3A_32 = tpu.memref_slice %arg4[%mul3A_30] : memref<1048576xf32, #tpu.memory_space<hbm>> -> memref<8192xf32, #tpu.memory_space<hbm>>
        tpu.wait_dma2 semaphore(%run_scoped3A : memref<!tpu.dma_semaphore, #tpu.memory_space<semaphore_mem>>) src(%arg7 : memref<8192xf32, #tpu.memory_space<vmem>>) dst(%dma_wait3A_32 : memref<8192xf32, #tpu.memory_space<hbm>>)
        tpu.yield
      }) : () -> ()
    }
    %scan3A_6 = arith.constant 4 : i32
    return
  }
}

module attributes {stable_mosaic.version = 14 : i64} {
  func.func @_tc1_body(%arg0: i32, %arg1: memref<512x918xf32, #tpu.memory_space<vmem>>, %arg2: memref<512x1xf32, #tpu.memory_space<vmem>>, %arg3: memref<512x1xf32, #tpu.memory_space<vmem>>, %arg4: memref<512x64xf32, #tpu.memory_space<vmem>>, %arg5: memref<512x64xf32, #tpu.memory_space<vmem>>) attributes {dimension_semantics = [#tpu.dimension_semantics<arbitrary>], iteration_bounds = array<i64: 32>, scalar_prefetch = 0 : i64, scratch_operands = 0 : i64, tpu.core_type = #tpu.core_type<tc>, window_params = [{transform_indices = @transform_0, window_bounds = array<i64: 512, 918>}, {transform_indices = @transform_1, window_bounds = array<i64: 512, 1>}, {transform_indices = @transform_2, window_bounds = array<i64: 512, 1>}, {transform_indices = @transform_3, window_bounds = array<i64: 512, 64>}, {transform_indices = @transform_4, window_bounds = array<i64: 512, 64>}]} {
    %iota3A = tpu.iota {dimensions = array<i32: 0>} : vector<918x64xi32>
    %iota3A_0 = tpu.iota {dimensions = array<i32: 1>} : vector<918x64xi32>
    %jit3A = arith.constant 51 : i32
    %div3A = vector.broadcast %jit3A : i32 to vector<918x64xi32>
    %div3A_1 = arith.divsi %iota3A, %div3A : vector<918x64xi32>
    %sign3A = arith.constant 0 : i32
    %sign3A_2 = vector.broadcast %sign3A : i32 to vector<918x64xi32>
    %sign3A_3 = arith.cmpi sgt, %iota3A, %sign3A_2 : vector<918x64xi32>
    %sign3A_4 = arith.extui %sign3A_3 : vector<918x64xi1> to vector<918x64xi32>
    %sign3A_5 = arith.constant 0 : i32
    %sign3A_6 = vector.broadcast %sign3A_5 : i32 to vector<918x64xi32>
    %sign3A_7 = arith.cmpi slt, %iota3A, %sign3A_6 : vector<918x64xi32>
    %sign3A_8 = arith.extui %sign3A_7 : vector<918x64xi1> to vector<918x64xi32>
    %sign3A_9 = arith.subi %sign3A_4, %sign3A_8 : vector<918x64xi32>
    %sign3A_10 = arith.constant 0 : i32
    %sign3A_11 = arith.cmpi sgt, %jit3A, %sign3A_10 : i32
    %sign3A_12 = arith.extui %sign3A_11 : i1 to i32
    %sign3A_13 = arith.constant 0 : i32
    %sign3A_14 = arith.cmpi slt, %jit3A, %sign3A_13 : i32
    %sign3A_15 = arith.extui %sign3A_14 : i1 to i32
    %sign3A_16 = arith.subi %sign3A_12, %sign3A_15 : i32
    %ne3A = vector.broadcast %sign3A_16 : i32 to vector<918x64xi32>
    %ne3A_17 = arith.cmpi ne, %sign3A_9, %ne3A : vector<918x64xi32>
    %rem3A = vector.broadcast %jit3A : i32 to vector<918x64xi32>
    %rem3A_18 = arith.remsi %iota3A, %rem3A : vector<918x64xi32>
    %ne3A_19 = arith.constant 0 : i32
    %ne3A_20 = vector.broadcast %ne3A_19 : i32 to vector<918x64xi32>
    %ne3A_21 = arith.cmpi ne, %rem3A_18, %ne3A_20 : vector<918x64xi32>
    %and3A = arith.andi %ne3A_17, %ne3A_21 : vector<918x64xi1>
    %sub3A = arith.constant 1 : i32
    %sub3A_22 = vector.broadcast %sub3A : i32 to vector<918x64xi32>
    %sub3A_23 = arith.subi %div3A_1, %sub3A_22 : vector<918x64xi32>
    %select_n3A = arith.select %and3A, %sub3A_23, %div3A_1 : vector<918x64xi1>, vector<918x64xi32>
    %jit3A_24 = arith.constant 51 : i32
    %eq3A = arith.constant 0 : i32
    %eq3A_25 = arith.cmpi eq, %jit3A_24, %eq3A : i32
    %jit3A_26 = arith.constant 1 : i32
    %select_n3A_27 = arith.select %eq3A_25, %jit3A_26, %jit3A_24 : i32
    %rem3A_28 = vector.broadcast %select_n3A_27 : i32 to vector<918x64xi32>
    %rem3A_29 = arith.remsi %iota3A, %rem3A_28 : vector<918x64xi32>
    %ne3A_30 = arith.constant 0 : i32
    %ne3A_31 = vector.broadcast %ne3A_30 : i32 to vector<918x64xi32>
    %ne3A_32 = arith.cmpi ne, %rem3A_29, %ne3A_31 : vector<918x64xi32>
    %lt3A = arith.constant 0 : i32
    %lt3A_33 = vector.broadcast %lt3A : i32 to vector<918x64xi32>
    %lt3A_34 = arith.cmpi slt, %rem3A_29, %lt3A_33 : vector<918x64xi32>
    %lt3A_35 = arith.constant 0 : i32
    %lt3A_36 = arith.cmpi slt, %select_n3A_27, %lt3A_35 : i32
    %ne3A_37 = vector.broadcast %lt3A_36 : i1 to vector<918x64xi1>
    %ne3A_38 = vector.broadcast %ne3A_37 : vector<918x64xi1> to vector<918x64xi1>
    %ne3A_39 = arith.xori %lt3A_34, %ne3A_38 : vector<918x64xi1>
    %and3A_40 = arith.andi %ne3A_39, %ne3A_32 : vector<918x64xi1>
    %add3A = vector.broadcast %select_n3A_27 : i32 to vector<918x64xi32>
    %add3A_41 = arith.addi %rem3A_29, %add3A : vector<918x64xi32>
    %select_n3A_42 = arith.select %and3A_40, %add3A_41, %rem3A_29 : vector<918x64xi1>, vector<918x64xi32>
    %convert_element_type3A = arith.sitofp %select_n3A_42 : vector<918x64xi32> to vector<918x64xf32>
    %mul3A = arith.constant 4.000000e-01 : f32
    %mul3A_43 = vector.broadcast %mul3A : f32 to vector<918x64xf32>
    %mul3A_44 = arith.mulf %convert_element_type3A, %mul3A_43 : vector<918x64xf32>
    %add3A_45 = arith.constant -1.000000e+01 : f32
    %add3A_46 = vector.broadcast %add3A_45 : f32 to vector<918x64xf32>
    %add3A_47 = arith.addf %add3A_46, %mul3A_44 : vector<918x64xf32>
    %eq3A_48 = arith.cmpi eq, %iota3A_0, %select_n3A : vector<918x64xi32>
    %jit3A_49 = arith.constant 1.000000e+00 : f32
    %jit3A_50 = arith.constant 0.000000e+00 : f32
    %broadcast_in_dim3A = vector.broadcast %jit3A_49 : f32 to vector<918x64xf32>
    %broadcast_in_dim3A_51 = vector.broadcast %jit3A_50 : f32 to vector<918x64xf32>
    %select_n3A_52 = arith.select %eq3A_48, %broadcast_in_dim3A, %broadcast_in_dim3A_51 : vector<918x64xi1>, vector<918x64xf32>
    %add3A_53 = arith.constant 32 : i32
    %add3A_54 = vector.broadcast %add3A_53 : i32 to vector<918x64xi32>
    %add3A_55 = arith.addi %select_n3A, %add3A_54 : vector<918x64xi32>
    %eq3A_56 = arith.cmpi eq, %iota3A_0, %add3A_55 : vector<918x64xi32>
    %jit3A_57 = arith.constant 0.000000e+00 : f32
    %broadcast_in_dim3A_58 = vector.broadcast %jit3A_57 : f32 to vector<918x64xf32>
    %select_n3A_59 = arith.select %eq3A_56, %add3A_47, %broadcast_in_dim3A_58 : vector<918x64xi1>, vector<918x64xf32>
    %add3A_60 = arith.addf %select_n3A_52, %select_n3A_59 : vector<918x64xf32>
    %get3A = arith.constant 0 : index
    %get3A_61 = arith.constant 0 : index
    %get3A_62 = vector.load %arg1[%get3A, %get3A_61] : memref<512x918xf32, #tpu.memory_space<vmem>>, vector<512x918xf32>
    %exp3A = math.exp %get3A_62 : vector<512x918xf32>
    %dot_general3A = arith.constant dense<0.000000e+00> : vector<512x64xf32>
    %dot_general3A_63 = tpu.matmul %exp3A, %add3A_60, %dot_general3A {dimension_numbers = #tpu.dot_dimension_numbers<[1], [0], [0], [1], [0, 0, 1, 1], [], []>, precision = #tpu.contract_precision<fp32>, transpose_lhs_hint = false} : vector<512x918xf32>, vector<918x64xf32>, vector<512x64xf32> -> vector<512x64xf32>
    %slice3A = vector.extract_strided_slice %dot_general3A_63 {offsets = [0, 0], sizes = [512, 32], strides = [1, 1]} : vector<512x64xf32> to vector<512x32xf32>
    %slice3A_64 = vector.extract_strided_slice %dot_general3A_63 {offsets = [0, 32], sizes = [512, 32], strides = [1, 1]} : vector<512x64xf32> to vector<512x32xf32>
    %iota3A_65 = tpu.iota {dimensions = array<i32: 1>} : vector<512x32xi32>
    %lt3A_66 = arith.constant 18 : i32
    %lt3A_67 = vector.broadcast %lt3A_66 : i32 to vector<512x32xi32>
    %lt3A_68 = arith.cmpi slt, %iota3A_65, %lt3A_67 : vector<512x32xi32>
    %div3A_69 = arith.divf %slice3A_64, %slice3A : vector<512x32xf32>
    %jit3A_70 = arith.constant 0xFF800000 : f32
    %broadcast_in_dim3A_71 = vector.broadcast %jit3A_70 : f32 to vector<512x32xf32>
    %select_n3A_72 = arith.select %lt3A_68, %div3A_69, %broadcast_in_dim3A_71 : vector<512x32xi1>, vector<512x32xf32>
    %reduce_max3A = arith.constant dense<0xFF800000> : vector<512xf32>
    %reduce_max3A_73 = vector.multi_reduction <maximumf>, %select_n3A_72, %reduce_max3A [1] : vector<512x32xf32> to vector<512xf32>
    %broadcast_in_dim3A_74 = vector.shape_cast %reduce_max3A_73 : vector<512xf32> to vector<512x1xf32>
    %eq3A_75 = vector.broadcast %broadcast_in_dim3A_74 : vector<512x1xf32> to vector<512x32xf32>
    %eq3A_76 = arith.cmpf oeq, %select_n3A_72, %eq3A_75 : vector<512x32xf32>
    %jit3A_77 = arith.constant 63 : i32
    %broadcast_in_dim3A_78 = vector.broadcast %jit3A_77 : i32 to vector<512x32xi32>
    %select_n3A_79 = arith.select %eq3A_76, %iota3A_65, %broadcast_in_dim3A_78 : vector<512x32xi1>, vector<512x32xi32>
    %reduce_min3A = arith.constant dense<2147483647> : vector<512xi32>
    %reduce_min3A_80 = vector.multi_reduction <minsi>, %select_n3A_79, %reduce_min3A [1] : vector<512x32xi32> to vector<512xi32>
    %broadcast_in_dim3A_81 = vector.shape_cast %reduce_min3A_80 : vector<512xi32> to vector<512x1xi32>
    %eq3A_82 = vector.broadcast %broadcast_in_dim3A_81 : vector<512x1xi32> to vector<512x32xi32>
    %eq3A_83 = arith.cmpi eq, %iota3A_65, %eq3A_82 : vector<512x32xi32>
    %jit3A_84 = arith.constant 0.000000e+00 : f32
    %broadcast_in_dim3A_85 = vector.broadcast %jit3A_84 : f32 to vector<512x32xf32>
    %select_n3A_86 = arith.select %eq3A_83, %slice3A, %broadcast_in_dim3A_85 : vector<512x32xi1>, vector<512x32xf32>
    %reduce_sum3A = arith.constant dense<0.000000e+00> : vector<512xf32>
    %reduce_sum3A_87 = vector.multi_reduction <add>, %select_n3A_86, %reduce_sum3A [1] : vector<512x32xf32> to vector<512xf32>
    %broadcast_in_dim3A_88 = vector.shape_cast %reduce_sum3A_87 : vector<512xf32> to vector<512x1xf32>
    %broadcast_in_dim3A_89 = arith.constant 0 : i32
    %broadcast_in_dim3A_90 = vector.broadcast %broadcast_in_dim3A_89 : i32 to vector<512x51xi32>
    %add3A_91 = vector.broadcast %broadcast_in_dim3A_81 : vector<512x1xi32> to vector<512x51xi32>
    %add3A_92 = arith.addi %add3A_91, %broadcast_in_dim3A_90 : vector<512x51xi32>
    %eq3A_93 = arith.constant 0 : i32
    %eq3A_94 = vector.broadcast %eq3A_93 : i32 to vector<512x51xi32>
    %eq3A_95 = arith.cmpi eq, %add3A_92, %eq3A_94 : vector<512x51xi32>
    %slice3A_96 = vector.extract_strided_slice %exp3A {offsets = [0, 0], sizes = [512, 51], strides = [1, 1]} : vector<512x918xf32> to vector<512x51xf32>
    %jit3A_97 = arith.constant 0.000000e+00 : f32
    %broadcast_in_dim3A_98 = vector.broadcast %jit3A_97 : f32 to vector<512x51xf32>
    %select_n3A_99 = arith.select %eq3A_95, %slice3A_96, %broadcast_in_dim3A_98 : vector<512x51xi1>, vector<512x51xf32>
    %eq3A_100 = arith.constant 1 : i32
    %eq3A_101 = vector.broadcast %eq3A_100 : i32 to vector<512x51xi32>
    %eq3A_102 = arith.cmpi eq, %add3A_92, %eq3A_101 : vector<512x51xi32>
    %slice3A_103 = vector.extract_strided_slice %exp3A {offsets = [0, 51], sizes = [512, 51], strides = [1, 1]} : vector<512x918xf32> to vector<512x51xf32>
    %jit3A_104 = arith.constant 0.000000e+00 : f32
    %broadcast_in_dim3A_105 = vector.broadcast %jit3A_104 : f32 to vector<512x51xf32>
    %select_n3A_106 = arith.select %eq3A_102, %slice3A_103, %broadcast_in_dim3A_105 : vector<512x51xi1>, vector<512x51xf32>
    %eq3A_107 = arith.constant 2 : i32
    %eq3A_108 = vector.broadcast %eq3A_107 : i32 to vector<512x51xi32>
    %eq3A_109 = arith.cmpi eq, %add3A_92, %eq3A_108 : vector<512x51xi32>
    %slice3A_110 = vector.extract_strided_slice %exp3A {offsets = [0, 102], sizes = [512, 51], strides = [1, 1]} : vector<512x918xf32> to vector<512x51xf32>
    %jit3A_111 = arith.constant 0.000000e+00 : f32
    %broadcast_in_dim3A_112 = vector.broadcast %jit3A_111 : f32 to vector<512x51xf32>
    %select_n3A_113 = arith.select %eq3A_109, %slice3A_110, %broadcast_in_dim3A_112 : vector<512x51xi1>, vector<512x51xf32>
    %eq3A_114 = arith.constant 3 : i32
    %eq3A_115 = vector.broadcast %eq3A_114 : i32 to vector<512x51xi32>
    %eq3A_116 = arith.cmpi eq, %add3A_92, %eq3A_115 : vector<512x51xi32>
    %slice3A_117 = vector.extract_strided_slice %exp3A {offsets = [0, 153], sizes = [512, 51], strides = [1, 1]} : vector<512x918xf32> to vector<512x51xf32>
    %jit3A_118 = arith.constant 0.000000e+00 : f32
    %broadcast_in_dim3A_119 = vector.broadcast %jit3A_118 : f32 to vector<512x51xf32>
    %select_n3A_120 = arith.select %eq3A_116, %slice3A_117, %broadcast_in_dim3A_119 : vector<512x51xi1>, vector<512x51xf32>
    %eq3A_121 = arith.constant 4 : i32
    %eq3A_122 = vector.broadcast %eq3A_121 : i32 to vector<512x51xi32>
    %eq3A_123 = arith.cmpi eq, %add3A_92, %eq3A_122 : vector<512x51xi32>
    %slice3A_124 = vector.extract_strided_slice %exp3A {offsets = [0, 204], sizes = [512, 51], strides = [1, 1]} : vector<512x918xf32> to vector<512x51xf32>
    %jit3A_125 = arith.constant 0.000000e+00 : f32
    %broadcast_in_dim3A_126 = vector.broadcast %jit3A_125 : f32 to vector<512x51xf32>
    %select_n3A_127 = arith.select %eq3A_123, %slice3A_124, %broadcast_in_dim3A_126 : vector<512x51xi1>, vector<512x51xf32>
    %eq3A_128 = arith.constant 5 : i32
    %eq3A_129 = vector.broadcast %eq3A_128 : i32 to vector<512x51xi32>
    %eq3A_130 = arith.cmpi eq, %add3A_92, %eq3A_129 : vector<512x51xi32>
    %slice3A_131 = vector.extract_strided_slice %exp3A {offsets = [0, 255], sizes = [512, 51], strides = [1, 1]} : vector<512x918xf32> to vector<512x51xf32>
    %jit3A_132 = arith.constant 0.000000e+00 : f32
    %broadcast_in_dim3A_133 = vector.broadcast %jit3A_132 : f32 to vector<512x51xf32>
    %select_n3A_134 = arith.select %eq3A_130, %slice3A_131, %broadcast_in_dim3A_133 : vector<512x51xi1>, vector<512x51xf32>
    %eq3A_135 = arith.constant 6 : i32
    %eq3A_136 = vector.broadcast %eq3A_135 : i32 to vector<512x51xi32>
    %eq3A_137 = arith.cmpi eq, %add3A_92, %eq3A_136 : vector<512x51xi32>
    %slice3A_138 = vector.extract_strided_slice %exp3A {offsets = [0, 306], sizes = [512, 51], strides = [1, 1]} : vector<512x918xf32> to vector<512x51xf32>
    %jit3A_139 = arith.constant 0.000000e+00 : f32
    %broadcast_in_dim3A_140 = vector.broadcast %jit3A_139 : f32 to vector<512x51xf32>
    %select_n3A_141 = arith.select %eq3A_137, %slice3A_138, %broadcast_in_dim3A_140 : vector<512x51xi1>, vector<512x51xf32>
    %eq3A_142 = arith.constant 7 : i32
    %eq3A_143 = vector.broadcast %eq3A_142 : i32 to vector<512x51xi32>
    %eq3A_144 = arith.cmpi eq, %add3A_92, %eq3A_143 : vector<512x51xi32>
    %slice3A_145 = vector.extract_strided_slice %exp3A {offsets = [0, 357], sizes = [512, 51], strides = [1, 1]} : vector<512x918xf32> to vector<512x51xf32>
    %jit3A_146 = arith.constant 0.000000e+00 : f32
    %broadcast_in_dim3A_147 = vector.broadcast %jit3A_146 : f32 to vector<512x51xf32>
    %select_n3A_148 = arith.select %eq3A_144, %slice3A_145, %broadcast_in_dim3A_147 : vector<512x51xi1>, vector<512x51xf32>
    %eq3A_149 = arith.constant 8 : i32
    %eq3A_150 = vector.broadcast %eq3A_149 : i32 to vector<512x51xi32>
    %eq3A_151 = arith.cmpi eq, %add3A_92, %eq3A_150 : vector<512x51xi32>
    %slice3A_152 = vector.extract_strided_slice %exp3A {offsets = [0, 408], sizes = [512, 51], strides = [1, 1]} : vector<512x918xf32> to vector<512x51xf32>
    %jit3A_153 = arith.constant 0.000000e+00 : f32
    %broadcast_in_dim3A_154 = vector.broadcast %jit3A_153 : f32 to vector<512x51xf32>
    %select_n3A_155 = arith.select %eq3A_151, %slice3A_152, %broadcast_in_dim3A_154 : vector<512x51xi1>, vector<512x51xf32>
    %eq3A_156 = arith.constant 9 : i32
    %eq3A_157 = vector.broadcast %eq3A_156 : i32 to vector<512x51xi32>
    %eq3A_158 = arith.cmpi eq, %add3A_92, %eq3A_157 : vector<512x51xi32>
    %slice3A_159 = vector.extract_strided_slice %exp3A {offsets = [0, 459], sizes = [512, 51], strides = [1, 1]} : vector<512x918xf32> to vector<512x51xf32>
    %jit3A_160 = arith.constant 0.000000e+00 : f32
    %broadcast_in_dim3A_161 = vector.broadcast %jit3A_160 : f32 to vector<512x51xf32>
    %select_n3A_162 = arith.select %eq3A_158, %slice3A_159, %broadcast_in_dim3A_161 : vector<512x51xi1>, vector<512x51xf32>
    %eq3A_163 = arith.constant 10 : i32
    %eq3A_164 = vector.broadcast %eq3A_163 : i32 to vector<512x51xi32>
    %eq3A_165 = arith.cmpi eq, %add3A_92, %eq3A_164 : vector<512x51xi32>
    %slice3A_166 = vector.extract_strided_slice %exp3A {offsets = [0, 510], sizes = [512, 51], strides = [1, 1]} : vector<512x918xf32> to vector<512x51xf32>
    %jit3A_167 = arith.constant 0.000000e+00 : f32
    %broadcast_in_dim3A_168 = vector.broadcast %jit3A_167 : f32 to vector<512x51xf32>
    %select_n3A_169 = arith.select %eq3A_165, %slice3A_166, %broadcast_in_dim3A_168 : vector<512x51xi1>, vector<512x51xf32>
    %eq3A_170 = arith.constant 11 : i32
    %eq3A_171 = vector.broadcast %eq3A_170 : i32 to vector<512x51xi32>
    %eq3A_172 = arith.cmpi eq, %add3A_92, %eq3A_171 : vector<512x51xi32>
    %slice3A_173 = vector.extract_strided_slice %exp3A {offsets = [0, 561], sizes = [512, 51], strides = [1, 1]} : vector<512x918xf32> to vector<512x51xf32>
    %jit3A_174 = arith.constant 0.000000e+00 : f32
    %broadcast_in_dim3A_175 = vector.broadcast %jit3A_174 : f32 to vector<512x51xf32>
    %select_n3A_176 = arith.select %eq3A_172, %slice3A_173, %broadcast_in_dim3A_175 : vector<512x51xi1>, vector<512x51xf32>
    %eq3A_177 = arith.constant 12 : i32
    %eq3A_178 = vector.broadcast %eq3A_177 : i32 to vector<512x51xi32>
    %eq3A_179 = arith.cmpi eq, %add3A_92, %eq3A_178 : vector<512x51xi32>
    %slice3A_180 = vector.extract_strided_slice %exp3A {offsets = [0, 612], sizes = [512, 51], strides = [1, 1]} : vector<512x918xf32> to vector<512x51xf32>
    %jit3A_181 = arith.constant 0.000000e+00 : f32
    %broadcast_in_dim3A_182 = vector.broadcast %jit3A_181 : f32 to vector<512x51xf32>
    %select_n3A_183 = arith.select %eq3A_179, %slice3A_180, %broadcast_in_dim3A_182 : vector<512x51xi1>, vector<512x51xf32>
    %eq3A_184 = arith.constant 13 : i32
    %eq3A_185 = vector.broadcast %eq3A_184 : i32 to vector<512x51xi32>
    %eq3A_186 = arith.cmpi eq, %add3A_92, %eq3A_185 : vector<512x51xi32>
    %slice3A_187 = vector.extract_strided_slice %exp3A {offsets = [0, 663], sizes = [512, 51], strides = [1, 1]} : vector<512x918xf32> to vector<512x51xf32>
    %jit3A_188 = arith.constant 0.000000e+00 : f32
    %broadcast_in_dim3A_189 = vector.broadcast %jit3A_188 : f32 to vector<512x51xf32>
    %select_n3A_190 = arith.select %eq3A_186, %slice3A_187, %broadcast_in_dim3A_189 : vector<512x51xi1>, vector<512x51xf32>
    %eq3A_191 = arith.constant 14 : i32
    %eq3A_192 = vector.broadcast %eq3A_191 : i32 to vector<512x51xi32>
    %eq3A_193 = arith.cmpi eq, %add3A_92, %eq3A_192 : vector<512x51xi32>
    %slice3A_194 = vector.extract_strided_slice %exp3A {offsets = [0, 714], sizes = [512, 51], strides = [1, 1]} : vector<512x918xf32> to vector<512x51xf32>
    %jit3A_195 = arith.constant 0.000000e+00 : f32
    %broadcast_in_dim3A_196 = vector.broadcast %jit3A_195 : f32 to vector<512x51xf32>
    %select_n3A_197 = arith.select %eq3A_193, %slice3A_194, %broadcast_in_dim3A_196 : vector<512x51xi1>, vector<512x51xf32>
    %eq3A_198 = arith.constant 15 : i32
    %eq3A_199 = vector.broadcast %eq3A_198 : i32 to vector<512x51xi32>
    %eq3A_200 = arith.cmpi eq, %add3A_92, %eq3A_199 : vector<512x51xi32>
    %slice3A_201 = vector.extract_strided_slice %exp3A {offsets = [0, 765], sizes = [512, 51], strides = [1, 1]} : vector<512x918xf32> to vector<512x51xf32>
    %jit3A_202 = arith.constant 0.000000e+00 : f32
    %broadcast_in_dim3A_203 = vector.broadcast %jit3A_202 : f32 to vector<512x51xf32>
    %select_n3A_204 = arith.select %eq3A_200, %slice3A_201, %broadcast_in_dim3A_203 : vector<512x51xi1>, vector<512x51xf32>
    %eq3A_205 = arith.constant 16 : i32
    %eq3A_206 = vector.broadcast %eq3A_205 : i32 to vector<512x51xi32>
    %eq3A_207 = arith.cmpi eq, %add3A_92, %eq3A_206 : vector<512x51xi32>
    %slice3A_208 = vector.extract_strided_slice %exp3A {offsets = [0, 816], sizes = [512, 51], strides = [1, 1]} : vector<512x918xf32> to vector<512x51xf32>
    %jit3A_209 = arith.constant 0.000000e+00 : f32
    %broadcast_in_dim3A_210 = vector.broadcast %jit3A_209 : f32 to vector<512x51xf32>
    %select_n3A_211 = arith.select %eq3A_207, %slice3A_208, %broadcast_in_dim3A_210 : vector<512x51xi1>, vector<512x51xf32>
    %eq3A_212 = arith.constant 17 : i32
    %eq3A_213 = vector.broadcast %eq3A_212 : i32 to vector<512x51xi32>
    %eq3A_214 = arith.cmpi eq, %add3A_92, %eq3A_213 : vector<512x51xi32>
    %slice3A_215 = vector.extract_strided_slice %exp3A {offsets = [0, 867], sizes = [512, 51], strides = [1, 1]} : vector<512x918xf32> to vector<512x51xf32>
    %jit3A_216 = arith.constant 0.000000e+00 : f32
    %broadcast_in_dim3A_217 = vector.broadcast %jit3A_216 : f32 to vector<512x51xf32>
    %select_n3A_218 = arith.select %eq3A_214, %slice3A_215, %broadcast_in_dim3A_217 : vector<512x51xi1>, vector<512x51xf32>
    %add3A_219 = arith.addf %select_n3A_99, %select_n3A_106 : vector<512x51xf32>
    %add3A_220 = arith.addf %select_n3A_113, %select_n3A_120 : vector<512x51xf32>
    %add3A_221 = arith.addf %select_n3A_127, %select_n3A_134 : vector<512x51xf32>
    %add3A_222 = arith.addf %select_n3A_141, %select_n3A_148 : vector<512x51xf32>
    %add3A_223 = arith.addf %select_n3A_155, %select_n3A_162 : vector<512x51xf32>
    %add3A_224 = arith.addf %select_n3A_169, %select_n3A_176 : vector<512x51xf32>
    %add3A_225 = arith.addf %select_n3A_183, %select_n3A_190 : vector<512x51xf32>
    %add3A_226 = arith.addf %select_n3A_197, %select_n3A_204 : vector<512x51xf32>
    %add3A_227 = arith.addf %select_n3A_211, %select_n3A_218 : vector<512x51xf32>
    %add3A_228 = arith.addf %add3A_219, %add3A_220 : vector<512x51xf32>
    %add3A_229 = arith.addf %add3A_221, %add3A_222 : vector<512x51xf32>
    %add3A_230 = arith.addf %add3A_223, %add3A_224 : vector<512x51xf32>
    %add3A_231 = arith.addf %add3A_225, %add3A_226 : vector<512x51xf32>
    %add3A_232 = arith.addf %add3A_228, %add3A_229 : vector<512x51xf32>
    %add3A_233 = arith.addf %add3A_230, %add3A_231 : vector<512x51xf32>
    %add3A_234 = arith.addf %add3A_232, %add3A_233 : vector<512x51xf32>
    %add3A_235 = arith.addf %add3A_234, %add3A_227 : vector<512x51xf32>
    %div3A_236 = vector.broadcast %broadcast_in_dim3A_88 : vector<512x1xf32> to vector<512x51xf32>
    %div3A_237 = arith.divf %add3A_235, %div3A_236 : vector<512x51xf32>
    %iota3A_238 = tpu.iota {dimensions = array<i32: 1>} : vector<512x51xi32>
    %convert_element_type3A_239 = arith.sitofp %iota3A_238 : vector<512x51xi32> to vector<512x51xf32>
    %mul3A_240 = arith.constant 4.000000e-01 : f32
    %mul3A_241 = vector.broadcast %mul3A_240 : f32 to vector<512x51xf32>
    %mul3A_242 = arith.mulf %convert_element_type3A_239, %mul3A_241 : vector<512x51xf32>
    %add3A_243 = arith.constant -1.000000e+01 : f32
    %add3A_244 = vector.broadcast %add3A_243 : f32 to vector<512x51xf32>
    %add3A_245 = arith.addf %add3A_244, %mul3A_242 : vector<512x51xf32>
    %get3A_246 = arith.constant 0 : index
    %get3A_247 = arith.constant 0 : index
    %get3A_248 = vector.load %arg2[%get3A_246, %get3A_247] : memref<512x1xf32, #tpu.memory_space<vmem>>, vector<512x1xf32>
    %get3A_249 = arith.constant 0 : index
    %get3A_250 = arith.constant 0 : index
    %get3A_251 = vector.load %arg3[%get3A_249, %get3A_250] : memref<512x1xf32, #tpu.memory_space<vmem>>, vector<512x1xf32>
    %sub3A_252 = arith.constant 1.000000e+00 : f32
    %sub3A_253 = vector.broadcast %sub3A_252 : f32 to vector<512x1xf32>
    %sub3A_254 = arith.subf %sub3A_253, %get3A_251 : vector<512x1xf32>
    %mul3A_255 = arith.constant 9.900000e-01 : f32
    %mul3A_256 = vector.broadcast %mul3A_255 : f32 to vector<512x51xf32>
    %mul3A_257 = arith.mulf %add3A_245, %mul3A_256 : vector<512x51xf32>
    %mul3A_258 = vector.broadcast %sub3A_254 : vector<512x1xf32> to vector<512x51xf32>
    %mul3A_259 = arith.mulf %mul3A_258, %mul3A_257 : vector<512x51xf32>
    %add3A_260 = vector.broadcast %get3A_248 : vector<512x1xf32> to vector<512x51xf32>
    %add3A_261 = arith.addf %add3A_260, %mul3A_259 : vector<512x51xf32>
    %jit3A_262 = arith.constant -1.000000e+01 : f32
    %jit3A_263 = arith.constant 1.000000e+01 : f32
    %max3A = vector.broadcast %jit3A_262 : f32 to vector<512x51xf32>
    %max3A_264 = arith.maximumf %max3A, %add3A_261 : vector<512x51xf32>
    %min3A = vector.broadcast %jit3A_263 : f32 to vector<512x51xf32>
    %min3A_265 = arith.minimumf %min3A, %max3A_264 : vector<512x51xf32>
    %sub3A_266 = arith.constant -1.000000e+01 : f32
    %sub3A_267 = vector.broadcast %sub3A_266 : f32 to vector<512x51xf32>
    %sub3A_268 = arith.subf %min3A_265, %sub3A_267 : vector<512x51xf32>
    %div3A_269 = arith.constant 4.000000e-01 : f32
    %div3A_270 = vector.broadcast %div3A_269 : f32 to vector<512x51xf32>
    %div3A_271 = arith.divf %sub3A_268, %div3A_270 : vector<512x51xf32>
    %broadcast_in_dim3A_272 = arith.constant 0.000000e+00 : f32
    %broadcast_in_dim3A_273 = vector.broadcast %broadcast_in_dim3A_272 : f32 to vector<512x13xf32>
    %concatenate3A = tpu.concatenate %div3A_237, %broadcast_in_dim3A_273 in 1 : vector<512x51xf32>, vector<512x13xf32> -> vector<512x64xf32>
    %swap3A = arith.constant 0 : index
    %swap3A_274 = arith.constant 0 : index
    %swap3A_275 = vector.load %arg4[%swap3A, %swap3A_274] : memref<512x64xf32, #tpu.memory_space<vmem>>, vector<512x64xf32>
    tpu.vector_store %arg4[%swap3A, %swap3A_274], %concatenate3A {strides = array<i32>} : memref<512x64xf32, #tpu.memory_space<vmem>>, vector<512x64xf32>,
    %concatenate3A_276 = tpu.concatenate %div3A_271, %broadcast_in_dim3A_273 in 1 : vector<512x51xf32>, vector<512x13xf32> -> vector<512x64xf32>
    %swap3A_277 = arith.constant 0 : index
    %swap3A_278 = arith.constant 0 : index
    %swap3A_279 = vector.load %arg5[%swap3A_277, %swap3A_278] : memref<512x64xf32, #tpu.memory_space<vmem>>, vector<512x64xf32>
    tpu.vector_store %arg5[%swap3A_277, %swap3A_278], %concatenate3A_276 {strides = array<i32>} : memref<512x64xf32, #tpu.memory_space<vmem>>, vector<512x64xf32>,
    return
  }
  func.func @transform_0(%arg0: i32) -> (i32, i32) {
    %c0_i32 = arith.constant 0 : i32
    %c0_i32_0 = arith.constant 0 : i32
    return %arg0, %c0_i32 : i32, i32
  }
  func.func @transform_1(%arg0: i32) -> (i32, i32) {
    %c0_i32 = arith.constant 0 : i32
    %c0_i32_0 = arith.constant 0 : i32
    return %arg0, %c0_i32 : i32, i32
  }
  func.func @transform_2(%arg0: i32) -> (i32, i32) {
    %c0_i32 = arith.constant 0 : i32
    %c0_i32_0 = arith.constant 0 : i32
    return %arg0, %c0_i32 : i32, i32
  }
  func.func @transform_3(%arg0: i32) -> (i32, i32) {
    %c0_i32 = arith.constant 0 : i32
    %c0_i32_0 = arith.constant 0 : i32
    return %arg0, %c0_i32 : i32, i32
  }
  func.func @transform_4(%arg0: i32) -> (i32, i32) {
    %c0_i32 = arith.constant 0 : i32
    %c0_i32_0 = arith.constant 0 : i32
    return %arg0, %c0_i32 : i32, i32
  }
}

module attributes {stable_mosaic.version = 14 : i64} {
  func.func @_tc2_body(%arg0: i32, %arg1: memref<512x64xf32, #tpu.memory_space<vmem>>, %arg2: memref<512x918xf32, #tpu.memory_space<vmem>>, %arg3: memref<512x1xi32, #tpu.memory_space<vmem>>, %arg4: memref<512x1xf32, #tpu.memory_space<vmem>>) attributes {dimension_semantics = [#tpu.dimension_semantics<arbitrary>], iteration_bounds = array<i64: 32>, scalar_prefetch = 0 : i64, scratch_operands = 0 : i64, tpu.core_type = #tpu.core_type<tc>, window_params = [{transform_indices = @transform_0, window_bounds = array<i64: 512, 64>}, {transform_indices = @transform_1, window_bounds = array<i64: 512, 918>}, {transform_indices = @transform_2, window_bounds = array<i64: 512, 1>}, {transform_indices = @transform_3, window_bounds = array<i64: 512, 1>}]} {
    %iota3A = tpu.iota {dimensions = array<i32: 1>} : vector<51x128xi32>
    %eq3A = arith.constant 0 : i32
    %eq3A_0 = vector.broadcast %eq3A : i32 to vector<51x128xi32>
    %eq3A_1 = arith.cmpi eq, %iota3A, %eq3A_0 : vector<51x128xi32>
    %jit3A = arith.constant 1.000000e+00 : f32
    %jit3A_2 = arith.constant 0.000000e+00 : f32
    %broadcast_in_dim3A = vector.broadcast %jit3A : f32 to vector<51x128xf32>
    %broadcast_in_dim3A_3 = vector.broadcast %jit3A_2 : f32 to vector<51x128xf32>
    %select_n3A = arith.select %eq3A_1, %broadcast_in_dim3A, %broadcast_in_dim3A_3 : vector<51x128xi1>, vector<51x128xf32>
    %get3A = arith.constant 0 : index
    %get3A_4 = arith.constant 0 : index
    %get3A_5 = vector.load %arg3[%get3A, %get3A_4] : memref<512x1xi32, #tpu.memory_space<vmem>>, vector<512x1xi32>
    %get3A_6 = arith.constant 0 : index
    %get3A_7 = arith.constant 0 : index
    %get3A_8 = vector.load %arg2[%get3A_6, %get3A_7] : memref<512x918xf32, #tpu.memory_space<vmem>>, vector<512x918xf32>
    %broadcast_in_dim3A_9 = arith.constant 0 : i32
    %broadcast_in_dim3A_10 = vector.broadcast %broadcast_in_dim3A_9 : i32 to vector<512x51xi32>
    %add3A = vector.broadcast %get3A_5 : vector<512x1xi32> to vector<512x51xi32>
    %add3A_11 = arith.addi %add3A, %broadcast_in_dim3A_10 : vector<512x51xi32>
    %eq3A_12 = arith.constant 0 : i32
    %eq3A_13 = vector.broadcast %eq3A_12 : i32 to vector<512x51xi32>
    %eq3A_14 = arith.cmpi eq, %add3A_11, %eq3A_13 : vector<512x51xi32>
    %slice3A = vector.extract_strided_slice %get3A_8 {offsets = [0, 0], sizes = [512, 51], strides = [1, 1]} : vector<512x918xf32> to vector<512x51xf32>
    %jit3A_15 = arith.constant 0.000000e+00 : f32
    %broadcast_in_dim3A_16 = vector.broadcast %jit3A_15 : f32 to vector<512x51xf32>
    %select_n3A_17 = arith.select %eq3A_14, %slice3A, %broadcast_in_dim3A_16 : vector<512x51xi1>, vector<512x51xf32>
    %eq3A_18 = arith.constant 1 : i32
    %eq3A_19 = vector.broadcast %eq3A_18 : i32 to vector<512x51xi32>
    %eq3A_20 = arith.cmpi eq, %add3A_11, %eq3A_19 : vector<512x51xi32>
    %slice3A_21 = vector.extract_strided_slice %get3A_8 {offsets = [0, 51], sizes = [512, 51], strides = [1, 1]} : vector<512x918xf32> to vector<512x51xf32>
    %jit3A_22 = arith.constant 0.000000e+00 : f32
    %broadcast_in_dim3A_23 = vector.broadcast %jit3A_22 : f32 to vector<512x51xf32>
    %select_n3A_24 = arith.select %eq3A_20, %slice3A_21, %broadcast_in_dim3A_23 : vector<512x51xi1>, vector<512x51xf32>
    %eq3A_25 = arith.constant 2 : i32
    %eq3A_26 = vector.broadcast %eq3A_25 : i32 to vector<512x51xi32>
    %eq3A_27 = arith.cmpi eq, %add3A_11, %eq3A_26 : vector<512x51xi32>
    %slice3A_28 = vector.extract_strided_slice %get3A_8 {offsets = [0, 102], sizes = [512, 51], strides = [1, 1]} : vector<512x918xf32> to vector<512x51xf32>
    %jit3A_29 = arith.constant 0.000000e+00 : f32
    %broadcast_in_dim3A_30 = vector.broadcast %jit3A_29 : f32 to vector<512x51xf32>
    %select_n3A_31 = arith.select %eq3A_27, %slice3A_28, %broadcast_in_dim3A_30 : vector<512x51xi1>, vector<512x51xf32>
    %eq3A_32 = arith.constant 3 : i32
    %eq3A_33 = vector.broadcast %eq3A_32 : i32 to vector<512x51xi32>
    %eq3A_34 = arith.cmpi eq, %add3A_11, %eq3A_33 : vector<512x51xi32>
    %slice3A_35 = vector.extract_strided_slice %get3A_8 {offsets = [0, 153], sizes = [512, 51], strides = [1, 1]} : vector<512x918xf32> to vector<512x51xf32>
    %jit3A_36 = arith.constant 0.000000e+00 : f32
    %broadcast_in_dim3A_37 = vector.broadcast %jit3A_36 : f32 to vector<512x51xf32>
    %select_n3A_38 = arith.select %eq3A_34, %slice3A_35, %broadcast_in_dim3A_37 : vector<512x51xi1>, vector<512x51xf32>
    %eq3A_39 = arith.constant 4 : i32
    %eq3A_40 = vector.broadcast %eq3A_39 : i32 to vector<512x51xi32>
    %eq3A_41 = arith.cmpi eq, %add3A_11, %eq3A_40 : vector<512x51xi32>
    %slice3A_42 = vector.extract_strided_slice %get3A_8 {offsets = [0, 204], sizes = [512, 51], strides = [1, 1]} : vector<512x918xf32> to vector<512x51xf32>
    %jit3A_43 = arith.constant 0.000000e+00 : f32
    %broadcast_in_dim3A_44 = vector.broadcast %jit3A_43 : f32 to vector<512x51xf32>
    %select_n3A_45 = arith.select %eq3A_41, %slice3A_42, %broadcast_in_dim3A_44 : vector<512x51xi1>, vector<512x51xf32>
    %eq3A_46 = arith.constant 5 : i32
    %eq3A_47 = vector.broadcast %eq3A_46 : i32 to vector<512x51xi32>
    %eq3A_48 = arith.cmpi eq, %add3A_11, %eq3A_47 : vector<512x51xi32>
    %slice3A_49 = vector.extract_strided_slice %get3A_8 {offsets = [0, 255], sizes = [512, 51], strides = [1, 1]} : vector<512x918xf32> to vector<512x51xf32>
    %jit3A_50 = arith.constant 0.000000e+00 : f32
    %broadcast_in_dim3A_51 = vector.broadcast %jit3A_50 : f32 to vector<512x51xf32>
    %select_n3A_52 = arith.select %eq3A_48, %slice3A_49, %broadcast_in_dim3A_51 : vector<512x51xi1>, vector<512x51xf32>
    %eq3A_53 = arith.constant 6 : i32
    %eq3A_54 = vector.broadcast %eq3A_53 : i32 to vector<512x51xi32>
    %eq3A_55 = arith.cmpi eq, %add3A_11, %eq3A_54 : vector<512x51xi32>
    %slice3A_56 = vector.extract_strided_slice %get3A_8 {offsets = [0, 306], sizes = [512, 51], strides = [1, 1]} : vector<512x918xf32> to vector<512x51xf32>
    %jit3A_57 = arith.constant 0.000000e+00 : f32
    %broadcast_in_dim3A_58 = vector.broadcast %jit3A_57 : f32 to vector<512x51xf32>
    %select_n3A_59 = arith.select %eq3A_55, %slice3A_56, %broadcast_in_dim3A_58 : vector<512x51xi1>, vector<512x51xf32>
    %eq3A_60 = arith.constant 7 : i32
    %eq3A_61 = vector.broadcast %eq3A_60 : i32 to vector<512x51xi32>
    %eq3A_62 = arith.cmpi eq, %add3A_11, %eq3A_61 : vector<512x51xi32>
    %slice3A_63 = vector.extract_strided_slice %get3A_8 {offsets = [0, 357], sizes = [512, 51], strides = [1, 1]} : vector<512x918xf32> to vector<512x51xf32>
    %jit3A_64 = arith.constant 0.000000e+00 : f32
    %broadcast_in_dim3A_65 = vector.broadcast %jit3A_64 : f32 to vector<512x51xf32>
    %select_n3A_66 = arith.select %eq3A_62, %slice3A_63, %broadcast_in_dim3A_65 : vector<512x51xi1>, vector<512x51xf32>
    %eq3A_67 = arith.constant 8 : i32
    %eq3A_68 = vector.broadcast %eq3A_67 : i32 to vector<512x51xi32>
    %eq3A_69 = arith.cmpi eq, %add3A_11, %eq3A_68 : vector<512x51xi32>
    %slice3A_70 = vector.extract_strided_slice %get3A_8 {offsets = [0, 408], sizes = [512, 51], strides = [1, 1]} : vector<512x918xf32> to vector<512x51xf32>
    %jit3A_71 = arith.constant 0.000000e+00 : f32
    %broadcast_in_dim3A_72 = vector.broadcast %jit3A_71 : f32 to vector<512x51xf32>
    %select_n3A_73 = arith.select %eq3A_69, %slice3A_70, %broadcast_in_dim3A_72 : vector<512x51xi1>, vector<512x51xf32>
    %eq3A_74 = arith.constant 9 : i32
    %eq3A_75 = vector.broadcast %eq3A_74 : i32 to vector<512x51xi32>
    %eq3A_76 = arith.cmpi eq, %add3A_11, %eq3A_75 : vector<512x51xi32>
    %slice3A_77 = vector.extract_strided_slice %get3A_8 {offsets = [0, 459], sizes = [512, 51], strides = [1, 1]} : vector<512x918xf32> to vector<512x51xf32>
    %jit3A_78 = arith.constant 0.000000e+00 : f32
    %broadcast_in_dim3A_79 = vector.broadcast %jit3A_78 : f32 to vector<512x51xf32>
    %select_n3A_80 = arith.select %eq3A_76, %slice3A_77, %broadcast_in_dim3A_79 : vector<512x51xi1>, vector<512x51xf32>
    %eq3A_81 = arith.constant 10 : i32
    %eq3A_82 = vector.broadcast %eq3A_81 : i32 to vector<512x51xi32>
    %eq3A_83 = arith.cmpi eq, %add3A_11, %eq3A_82 : vector<512x51xi32>
    %slice3A_84 = vector.extract_strided_slice %get3A_8 {offsets = [0, 510], sizes = [512, 51], strides = [1, 1]} : vector<512x918xf32> to vector<512x51xf32>
    %jit3A_85 = arith.constant 0.000000e+00 : f32
    %broadcast_in_dim3A_86 = vector.broadcast %jit3A_85 : f32 to vector<512x51xf32>
    %select_n3A_87 = arith.select %eq3A_83, %slice3A_84, %broadcast_in_dim3A_86 : vector<512x51xi1>, vector<512x51xf32>
    %eq3A_88 = arith.constant 11 : i32
    %eq3A_89 = vector.broadcast %eq3A_88 : i32 to vector<512x51xi32>
    %eq3A_90 = arith.cmpi eq, %add3A_11, %eq3A_89 : vector<512x51xi32>
    %slice3A_91 = vector.extract_strided_slice %get3A_8 {offsets = [0, 561], sizes = [512, 51], strides = [1, 1]} : vector<512x918xf32> to vector<512x51xf32>
    %jit3A_92 = arith.constant 0.000000e+00 : f32
    %broadcast_in_dim3A_93 = vector.broadcast %jit3A_92 : f32 to vector<512x51xf32>
    %select_n3A_94 = arith.select %eq3A_90, %slice3A_91, %broadcast_in_dim3A_93 : vector<512x51xi1>, vector<512x51xf32>
    %eq3A_95 = arith.constant 12 : i32
    %eq3A_96 = vector.broadcast %eq3A_95 : i32 to vector<512x51xi32>
    %eq3A_97 = arith.cmpi eq, %add3A_11, %eq3A_96 : vector<512x51xi32>
    %slice3A_98 = vector.extract_strided_slice %get3A_8 {offsets = [0, 612], sizes = [512, 51], strides = [1, 1]} : vector<512x918xf32> to vector<512x51xf32>
    %jit3A_99 = arith.constant 0.000000e+00 : f32
    %broadcast_in_dim3A_100 = vector.broadcast %jit3A_99 : f32 to vector<512x51xf32>
    %select_n3A_101 = arith.select %eq3A_97, %slice3A_98, %broadcast_in_dim3A_100 : vector<512x51xi1>, vector<512x51xf32>
    %eq3A_102 = arith.constant 13 : i32
    %eq3A_103 = vector.broadcast %eq3A_102 : i32 to vector<512x51xi32>
    %eq3A_104 = arith.cmpi eq, %add3A_11, %eq3A_103 : vector<512x51xi32>
    %slice3A_105 = vector.extract_strided_slice %get3A_8 {offsets = [0, 663], sizes = [512, 51], strides = [1, 1]} : vector<512x918xf32> to vector<512x51xf32>
    %jit3A_106 = arith.constant 0.000000e+00 : f32
    %broadcast_in_dim3A_107 = vector.broadcast %jit3A_106 : f32 to vector<512x51xf32>
    %select_n3A_108 = arith.select %eq3A_104, %slice3A_105, %broadcast_in_dim3A_107 : vector<512x51xi1>, vector<512x51xf32>
    %eq3A_109 = arith.constant 14 : i32
    %eq3A_110 = vector.broadcast %eq3A_109 : i32 to vector<512x51xi32>
    %eq3A_111 = arith.cmpi eq, %add3A_11, %eq3A_110 : vector<512x51xi32>
    %slice3A_112 = vector.extract_strided_slice %get3A_8 {offsets = [0, 714], sizes = [512, 51], strides = [1, 1]} : vector<512x918xf32> to vector<512x51xf32>
    %jit3A_113 = arith.constant 0.000000e+00 : f32
    %broadcast_in_dim3A_114 = vector.broadcast %jit3A_113 : f32 to vector<512x51xf32>
    %select_n3A_115 = arith.select %eq3A_111, %slice3A_112, %broadcast_in_dim3A_114 : vector<512x51xi1>, vector<512x51xf32>
    %eq3A_116 = arith.constant 15 : i32
    %eq3A_117 = vector.broadcast %eq3A_116 : i32 to vector<512x51xi32>
    %eq3A_118 = arith.cmpi eq, %add3A_11, %eq3A_117 : vector<512x51xi32>
    %slice3A_119 = vector.extract_strided_slice %get3A_8 {offsets = [0, 765], sizes = [512, 51], strides = [1, 1]} : vector<512x918xf32> to vector<512x51xf32>
    %jit3A_120 = arith.constant 0.000000e+00 : f32
    %broadcast_in_dim3A_121 = vector.broadcast %jit3A_120 : f32 to vector<512x51xf32>
    %select_n3A_122 = arith.select %eq3A_118, %slice3A_119, %broadcast_in_dim3A_121 : vector<512x51xi1>, vector<512x51xf32>
    %eq3A_123 = arith.constant 16 : i32
    %eq3A_124 = vector.broadcast %eq3A_123 : i32 to vector<512x51xi32>
    %eq3A_125 = arith.cmpi eq, %add3A_11, %eq3A_124 : vector<512x51xi32>
    %slice3A_126 = vector.extract_strided_slice %get3A_8 {offsets = [0, 816], sizes = [512, 51], strides = [1, 1]} : vector<512x918xf32> to vector<512x51xf32>
    %jit3A_127 = arith.constant 0.000000e+00 : f32
    %broadcast_in_dim3A_128 = vector.broadcast %jit3A_127 : f32 to vector<512x51xf32>
    %select_n3A_129 = arith.select %eq3A_125, %slice3A_126, %broadcast_in_dim3A_128 : vector<512x51xi1>, vector<512x51xf32>
    %eq3A_130 = arith.constant 17 : i32
    %eq3A_131 = vector.broadcast %eq3A_130 : i32 to vector<512x51xi32>
    %eq3A_132 = arith.cmpi eq, %add3A_11, %eq3A_131 : vector<512x51xi32>
    %slice3A_133 = vector.extract_strided_slice %get3A_8 {offsets = [0, 867], sizes = [512, 51], strides = [1, 1]} : vector<512x918xf32> to vector<512x51xf32>
    %jit3A_134 = arith.constant 0.000000e+00 : f32
    %broadcast_in_dim3A_135 = vector.broadcast %jit3A_134 : f32 to vector<512x51xf32>
    %select_n3A_136 = arith.select %eq3A_132, %slice3A_133, %broadcast_in_dim3A_135 : vector<512x51xi1>, vector<512x51xf32>
    %add3A_137 = arith.addf %select_n3A_17, %select_n3A_24 : vector<512x51xf32>
    %add3A_138 = arith.addf %select_n3A_31, %select_n3A_38 : vector<512x51xf32>
    %add3A_139 = arith.addf %select_n3A_45, %select_n3A_52 : vector<512x51xf32>
    %add3A_140 = arith.addf %select_n3A_59, %select_n3A_66 : vector<512x51xf32>
    %add3A_141 = arith.addf %select_n3A_73, %select_n3A_80 : vector<512x51xf32>
    %add3A_142 = arith.addf %select_n3A_87, %select_n3A_94 : vector<512x51xf32>
    %add3A_143 = arith.addf %select_n3A_101, %select_n3A_108 : vector<512x51xf32>
    %add3A_144 = arith.addf %select_n3A_115, %select_n3A_122 : vector<512x51xf32>
    %add3A_145 = arith.addf %select_n3A_129, %select_n3A_136 : vector<512x51xf32>
    %add3A_146 = arith.addf %add3A_137, %add3A_138 : vector<512x51xf32>
    %add3A_147 = arith.addf %add3A_139, %add3A_140 : vector<512x51xf32>
    %add3A_148 = arith.addf %add3A_141, %add3A_142 : vector<512x51xf32>
    %add3A_149 = arith.addf %add3A_143, %add3A_144 : vector<512x51xf32>
    %add3A_150 = arith.addf %add3A_146, %add3A_147 : vector<512x51xf32>
    %add3A_151 = arith.addf %add3A_148, %add3A_149 : vector<512x51xf32>
    %add3A_152 = arith.addf %add3A_150, %add3A_151 : vector<512x51xf32>
    %add3A_153 = arith.addf %add3A_152, %add3A_145 : vector<512x51xf32>
    %get3A_154 = arith.constant 0 : index
    %get3A_155 = arith.constant 0 : index
    %get3A_156 = vector.load %arg1[%get3A_154, %get3A_155] : memref<512x64xf32, #tpu.memory_space<vmem>>, vector<512x51xf32>
    %exp3A = math.exp %add3A_153 : vector<512x51xf32>
    %dot_general3A = arith.constant dense<0.000000e+00> : vector<512x128xf32>
    %dot_general3A_157 = tpu.matmul %exp3A, %select_n3A, %dot_general3A {dimension_numbers = #tpu.dot_dimension_numbers<[1], [0], [0], [1], [0, 0, 1, 1], [], []>, precision = #tpu.contract_precision<fp32>, transpose_lhs_hint = false} : vector<512x51xf32>, vector<51x128xf32>, vector<512x128xf32> -> vector<512x128xf32>
    %slice3A_158 = vector.extract_strided_slice %dot_general3A_157 {offsets = [0, 0], sizes = [512, 1], strides = [1, 1]} : vector<512x128xf32> to vector<512x1xf32>
    %log3A = math.log %slice3A_158 : vector<512x1xf32>
    %mul3A = arith.mulf %get3A_156, %add3A_153 : vector<512x51xf32>
    %dot_general3A_159 = arith.constant dense<0.000000e+00> : vector<512x128xf32>
    %dot_general3A_160 = tpu.matmul %mul3A, %select_n3A, %dot_general3A_159 {dimension_numbers = #tpu.dot_dimension_numbers<[1], [0], [0], [1], [0, 0, 1, 1], [], []>, precision = #tpu.contract_precision<fp32>, transpose_lhs_hint = false} : vector<512x51xf32>, vector<51x128xf32>, vector<512x128xf32> -> vector<512x128xf32>
    %slice3A_161 = vector.extract_strided_slice %dot_general3A_160 {offsets = [0, 0], sizes = [512, 1], strides = [1, 1]} : vector<512x128xf32> to vector<512x1xf32>
    %dot_general3A_162 = arith.constant dense<0.000000e+00> : vector<512x128xf32>
    %dot_general3A_163 = tpu.matmul %get3A_156, %select_n3A, %dot_general3A_162 {dimension_numbers = #tpu.dot_dimension_numbers<[1], [0], [0], [1], [0, 0, 1, 1], [], []>, precision = #tpu.contract_precision<fp32>, transpose_lhs_hint = false} : vector<512x51xf32>, vector<51x128xf32>, vector<512x128xf32> -> vector<512x128xf32>
    %slice3A_164 = vector.extract_strided_slice %dot_general3A_163 {offsets = [0, 0], sizes = [512, 1], strides = [1, 1]} : vector<512x128xf32> to vector<512x1xf32>
    %mul3A_165 = arith.mulf %log3A, %slice3A_164 : vector<512x1xf32>
    %sub3A = arith.subf %slice3A_161, %mul3A_165 : vector<512x1xf32>
    %neg3A = arith.constant 0.000000e+00 : f32
    %neg3A_166 = vector.broadcast %neg3A : f32 to vector<512x1xf32>
    %neg3A_167 = arith.subf %neg3A_166, %sub3A : vector<512x1xf32>
    %swap3A = arith.constant 0 : index
    %swap3A_168 = arith.constant 0 : index
    %swap3A_169 = vector.load %arg4[%swap3A, %swap3A_168] : memref<512x1xf32, #tpu.memory_space<vmem>>, vector<512x1xf32>
    tpu.vector_store %arg4[%swap3A, %swap3A_168], %neg3A_167 {strides = array<i32>} : memref<512x1xf32, #tpu.memory_space<vmem>>, vector<512x1xf32>,
    return
  }
  func.func @transform_0(%arg0: i32) -> (i32, i32) {
    %c0_i32 = arith.constant 0 : i32
    %c0_i32_0 = arith.constant 0 : i32
    return %arg0, %c0_i32 : i32, i32
  }
  func.func @transform_1(%arg0: i32) -> (i32, i32) {
    %c0_i32 = arith.constant 0 : i32
    %c0_i32_0 = arith.constant 0 : i32
    return %arg0, %c0_i32 : i32, i32
  }
  func.func @transform_2(%arg0: i32) -> (i32, i32) {
    %c0_i32 = arith.constant 0 : i32
    %c0_i32_0 = arith.constant 0 : i32
    return %arg0, %c0_i32 : i32, i32
  }
  func.func @transform_3(%arg0: i32) -> (i32, i32) {
    %c0_i32 = arith.constant 0 : i32
    %c0_i32_0 = arith.constant 0 : i32
    return %arg0, %c0_i32 : i32, i32
  }
}

</mosaic_0001>

<sc_bundles>
// kernel: kernel.5.cloned.1.call-start
scs
__scs_entry_jumppad:
0x0: {  	(pc) =	sbr.rel $0x88, $3  }
0x1: {  	(tag) =	ssettag $0x0;
	lr =	simm.s32 $0x1  }
0x2: {  	[smem:$0x3F9C] =	sst lr;
	_ =	strace $0xD0000000  }
0x3: {  	_ = 	snop  }
0x4: {  	_ = 	snop  }
0x5: {  	_ = 	snop  }
0x6: {  	_ = 	snop  }
0x7: {  	_ = 	snop  }
__scs_overlays_trampoline_lowered:
0x8: {  	[smem:$0x3FAB] =	sst s0  }
0x9: {  	[smem:$0x3FAC] =	sst s1  }
0xa: {  	[smem:$0x3FAD] =	sst s2  }
0xb: {  	[smem:$0x3FAE] =	sst s3  }
0xc: {  	[smem:$0x3FAF] =	sst s4  }
0xd: {  	[smem:$0x3FB0] =	sst s5  }
0xe: {  	[smem:$0x3FB1] =	sst s6  }
0xf: {  	[smem:$0x3FB2] =	sst s7  }
0x10: {  	[smem:$0x3FB3] =	sst s8  }
0x11: {  	[smem:$0x3FB4] =	sst s9;
	s0 =	simm.s32 @!p0 $0x0  }
0x12: {  	s1 =	sld [smem:$0x3F9A];
	s0 =	simm.s32 @p0 $0x1  }
0x13: {  	[smem:$0x3FB5] =	sst s0;
	s0 =	simm.s32 @!p1 $0x0  }
0x14: {  	s2 =	sld [smem:$0x3F99];
	s0 =	simm.s32 @p1 $0x1  }
0x15: {  	[smem:$0x3FB6] =	sst s0;
	s0 =	simm.s32 @!p2 $0x0  }
0x16: {  	s3 =	sld [smem:$0x3FDB];
	s0 =	simm.s32 @p2 $0x1  }
0x17: {  	s4 =	simm.s32 $0x1BF5;
	[smem:$0x3FB8] =	sst s0  }
0x18: {  	s0 =	sld [smem:$0x3F9B];
	_ =	swait.ge [sflag:s4], $0x0  }
0x19: {  	s7 =	sld [smem:$0x3F9C]  }
0x1a: {  	s8 =	sadd.s32 $0xFFFFE003, lr  }
0x1b: {  	s9 =	sadd.s32 $0xFFFFFEF7, lr;
	s5 =	simm.s32 $0xFFFFFFFF;
	p2 =	slt.u32 s8, $0xFFFFF086  }
0x1c: {  	p1 =	slt.u32 s9, $0xF7A;
	s5 =	simm.s32 @!p2 $0x0  }
0x1d: {  	s5 =	simm.s32 @p1 $0x1;
	p0 =	seq.s32 s7, s2  }
0x1e: {  	s7 =	smul.u32 @!p0 $0xF7A, s2;
	p2 =	seq.s32 @!p0 s5, $0x0  }
0x1f: {  	s9 =	smul.u32 $0xF7A, s1;
	s8 =	simm.s32 @!p0 $0x1BF5;
	p2 =	por !p2, p0  }
0x20: {  	[sflag:s8] =	ssyncset.s32 @!p0 $0xFFFFF086;
	s6 =	sadd.s32 @!p0 s3, s7;
	s7 =	simm.s32 @!p0 $0x108  }
0x21: {  	s3 =	sadd.s32 s3, s9;
	s6 =	sadd.s32 @!p0 $0x88, s6;
	s7 =	simm.s32 @p2 $0x1082  }
0x22: {  	[simem:s7], [sflag:s8] =	dma.local @!p0 [hbm:s6], $0xF7A  }
0x23: {  	s9 =	sor.u32 $0xD0000000, s2;
	s6 =	simm.s32 $0x108;
	_ =	swait.ge @!p0 [sflag:s8], $0x0  }
0x24: {  	s3 =	sadd.s32 $0x88, s3;
	s6 =	simm.s32 @!p1 $0x1082;
	[sflag:s4] =	ssyncset.s32 $0xFFFFF086  }
0x25: {  	[simem:s6], [sflag:s4] =	dma.local [hbm:s3], $0xF7A  }
0x26: {  	[smem:$0x3F9C] =	sst s1;
	(tag) =	ssettag s2;
	_ =	strace s9  }
0x27: {  	s1 =	sld [smem:$0x3FAC]  }
0x28: {  	s2 =	sld [smem:$0x3FAD]  }
0x29: {  	s4 =	sld [smem:$0x3FAF]  }
0x2a: {  	p0 =	seq.s32 s5, $0x0;
	s5 =	sld [smem:$0x3FB0]  }
0x2b: {  	s6 =	sld [smem:$0x3FB1]  }
0x2c: {  	s7 =	sld [smem:$0x3FB2]  }
0x2d: {  	s3 =	simm.s32 $0x108;
	s8 =	sld [smem:$0x3FB3]  }
0x2e: {  	s3 =	simm.s32 @!p0 $0x1082;
	s9 =	sld [smem:$0x3FB4]  }
0x2f: {  	lr =	sadd.s32 s0, s3;
	s0 =	sld [smem:$0x3FAB]  }
0x30: {  	s3 =	sld [smem:$0x3FAE]  }
0x31: {  	[smem:$0x3FB7] =	sst s10  }
0x32: {  	s10 =	sld [smem:$0x3FB5];
	_ =	sdelay $0x3  }
0x33: {  	p0 =	seq.s32 s10, $0x1;
	s10 =	sld [smem:$0x3FB7];
	_ =	sdelay $0x3  }
0x34: {  	[smem:$0x3FB7] =	sst s10  }
0x35: {  	s10 =	sld [smem:$0x3FB6];
	_ =	sdelay $0x3  }
0x36: {  	p1 =	seq.s32 s10, $0x1;
	s10 =	sld [smem:$0x3FB7];
	_ =	sdelay $0x3  }
0x37: {  	[smem:$0x3FB7] =	sst s10  }
0x38: {  	s10 =	sld [smem:$0x3FB8]  }
0x39: {  	_ = 	snop;
	(pc) =	sbr.ind lr, $3  }
0x3a: {  	_ = 	snop  }
0x3b: {  	_ = 	snop  }
0x3c: {  	p2 =	seq.s32 s10, $0x1;
	s10 =	sld [smem:$0x3FB7]  }
0x3d: {  	_ =	shalt  }
0x3e: {  	_ =	shalt  }
0x3f: {  	_ =	shalt  }
0x40: {  	_ =	shalt  }
0x41: {  	_ =	shalt  }
0x42: {  	_ =	shalt  }
0x43: {  	_ =	shalt  }
0x44: {  	_ =	shalt  }
0x45: {  	_ =	shalt  }
0x46: {  	_ =	shalt  }
0x47: {  	_ =	shalt  }
0x48: {  	_ =	shalt  }
0x49: {  	_ =	shalt  }
0x4a: {  	_ =	shalt  }
0x4b: {  	_ =	shalt  }
0x4c: {  	_ =	shalt  }
0x4d: {  	_ =	shalt  }
0x4e: {  	_ =	shalt  }
0x4f: {  	_ =	shalt  }
0x50: {  	_ =	shalt  }
0x51: {  	_ =	shalt  }
0x52: {  	_ =	shalt  }
0x53: {  	_ =	shalt  }
0x54: {  	_ =	shalt  }
0x55: {  	_ =	shalt  }
0x56: {  	_ =	shalt  }
0x57: {  	_ =	shalt  }
0x58: {  	_ =	shalt  }
0x59: {  	_ =	shalt  }
0x5a: {  	_ =	shalt  }
0x5b: {  	_ =	shalt  }
0x5c: {  	_ =	shalt  }
0x5d: {  	_ =	shalt  }
0x5e: {  	_ =	shalt  }
0x5f: {  	_ =	shalt  }
0x60: {  	_ =	shalt  }
0x61: {  	_ =	shalt  }
0x62: {  	_ =	shalt  }
0x63: {  	_ =	shalt  }
0x64: {  	_ =	shalt  }
0x65: {  	_ =	shalt  }
0x66: {  	_ =	shalt  }
0x67: {  	_ =	shalt  }
0x68: {  	_ =	shalt  }
0x69: {  	_ =	shalt  }
0x6a: {  	_ =	shalt  }
0x6b: {  	_ =	shalt  }
0x6c: {  	_ =	shalt  }
0x6d: {  	_ =	shalt  }
0x6e: {  	_ =	shalt  }
0x6f: {  	_ =	shalt  }
0x70: {  	_ =	shalt  }
0x71: {  	_ =	shalt  }
0x72: {  	_ =	shalt  }
0x73: {  	_ =	shalt  }
0x74: {  	_ =	shalt  }
0x75: {  	_ =	shalt  }
0x76: {  	_ =	shalt  }
0x77: {  	_ =	shalt  }
0x78: {  	_ =	shalt  }
0x79: {  	_ =	shalt  }
0x7a: {  	_ =	shalt  }
0x7b: {  	_ =	shalt  }
0x7c: {  	_ =	shalt  }
0x7d: {  	_ =	shalt  }
0x7e: {  	_ =	shalt  }
0x7f: {  	_ =	shalt  }
0x80: {  	_ =	shalt  }
0x81: {  	_ =	shalt  }
0x82: {  	_ =	shalt  }
0x83: {  	_ =	shalt  }
0x84: {  	_ =	shalt  }
0x85: {  	_ =	shalt  }
0x86: {  	_ =	shalt  }
0x87: {  	_ =	shalt  }
.Lfunc_end0:
.L_simem_size_0:
called_computation_lowered:
.L_overlay_start_0:
0x88: {  	s2 =	sld [smem:$0x3FD9]  }
0x89: {  	s3 =	sld [smem:$0x3FFE];
	_ =	sdelay $0x1  }
0x8a: {  	s1 =	srdreg.scid  }
0x8b: {  	s0 =	sand.u32 $0x1, s1  }
0x8c: {  	s16 =	sshll.u32 s0, $0xA;
	s2 =	sadd.s32 s3, s2  }
0x8d: {  	s2 =	sadd.s32 s2, s16  }
0x8e: {  	[smem:$0x3FC3] =	sst s2  }
0x8f: {  	_ = 	snop  }
0x90: {  	(tm) =	ssettm $0x1  }
0x91: {  	s17 =	sld [smem:$0x3FFB];
	_ =	sdelay $0x3  }
0x92: {  	_ =	strace s17  }
0x93: {  	s2 =	sld [smem:$0x3FFC];
	_ =	sdelay $0x3  }
0x94: {  	_ =	strace s2  }
0x95: {  	s2 =	sld [smem:$0x3FFD];
	_ =	sdelay $0x3  }
0x96: {  	_ =	strace s2  }
0x97: {  	_ =	strace $0x8FFFFFFF  }
0x98: {  	s18 =	sld [smem:$0x3FDB];
	_ =	sdelay $0x1  }
0x99: {  	s19 =	simm.s32 $_scs_section_size  }
0x9a: {  	s4 =	simm.s32 $_size__tile_overlayer_lowered;
	s5 =	simm.s32 $_tile_overlayer_lowered  }
0x9b: {  	s22 =	simm.s32 $0x1BFF;
	s21 =	sshll.u32 s5, $0x1;
	s2 =	sadd.s32 s19, s18  }
0x9c: {  	s6 =	simm.s32 $0x0;
	s20 =	sshll.u32 s4, $0x1;
	s4 =	sadd.s32 s21, s2  }
0x9d: {  	[timem:s6], [sflag:s22] =	dma.local [hbm:s4], s20  }
0x9e: {  	_ =	swait.ge [sflag:s22], s20  }
0x9f: {  	s3 =	ssub.s32 $0x0, s20;
	[sflag:s22] =	ssyncset.done $0x0  }
0xa0: {  	[sflag:s22] =	ssyncadd.s32 s3;
	_ =	sdelay $0x1  }
0xa1: {  	s23 =	simm.s32 $0x1B8B  }
0xa2: {  	_ =	swait.ge [sflag:s23], $0x1  }
0xa3: {  	[sflag:s23] =	ssyncset.done $0x0  }
0xa4: {  	s25 =	simm.s32 $0x1B8E;
	s24 =	sld [smem:$0x3FFE];
	[sflag:s23] =	ssyncadd.s32 $0xFFFFFFFF  }
0xa5: {  	s26 =	simm.s32 $execute0_lowered;
	[smem:$0x3FD2] =	sst s25  }
0xa6: {  	s4 =	sshll.u32 s26, $0x1;
	_ =	strace $0x80000046;
	[dreg:$0x1] =	wrdreg $0xFFFFFFFF  }
0xa7: {  	s28 =	simm.s32 $_size_execute0_lowered;
	s2 =	sadd.s32 s2, s4;
	[dreg:$0x0] =	wrdreg $0x0  }
0xa8: {  	s4 =	sshll.u32 s28, $0x1;
	[dreg:$0x2] =	wrdreg s2  }
0xa9: {  	[dreg:$0x3] =	wrdreg s4  }
0xaa: {  	[dreg:$0x4] =	wrdreg $0xC0  }
0xab: {  	_ =	task [dreg:s6], $0x5FFFF  }
0xac: {  	[dreg:$0x1] =	wrdreg $0xFFFFFFFF  }
0xad: {  	[dreg:$0x0] =	wrdreg $0x60  }
0xae: {  	[dreg:$0x2] =	wrdreg s24  }
0xaf: {  	[dreg:$0x3] =	wrdreg $0x9  }
0xb0: {  	_ =	task.clear_ibuf [dreg:s6], $0x4FFFF;
	_ =	strace $0x90000046  }
0xb1: {  	s29 =	simm.s32 $0x9;
	_ =	strace $0x80000048  }
0xb2: {  	_ =	swait.ge [sflag:s29], $0x1  }
0xb3: {  	[sflag:s29] =	ssyncadd.s32 $0xFFFFFFFF  }
0xb4: {  	_ =	strace $0x90000048  }
0xb5: {  	_ =	sfence  }
0xb6: {  	s30 =	sld [smem:$0x0];
	_ =	sdelay $0x2  }
0xb7: {  	s31 =	sshll.u32 s1, $0xD;
	s1 =	sshrl.u32 s1, $0x2  }
0xb8: {  	s3 =	sand.u32 $0x4000, s31;
	s1 =	sadd.s32 s1, s30  }
0xb9: {  	s0 =	sor.u32 s3, s0;
	s1 =	sshll.u32 s1, $0x11  }
0xba: {  	s0 =	sor.u32 s1, s0  }
0xbb: {  	s0 =	sadd.s32 $0x8F2B, s0  }
0xbc: {  	[sflag:s0] =	ssyncadd.remote.s32 $0x1  }
0xbd: {  	_ =	sfence.sel $0xFFFF  }
0xbe: {  	[dreg:$0x0] =	wrdreg $0xFFFFFFFF;
	(pc) =	sbr.abs _section_cstart, $3  }
0xbf: {  	[dreg:$0x1] =	wrdreg $0xFFFFFFFF  }
0xc0: {  	_ =	task.clear_ibuf [dreg:s6], $0x2FFFF;
	_ =	strace $0x9FFFFFFF  }
0xc1: {  	(tm) =	ssettm $0x7FFFFFFF  }
tec
execute0_lowered:
.L_overlay_start_1:
0x0: {  	(tag) =	ssettag $0x1  }
0x1: {  	s2 =	rddreg [dreg:$0x0]  }
0x2: {  	s0 =	rddreg [dreg:$0x1];
	s1 =	simm.s32 $0x0;
	s3 =	srdreg.scid  }
0x3: {  	s9 =	simm.s32 $0x2000;
	s10 =	simm.s32 $0x4000;
	s11 =	simm.s32 $0x0  }
0x4: {  	[smem:$0x7FF] =	sst s1;
	s6 =	sand.u32 $0x1, s3;
	s3 =	sadd.s32 $0x20800, s2  }
0x5: {  	s4 =	sadd.s32 $0x800, s2;
	s5 =	sadd.s32 $0x40800, s2;
	s7 =	ssub.s32 $0x2, s6  }
0x6: {  	s2 =	stileid.u32;
	_ =	strace $0x80000047;
	s8 =	sshrl.u32 s7, $0x1  }
0x7: {  	v1 =	vlaneseq.u32;
	s31 =	sshll.u32 s2, $0xD;
	s6 =	sshll.u32 s6, $0xC;
	s7 =	ssub.s32 s7, s8  }
0x8: {  	v0 =	vimm.f32 $0.0e+00;
	v1 =	vmul.u32 $0x40, v1;
	s6 =	sor.u32 s6, s31;
	s8 =	simm.s32 $0x1;
	s7 =	smax.u32 s7, $0x1  }
.LBB2_1:
0x9: {  	s12 =	simm.s32 $0x0  }
.LBB2_2:
0xa: {  	s13 =	sshll.u32 s12, $0xA  }
0xb: {  	s13 =	sadd.s32 s6, s13  }
0xc: {  	s14 =	simm.s32 $0x0;
	s15 =	sadd.s32 s4, s13  }
0xd: {  	[tilespmem:s14], [sflag:$0x1] =	stream.linear.gather [hbm4b:s15+s14], $0x2000, $0x38;
	[tilespmem:$0x6000] =	vst v63  }
0xe: {  	_ =	swait.ge [sflag:s8], $0x2000  }
0xf: {  	[sflag:s8] =	ssyncset.done $0x0  }
0x10: {  	s31 =	sadd.s32 s3, s13;
	[sflag:s8] =	ssyncadd.s32 $0xFFFFE000  }
0x11: {  	[tilespmem:s9], [sflag:$0x1] =	stream.linear.gather [hbm4b:s31+s14], $0x2000, $0x38;
	[tilespmem:$0x6000] =	vst v63  }
0x12: {  	_ =	swait.ge [sflag:s8], $0x2000  }
0x13: {  	[sflag:s8] =	ssyncset.done $0x0  }
0x14: {  	s16 =	simm.s32 $0x100;
	s15 =	simm.s32 $0x0;
	[sflag:s8] =	ssyncadd.s32 $0xFFFFE000  }
.LBB2_3:
0x15: {  	p0 =	sne.s32 s16, $0x7F00;
	[tilespmem:s15+$0x4030] =	vst v0;
	s17 =	smov.u32 s16;
	s16 =	sadd.s32 $0x100, s16  }
.Ltmp0:
0x16: {  	[tilespmem:s15+$0x4020] =	vst v0;
	(pc) =	sbr.rel @p0 .LBB2_3-.Ltmp0, $3  }
0x17: {  	[tilespmem:s15+$0x4000] =	vst v0  }
0x18: {  	[tilespmem:s15+$0x4010] =	vst v0;
	_ =	sdelay $0x1  }
0x19: {  	s15 =	sshra.s32 s17, $0x2  }
0x1a: {  	[tilespmem:s15+$0x4030] =	vst v0  }
0x1b: {  	[tilespmem:s15+$0x4020] =	vst v0  }
0x1c: {  	[tilespmem:s15+$0x4000] =	vst v0  }
0x1d: {  	[tilespmem:s15+$0x4010] =	vst v0  }
.LBB2_5:
0x1e: {  	v2 =	vmov s14  }
0x1f: {  	v2 =	vshll.u32 v2, $0x6  }
0x20: {  	v2 =	vor.u32 v1, v2;
	_ =	sdelay $0x4  }
0x21: {  	v3 =	vld.idx.msk [tilespmem:v2+s1+$0x0], $0xffff;
	_ =	sdelay $0x4  }
0x22: {  	v4 =	vtrunc.f32 v3  }
0x23: {  	v4 =	vcvt.f32.s32 v4;
	_ =	sdelay $0x1  }
0x24: {  	v5 =	vcvt.s32.f32 v4;
	_ =	sdelay $0x1  }
0x25: {  	v3 =	vsub.f32 v3, v5;
	_ =	sdelay $0x1  }
0x26: {  	vm0 =	vgt.f32 v3, $0.0e+00  }
0x27: {  	v33 =	vsel vm0, $0x3F800000, v0  }
0x28: {  	v6 =	vld.idx.msk [tilespmem:v2+s9+$0x0], $0xffff;
	v7 =	vtrunc.f32 v33  }
0x29: {  	v7 =	vcvt.f32.s32 v7  }
0x2a: {  	v4 =	vadd.s32 v4, v2  }
0x2b: {  	v7 =	vadd.s32 v7, v4  }
0x2c: {  	v8 =	vor.u32 $0x1, v2;
	v5 =	vsub.f32 v33, v3  }
0x2d: {  	v3 =	vmul.f32 v3, v6  }
0x2e: {  	v5 =	vmul.f32 v5, v6  }
0x2f: {  	[tilespmem:v4+s10+$0x0] =	vst.idx.add.f32.msk $0xffff, v3  }
0x30: {  	[tilespmem:v7+s10+$0x0] =	vst.idx.add.f32.msk $0xffff, v5  }
0x31: {  	v3 =	vld.idx.msk [tilespmem:v8+s1+$0x0], $0xffff;
	_ =	sdelay $0x4  }
0x32: {  	v34 =	vtrunc.f32 v3  }
0x33: {  	v4 =	vcvt.f32.s32 v34;
	_ =	sdelay $0x1  }
0x34: {  	v35 =	vcvt.s32.f32 v4;
	_ =	sdelay $0x1  }
0x35: {  	v3 =	vsub.f32 v3, v35;
	_ =	sdelay $0x1  }
0x36: {  	vm14 =	vgt.f32 v3, $0.0e+00  }
0x37: {  	v36 =	vsel vm14, $0x3F800000, v0  }
0x38: {  	v37 =	vld.idx.msk [tilespmem:v8+s9+$0x0], $0xffff;
	v38 =	vtrunc.f32 v36  }
0x39: {  	v7 =	vcvt.f32.s32 v38  }
0x3a: {  	v4 =	vadd.s32 v4, v2  }
0x3b: {  	v7 =	vadd.s32 v7, v4  }
0x3c: {  	v39 =	vor.u32 $0x2, v2;
	v5 =	vsub.f32 v36, v3  }
0x3d: {  	v3 =	vmul.f32 v3, v37  }
0x3e: {  	v5 =	vmul.f32 v5, v37  }
0x3f: {  	[tilespmem:v4+s10+$0x0] =	vst.idx.add.f32.msk $0xffff, v3  }
0x40: {  	[tilespmem:v7+s10+$0x0] =	vst.idx.add.f32.msk $0xffff, v5  }
0x41: {  	v3 =	vld.idx.msk [tilespmem:v39+s1+$0x0], $0xffff;
	_ =	sdelay $0x4  }
0x42: {  	v40 =	vtrunc.f32 v3  }
0x43: {  	v4 =	vcvt.f32.s32 v40;
	_ =	sdelay $0x1  }
0x44: {  	v41 =	vcvt.s32.f32 v4;
	_ =	sdelay $0x1  }
0x45: {  	v3 =	vsub.f32 v3, v41;
	_ =	sdelay $0x1  }
0x46: {  	vm15 =	vgt.f32 v3, $0.0e+00  }
0x47: {  	v42 =	vsel vm15, $0x3F800000, v0  }
0x48: {  	v43 =	vld.idx.msk [tilespmem:v39+s9+$0x0], $0xffff;
	v44 =	vtrunc.f32 v42  }
0x49: {  	v7 =	vcvt.f32.s32 v44  }
0x4a: {  	v4 =	vadd.s32 v4, v2  }
0x4b: {  	v7 =	vadd.s32 v7, v4  }
0x4c: {  	v45 =	vor.u32 $0x3, v2;
	v5 =	vsub.f32 v42, v3  }
0x4d: {  	v3 =	vmul.f32 v3, v43  }
0x4e: {  	v5 =	vmul.f32 v5, v43  }
0x4f: {  	[tilespmem:v4+s10+$0x0] =	vst.idx.add.f32.msk $0xffff, v3  }
0x50: {  	[tilespmem:v7+s10+$0x0] =	vst.idx.add.f32.msk $0xffff, v5  }
0x51: {  	v3 =	vld.idx.msk [tilespmem:v45+s1+$0x0], $0xffff;
	_ =	sdelay $0x4  }
0x52: {  	v46 =	vtrunc.f32 v3  }
0x53: {  	v4 =	vcvt.f32.s32 v46;
	_ =	sdelay $0x1  }
0x54: {  	v47 =	vcvt.s32.f32 v4;
	_ =	sdelay $0x1  }
0x55: {  	v3 =	vsub.f32 v3, v47;
	_ =	sdelay $0x1  }
0x56: {  	vm4 =	vgt.f32 v3, $0.0e+00  }
0x57: {  	v48 =	vsel vm4, $0x3F800000, v0  }
0x58: {  	v49 =	vld.idx.msk [tilespmem:v45+s9+$0x0], $0xffff;
	v50 =	vtrunc.f32 v48  }
0x59: {  	v7 =	vcvt.f32.s32 v50  }
0x5a: {  	v4 =	vadd.s32 v4, v2  }
0x5b: {  	v7 =	vadd.s32 v7, v4  }
0x5c: {  	v51 =	vor.u32 $0x4, v2;
	v5 =	vsub.f32 v48, v3  }
0x5d: {  	v3 =	vmul.f32 v3, v49  }
0x5e: {  	v5 =	vmul.f32 v5, v49  }
0x5f: {  	[tilespmem:v4+s10+$0x0] =	vst.idx.add.f32.msk $0xffff, v3  }
0x60: {  	[tilespmem:v7+s10+$0x0] =	vst.idx.add.f32.msk $0xffff, v5  }
0x61: {  	v3 =	vld.idx.msk [tilespmem:v51+s1+$0x0], $0xffff;
	_ =	sdelay $0x4  }
0x62: {  	v52 =	vtrunc.f32 v3  }
0x63: {  	v4 =	vcvt.f32.s32 v52;
	_ =	sdelay $0x1  }
0x64: {  	v53 =	vcvt.s32.f32 v4;
	_ =	sdelay $0x1  }
0x65: {  	v3 =	vsub.f32 v3, v53;
	_ =	sdelay $0x1  }
0x66: {  	vm5 =	vgt.f32 v3, $0.0e+00  }
0x67: {  	v54 =	vsel vm5, $0x3F800000, v0  }
0x68: {  	v55 =	vld.idx.msk [tilespmem:v51+s9+$0x0], $0xffff;
	v56 =	vtrunc.f32 v54  }
0x69: {  	v7 =	vcvt.f32.s32 v56  }
0x6a: {  	v4 =	vadd.s32 v4, v2  }
0x6b: {  	v7 =	vadd.s32 v7, v4  }
0x6c: {  	v57 =	vor.u32 $0x5, v2;
	v5 =	vsub.f32 v54, v3  }
0x6d: {  	v3 =	vmul.f32 v3, v55  }
0x6e: {  	v5 =	vmul.f32 v5, v55  }
0x6f: {  	[tilespmem:v4+s10+$0x0] =	vst.idx.add.f32.msk $0xffff, v3  }
0x70: {  	[tilespmem:v7+s10+$0x0] =	vst.idx.add.f32.msk $0xffff, v5  }
0x71: {  	v3 =	vld.idx.msk [tilespmem:v57+s1+$0x0], $0xffff;
	_ =	sdelay $0x4  }
0x72: {  	v58 =	vtrunc.f32 v3  }
0x73: {  	v4 =	vcvt.f32.s32 v58;
	_ =	sdelay $0x1  }
0x74: {  	v59 =	vcvt.s32.f32 v4;
	_ =	sdelay $0x1  }
0x75: {  	v3 =	vsub.f32 v3, v59;
	_ =	sdelay $0x1  }
0x76: {  	vm6 =	vgt.f32 v3, $0.0e+00  }
0x77: {  	v60 =	vsel vm6, $0x3F800000, v0  }
0x78: {  	v61 =	vld.idx.msk [tilespmem:v57+s9+$0x0], $0xffff;
	v62 =	vtrunc.f32 v60  }
0x79: {  	v7 =	vcvt.f32.s32 v62  }
0x7a: {  	v4 =	vadd.s32 v4, v2  }
0x7b: {  	v7 =	vadd.s32 v7, v4  }
0x7c: {  	v63 =	vor.u32 $0x6, v2;
	v5 =	vsub.f32 v60, v3  }
0x7d: {  	v3 =	vmul.f32 v3, v61  }
0x7e: {  	v5 =	vmul.f32 v5, v61  }
0x7f: {  	[tilespmem:v4+s10+$0x0] =	vst.idx.add.f32.msk $0xffff, v3  }
0x80: {  	[tilespmem:v7+s10+$0x0] =	vst.idx.add.f32.msk $0xffff, v5  }
0x81: {  	v3 =	vld.idx.msk [tilespmem:v63+s1+$0x0], $0xffff;
	_ =	sdelay $0x4  }
0x82: {  	v10 =	vtrunc.f32 v3  }
0x83: {  	v4 =	vcvt.f32.s32 v10;
	_ =	sdelay $0x1  }
0x84: {  	v11 =	vcvt.s32.f32 v4;
	_ =	sdelay $0x1  }
0x85: {  	v3 =	vsub.f32 v3, v11;
	_ =	sdelay $0x1  }
0x86: {  	vm7 =	vgt.f32 v3, $0.0e+00  }
0x87: {  	v12 =	vsel vm7, $0x3F800000, v0  }
0x88: {  	v13 =	vld.idx.msk [tilespmem:v63+s9+$0x0], $0xffff;
	v14 =	vtrunc.f32 v12  }
0x89: {  	v7 =	vcvt.f32.s32 v14  }
0x8a: {  	v4 =	vadd.s32 v4, v2  }
0x8b: {  	v7 =	vadd.s32 v7, v4  }
0x8c: {  	v15 =	vor.u32 $0x7, v2;
	v5 =	vsub.f32 v12, v3  }
0x8d: {  	v3 =	vmul.f32 v3, v13  }
0x8e: {  	v5 =	vmul.f32 v5, v13  }
0x8f: {  	[tilespmem:v4+s10+$0x0] =	vst.idx.add.f32.msk $0xffff, v3  }
0x90: {  	[tilespmem:v7+s10+$0x0] =	vst.idx.add.f32.msk $0xffff, v5  }
0x91: {  	v3 =	vld.idx.msk [tilespmem:v15+s1+$0x0], $0xffff;
	_ =	sdelay $0x4  }
0x92: {  	v16 =	vtrunc.f32 v3  }
0x93: {  	v4 =	vcvt.f32.s32 v16;
	_ =	sdelay $0x1  }
0x94: {  	v17 =	vcvt.s32.f32 v4;
	_ =	sdelay $0x1  }
0x95: {  	v3 =	vsub.f32 v3, v17;
	_ =	sdelay $0x1  }
0x96: {  	vm8 =	vgt.f32 v3, $0.0e+00  }
0x97: {  	v18 =	vsel vm8, $0x3F800000, v0  }
0x98: {  	v19 =	vld.idx.msk [tilespmem:v15+s9+$0x0], $0xffff;
	v20 =	vtrunc.f32 v18  }
0x99: {  	v7 =	vcvt.f32.s32 v20  }
0x9a: {  	v4 =	vadd.s32 v4, v2  }
0x9b: {  	v7 =	vadd.s32 v7, v4  }
0x9c: {  	v21 =	vor.u32 $0x8, v2;
	v5 =	vsub.f32 v18, v3  }
0x9d: {  	v3 =	vmul.f32 v3, v19  }
0x9e: {  	v5 =	vmul.f32 v5, v19  }
0x9f: {  	[tilespmem:v4+s10+$0x0] =	vst.idx.add.f32.msk $0xffff, v3  }
0xa0: {  	[tilespmem:v7+s10+$0x0] =	vst.idx.add.f32.msk $0xffff, v5  }
0xa1: {  	v3 =	vld.idx.msk [tilespmem:v21+s1+$0x0], $0xffff;
	_ =	sdelay $0x4  }
0xa2: {  	v22 =	vtrunc.f32 v3  }
0xa3: {  	v4 =	vcvt.f32.s32 v22;
	_ =	sdelay $0x1  }
0xa4: {  	v23 =	vcvt.s32.f32 v4;
	_ =	sdelay $0x1  }
0xa5: {  	v3 =	vsub.f32 v3, v23;
	_ =	sdelay $0x1  }
0xa6: {  	vm9 =	vgt.f32 v3, $0.0e+00  }
0xa7: {  	v24 =	vsel vm9, $0x3F800000, v0  }
0xa8: {  	v25 =	vld.idx.msk [tilespmem:v21+s9+$0x0], $0xffff;
	v26 =	vtrunc.f32 v24  }
0xa9: {  	v7 =	vcvt.f32.s32 v26  }
0xaa: {  	v4 =	vadd.s32 v4, v2  }
0xab: {  	v7 =	vadd.s32 v7, v4  }
0xac: {  	v27 =	vor.u32 $0x9, v2;
	v5 =	vsub.f32 v24, v3  }
0xad: {  	v3 =	vmul.f32 v3, v25  }
0xae: {  	v5 =	vmul.f32 v5, v25  }
0xaf: {  	[tilespmem:v4+s10+$0x0] =	vst.idx.add.f32.msk $0xffff, v3  }
0xb0: {  	[tilespmem:v7+s10+$0x0] =	vst.idx.add.f32.msk $0xffff, v5  }
0xb1: {  	v3 =	vld.idx.msk [tilespmem:v27+s1+$0x0], $0xffff;
	_ =	sdelay $0x4  }
0xb2: {  	v28 =	vtrunc.f32 v3  }
0xb3: {  	v4 =	vcvt.f32.s32 v28;
	_ =	sdelay $0x1  }
0xb4: {  	v29 =	vcvt.s32.f32 v4;
	_ =	sdelay $0x1  }
0xb5: {  	v3 =	vsub.f32 v3, v29;
	_ =	sdelay $0x1  }
0xb6: {  	vm10 =	vgt.f32 v3, $0.0e+00  }
0xb7: {  	v30 =	vsel vm10, $0x3F800000, v0  }
0xb8: {  	v31 =	vld.idx.msk [tilespmem:v27+s9+$0x0], $0xffff;
	v32 =	vtrunc.f32 v30  }
0xb9: {  	v7 =	vcvt.f32.s32 v32  }
0xba: {  	v4 =	vadd.s32 v4, v2  }
0xbb: {  	v7 =	vadd.s32 v7, v4  }
0xbc: {  	v33 =	vor.u32 $0xA, v2;
	v5 =	vsub.f32 v30, v3  }
0xbd: {  	v3 =	vmul.f32 v3, v31  }
0xbe: {  	v5 =	vmul.f32 v5, v31  }
0xbf: {  	[tilespmem:v4+s10+$0x0] =	vst.idx.add.f32.msk $0xffff, v3  }
0xc0: {  	[tilespmem:v7+s10+$0x0] =	vst.idx.add.f32.msk $0xffff, v5  }
0xc1: {  	v3 =	vld.idx.msk [tilespmem:v33+s1+$0x0], $0xffff;
	_ =	sdelay $0x4  }
0xc2: {  	v34 =	vtrunc.f32 v3  }
0xc3: {  	v4 =	vcvt.f32.s32 v34;
	_ =	sdelay $0x1  }
0xc4: {  	v35 =	vcvt.s32.f32 v4;
	_ =	sdelay $0x1  }
0xc5: {  	v3 =	vsub.f32 v3, v35;
	_ =	sdelay $0x1  }
0xc6: {  	vm11 =	vgt.f32 v3, $0.0e+00  }
0xc7: {  	v36 =	vsel vm11, $0x3F800000, v0  }
0xc8: {  	v37 =	vld.idx.msk [tilespmem:v33+s9+$0x0], $0xffff;
	v38 =	vtrunc.f32 v36  }
0xc9: {  	v7 =	vcvt.f32.s32 v38  }
0xca: {  	v4 =	vadd.s32 v4, v2  }
0xcb: {  	v7 =	vadd.s32 v7, v4  }
0xcc: {  	v39 =	vor.u32 $0xB, v2;
	v5 =	vsub.f32 v36, v3  }
0xcd: {  	v3 =	vmul.f32 v3, v37  }
0xce: {  	v5 =	vmul.f32 v5, v37  }
0xcf: {  	[tilespmem:v4+s10+$0x0] =	vst.idx.add.f32.msk $0xffff, v3  }
0xd0: {  	[tilespmem:v7+s10+$0x0] =	vst.idx.add.f32.msk $0xffff, v5  }
0xd1: {  	v3 =	vld.idx.msk [tilespmem:v39+s1+$0x0], $0xffff;
	_ =	sdelay $0x4  }
0xd2: {  	v40 =	vtrunc.f32 v3  }
0xd3: {  	v4 =	vcvt.f32.s32 v40;
	_ =	sdelay $0x1  }
0xd4: {  	v41 =	vcvt.s32.f32 v4;
	_ =	sdelay $0x1  }
0xd5: {  	v3 =	vsub.f32 v3, v41;
	_ =	sdelay $0x1  }
0xd6: {  	vm12 =	vgt.f32 v3, $0.0e+00  }
0xd7: {  	v42 =	vsel vm12, $0x3F800000, v0  }
0xd8: {  	v43 =	vld.idx.msk [tilespmem:v39+s9+$0x0], $0xffff;
	v44 =	vtrunc.f32 v42  }
0xd9: {  	v7 =	vcvt.f32.s32 v44  }
0xda: {  	v4 =	vadd.s32 v4, v2  }
0xdb: {  	v7 =	vadd.s32 v7, v4  }
0xdc: {  	v45 =	vor.u32 $0xC, v2;
	v5 =	vsub.f32 v42, v3  }
0xdd: {  	v3 =	vmul.f32 v3, v43  }
0xde: {  	v5 =	vmul.f32 v5, v43  }
0xdf: {  	[tilespmem:v4+s10+$0x0] =	vst.idx.add.f32.msk $0xffff, v3  }
0xe0: {  	[tilespmem:v7+s10+$0x0] =	vst.idx.add.f32.msk $0xffff, v5  }
0xe1: {  	v3 =	vld.idx.msk [tilespmem:v45+s1+$0x0], $0xffff;
	_ =	sdelay $0x4  }
0xe2: {  	v46 =	vtrunc.f32 v3  }
0xe3: {  	v4 =	vcvt.f32.s32 v46;
	_ =	sdelay $0x1  }
0xe4: {  	v47 =	vcvt.s32.f32 v4;
	_ =	sdelay $0x1  }
0xe5: {  	v3 =	vsub.f32 v3, v47;
	_ =	sdelay $0x1  }
0xe6: {  	vm13 =	vgt.f32 v3, $0.0e+00  }
0xe7: {  	v48 =	vsel vm13, $0x3F800000, v0  }
0xe8: {  	v49 =	vld.idx.msk [tilespmem:v45+s9+$0x0], $0xffff;
	v50 =	vtrunc.f32 v48  }
0xe9: {  	v7 =	vcvt.f32.s32 v50  }
0xea: {  	v4 =	vadd.s32 v4, v2  }
0xeb: {  	v7 =	vadd.s32 v7, v4  }
0xec: {  	v51 =	vor.u32 $0xD, v2;
	v5 =	vsub.f32 v48, v3  }
0xed: {  	v3 =	vmul.f32 v3, v49  }
0xee: {  	v5 =	vmul.f32 v5, v49  }
0xef: {  	[tilespmem:v4+s10+$0x0] =	vst.idx.add.f32.msk $0xffff, v3  }
0xf0: {  	[tilespmem:v7+s10+$0x0] =	vst.idx.add.f32.msk $0xffff, v5  }
0xf1: {  	v3 =	vld.idx.msk [tilespmem:v51+s1+$0x0], $0xffff;
	_ =	sdelay $0x4  }
0xf2: {  	v52 =	vtrunc.f32 v3  }
0xf3: {  	v4 =	vcvt.f32.s32 v52;
	_ =	sdelay $0x1  }
0xf4: {  	v53 =	vcvt.s32.f32 v4;
	_ =	sdelay $0x1  }
0xf5: {  	v3 =	vsub.f32 v3, v53;
	_ =	sdelay $0x1  }
0xf6: {  	vm14 =	vgt.f32 v3, $0.0e+00  }
0xf7: {  	v54 =	vsel vm14, $0x3F800000, v0  }
0xf8: {  	v55 =	vld.idx.msk [tilespmem:v51+s9+$0x0], $0xffff;
	v56 =	vtrunc.f32 v54  }
0xf9: {  	v7 =	vcvt.f32.s32 v56  }
0xfa: {  	v4 =	vadd.s32 v4, v2  }
0xfb: {  	v7 =	vadd.s32 v7, v4  }
0xfc: {  	v57 =	vor.u32 $0xE, v2;
	v5 =	vsub.f32 v54, v3  }
0xfd: {  	v3 =	vmul.f32 v3, v55  }
0xfe: {  	v5 =	vmul.f32 v5, v55  }
0xff: {  	[tilespmem:v4+s10+$0x0] =	vst.idx.add.f32.msk $0xffff, v3  }
0x100: {  	[tilespmem:v7+s10+$0x0] =	vst.idx.add.f32.msk $0xffff, v5  }
0x101: {  	v3 =	vld.idx.msk [tilespmem:v57+s1+$0x0], $0xffff;
	_ =	sdelay $0x4  }
0x102: {  	v58 =	vtrunc.f32 v3  }
0x103: {  	v4 =	vcvt.f32.s32 v58;
	_ =	sdelay $0x1  }
0x104: {  	v59 =	vcvt.s32.f32 v4;
	_ =	sdelay $0x1  }
0x105: {  	v3 =	vsub.f32 v3, v59;
	_ =	sdelay $0x1  }
0x106: {  	vm15 =	vgt.f32 v3, $0.0e+00  }
0x107: {  	v60 =	vsel vm15, $0x3F800000, v0  }
0x108: {  	v61 =	vld.idx.msk [tilespmem:v57+s9+$0x0], $0xffff;
	v62 =	vtrunc.f32 v60  }
0x109: {  	v7 =	vcvt.f32.s32 v62  }
0x10a: {  	v4 =	vadd.s32 v4, v2  }
0x10b: {  	v7 =	vadd.s32 v7, v4  }
0x10c: {  	v63 =	vor.u32 $0xF, v2;
	v5 =	vsub.f32 v60, v3  }
0x10d: {  	v3 =	vmul.f32 v3, v61  }
0x10e: {  	v5 =	vmul.f32 v5, v61  }
0x10f: {  	[tilespmem:v4+s10+$0x0] =	vst.idx.add.f32.msk $0xffff, v3  }
0x110: {  	[tilespmem:v7+s10+$0x0] =	vst.idx.add.f32.msk $0xffff, v5  }
0x111: {  	v3 =	vld.idx.msk [tilespmem:v63+s1+$0x0], $0xffff;
	_ =	sdelay $0x4  }
0x112: {  	v10 =	vtrunc.f32 v3  }
0x113: {  	v4 =	vcvt.f32.s32 v10;
	_ =	sdelay $0x1  }
0x114: {  	v11 =	vcvt.s32.f32 v4;
	_ =	sdelay $0x1  }
0x115: {  	v3 =	vsub.f32 v3, v11;
	_ =	sdelay $0x1  }
0x116: {  	vm4 =	vgt.f32 v3, $0.0e+00  }
0x117: {  	v12 =	vsel vm4, $0x3F800000, v0  }
0x118: {  	v13 =	vld.idx.msk [tilespmem:v63+s9+$0x0], $0xffff;
	v14 =	vtrunc.f32 v12  }
0x119: {  	v7 =	vcvt.f32.s32 v14  }
0x11a: {  	v4 =	vadd.s32 v4, v2  }
0x11b: {  	v7 =	vadd.s32 v7, v4  }
0x11c: {  	v15 =	vor.u32 $0x10, v2;
	v5 =	vsub.f32 v12, v3  }
0x11d: {  	v3 =	vmul.f32 v3, v13  }
0x11e: {  	v5 =	vmul.f32 v5, v13  }
0x11f: {  	[tilespmem:v4+s10+$0x0] =	vst.idx.add.f32.msk $0xffff, v3  }
0x120: {  	[tilespmem:v7+s10+$0x0] =	vst.idx.add.f32.msk $0xffff, v5  }
0x121: {  	v3 =	vld.idx.msk [tilespmem:v15+s1+$0x0], $0xffff;
	_ =	sdelay $0x4  }
0x122: {  	v16 =	vtrunc.f32 v3  }
0x123: {  	v4 =	vcvt.f32.s32 v16;
	_ =	sdelay $0x1  }
0x124: {  	v17 =	vcvt.s32.f32 v4;
	_ =	sdelay $0x1  }
0x125: {  	v3 =	vsub.f32 v3, v17;
	_ =	sdelay $0x1  }
0x126: {  	vm5 =	vgt.f32 v3, $0.0e+00  }
0x127: {  	v18 =	vsel vm5, $0x3F800000, v0  }
0x128: {  	v19 =	vld.idx.msk [tilespmem:v15+s9+$0x0], $0xffff;
	v20 =	vtrunc.f32 v18  }
0x129: {  	v7 =	vcvt.f32.s32 v20  }
0x12a: {  	v4 =	vadd.s32 v4, v2  }
0x12b: {  	v7 =	vadd.s32 v7, v4  }
0x12c: {  	v21 =	vor.u32 $0x11, v2;
	v5 =	vsub.f32 v18, v3  }
0x12d: {  	v3 =	vmul.f32 v3, v19  }
0x12e: {  	v5 =	vmul.f32 v5, v19  }
0x12f: {  	[tilespmem:v4+s10+$0x0] =	vst.idx.add.f32.msk $0xffff, v3  }
0x130: {  	[tilespmem:v7+s10+$0x0] =	vst.idx.add.f32.msk $0xffff, v5  }
0x131: {  	v3 =	vld.idx.msk [tilespmem:v21+s1+$0x0], $0xffff;
	_ =	sdelay $0x4  }
0x132: {  	v22 =	vtrunc.f32 v3  }
0x133: {  	v4 =	vcvt.f32.s32 v22;
	_ =	sdelay $0x1  }
0x134: {  	v23 =	vcvt.s32.f32 v4;
	_ =	sdelay $0x1  }
0x135: {  	v3 =	vsub.f32 v3, v23;
	_ =	sdelay $0x1  }
0x136: {  	vm6 =	vgt.f32 v3, $0.0e+00  }
0x137: {  	v24 =	vsel vm6, $0x3F800000, v0  }
0x138: {  	v25 =	vld.idx.msk [tilespmem:v21+s9+$0x0], $0xffff;
	v26 =	vtrunc.f32 v24  }
0x139: {  	v7 =	vcvt.f32.s32 v26  }
0x13a: {  	v4 =	vadd.s32 v4, v2  }
0x13b: {  	v7 =	vadd.s32 v7, v4  }
0x13c: {  	v27 =	vor.u32 $0x12, v2;
	v5 =	vsub.f32 v24, v3  }
0x13d: {  	v3 =	vmul.f32 v3, v25  }
0x13e: {  	v5 =	vmul.f32 v5, v25  }
0x13f: {  	[tilespmem:v4+s10+$0x0] =	vst.idx.add.f32.msk $0xffff, v3  }
0x140: {  	[tilespmem:v7+s10+$0x0] =	vst.idx.add.f32.msk $0xffff, v5  }
0x141: {  	v3 =	vld.idx.msk [tilespmem:v27+s1+$0x0], $0xffff;
	_ =	sdelay $0x4  }
0x142: {  	v28 =	vtrunc.f32 v3  }
0x143: {  	v4 =	vcvt.f32.s32 v28;
	_ =	sdelay $0x1  }
0x144: {  	v29 =	vcvt.s32.f32 v4;
	_ =	sdelay $0x1  }
0x145: {  	v3 =	vsub.f32 v3, v29;
	_ =	sdelay $0x1  }
0x146: {  	vm7 =	vgt.f32 v3, $0.0e+00  }
0x147: {  	v30 =	vsel vm7, $0x3F800000, v0  }
0x148: {  	v31 =	vld.idx.msk [tilespmem:v27+s9+$0x0], $0xffff;
	v32 =	vtrunc.f32 v30  }
0x149: {  	v7 =	vcvt.f32.s32 v32  }
0x14a: {  	v4 =	vadd.s32 v4, v2  }
0x14b: {  	v7 =	vadd.s32 v7, v4  }
0x14c: {  	v33 =	vor.u32 $0x13, v2;
	v5 =	vsub.f32 v30, v3  }
0x14d: {  	v3 =	vmul.f32 v3, v31  }
0x14e: {  	v5 =	vmul.f32 v5, v31  }
0x14f: {  	[tilespmem:v4+s10+$0x0] =	vst.idx.add.f32.msk $0xffff, v3  }
0x150: {  	[tilespmem:v7+s10+$0x0] =	vst.idx.add.f32.msk $0xffff, v5  }
0x151: {  	v3 =	vld.idx.msk [tilespmem:v33+s1+$0x0], $0xffff;
	_ =	sdelay $0x4  }
0x152: {  	v34 =	vtrunc.f32 v3  }
0x153: {  	v4 =	vcvt.f32.s32 v34;
	_ =	sdelay $0x1  }
0x154: {  	v35 =	vcvt.s32.f32 v4;
	_ =	sdelay $0x1  }
0x155: {  	v3 =	vsub.f32 v3, v35;
	_ =	sdelay $0x1  }
0x156: {  	vm8 =	vgt.f32 v3, $0.0e+00  }
0x157: {  	v36 =	vsel vm8, $0x3F800000, v0  }
0x158: {  	v37 =	vld.idx.msk [tilespmem:v33+s9+$0x0], $0xffff;
	v38 =	vtrunc.f32 v36  }
0x159: {  	v7 =	vcvt.f32.s32 v38  }
0x15a: {  	v4 =	vadd.s32 v4, v2  }
0x15b: {  	v7 =	vadd.s32 v7, v4  }
0x15c: {  	v39 =	vor.u32 $0x14, v2;
	v5 =	vsub.f32 v36, v3  }
0x15d: {  	v3 =	vmul.f32 v3, v37  }
0x15e: {  	v5 =	vmul.f32 v5, v37  }
0x15f: {  	[tilespmem:v4+s10+$0x0] =	vst.idx.add.f32.msk $0xffff, v3  }
0x160: {  	[tilespmem:v7+s10+$0x0] =	vst.idx.add.f32.msk $0xffff, v5  }
0x161: {  	v3 =	vld.idx.msk [tilespmem:v39+s1+$0x0], $0xffff;
	_ =	sdelay $0x4  }
0x162: {  	v40 =	vtrunc.f32 v3  }
0x163: {  	v4 =	vcvt.f32.s32 v40;
	_ =	sdelay $0x1  }
0x164: {  	v41 =	vcvt.s32.f32 v4;
	_ =	sdelay $0x1  }
0x165: {  	v3 =	vsub.f32 v3, v41;
	_ =	sdelay $0x1  }
0x166: {  	vm9 =	vgt.f32 v3, $0.0e+00  }
0x167: {  	v42 =	vsel vm9, $0x3F800000, v0  }
0x168: {  	v43 =	vld.idx.msk [tilespmem:v39+s9+$0x0], $0xffff;
	v44 =	vtrunc.f32 v42  }
0x169: {  	v7 =	vcvt.f32.s32 v44  }
0x16a: {  	v4 =	vadd.s32 v4, v2  }
0x16b: {  	v7 =	vadd.s32 v7, v4  }
0x16c: {  	v45 =	vor.u32 $0x15, v2;
	v5 =	vsub.f32 v42, v3  }
0x16d: {  	v3 =	vmul.f32 v3, v43  }
0x16e: {  	v5 =	vmul.f32 v5, v43  }
0x16f: {  	[tilespmem:v4+s10+$0x0] =	vst.idx.add.f32.msk $0xffff, v3  }
0x170: {  	[tilespmem:v7+s10+$0x0] =	vst.idx.add.f32.msk $0xffff, v5  }
0x171: {  	v3 =	vld.idx.msk [tilespmem:v45+s1+$0x0], $0xffff;
	_ =	sdelay $0x4  }
0x172: {  	v46 =	vtrunc.f32 v3  }
0x173: {  	v4 =	vcvt.f32.s32 v46;
	_ =	sdelay $0x1  }
0x174: {  	v47 =	vcvt.s32.f32 v4;
	_ =	sdelay $0x1  }
0x175: {  	v3 =	vsub.f32 v3, v47;
	_ =	sdelay $0x1  }
0x176: {  	vm10 =	vgt.f32 v3, $0.0e+00  }
0x177: {  	v48 =	vsel vm10, $0x3F800000, v0  }
0x178: {  	v49 =	vld.idx.msk [tilespmem:v45+s9+$0x0], $0xffff;
	v50 =	vtrunc.f32 v48  }
0x179: {  	v7 =	vcvt.f32.s32 v50  }
0x17a: {  	v4 =	vadd.s32 v4, v2  }
0x17b: {  	v7 =	vadd.s32 v7, v4  }
0x17c: {  	v51 =	vor.u32 $0x16, v2;
	v5 =	vsub.f32 v48, v3  }
0x17d: {  	v3 =	vmul.f32 v3, v49  }
0x17e: {  	v5 =	vmul.f32 v5, v49  }
0x17f: {  	[tilespmem:v4+s10+$0x0] =	vst.idx.add.f32.msk $0xffff, v3  }
0x180: {  	[tilespmem:v7+s10+$0x0] =	vst.idx.add.f32.msk $0xffff, v5  }
0x181: {  	v3 =	vld.idx.msk [tilespmem:v51+s1+$0x0], $0xffff;
	_ =	sdelay $0x4  }
0x182: {  	v52 =	vtrunc.f32 v3  }
0x183: {  	v4 =	vcvt.f32.s32 v52;
	_ =	sdelay $0x1  }
0x184: {  	v53 =	vcvt.s32.f32 v4;
	_ =	sdelay $0x1  }
0x185: {  	v3 =	vsub.f32 v3, v53;
	_ =	sdelay $0x1  }
0x186: {  	vm11 =	vgt.f32 v3, $0.0e+00  }
0x187: {  	v54 =	vsel vm11, $0x3F800000, v0  }
0x188: {  	v55 =	vld.idx.msk [tilespmem:v51+s9+$0x0], $0xffff;
	v56 =	vtrunc.f32 v54  }
0x189: {  	v7 =	vcvt.f32.s32 v56  }
0x18a: {  	v4 =	vadd.s32 v4, v2  }
0x18b: {  	v7 =	vadd.s32 v7, v4  }
0x18c: {  	v57 =	vor.u32 $0x17, v2;
	v5 =	vsub.f32 v54, v3  }
0x18d: {  	v3 =	vmul.f32 v3, v55  }
0x18e: {  	v5 =	vmul.f32 v5, v55  }
0x18f: {  	[tilespmem:v4+s10+$0x0] =	vst.idx.add.f32.msk $0xffff, v3  }
0x190: {  	[tilespmem:v7+s10+$0x0] =	vst.idx.add.f32.msk $0xffff, v5  }
0x191: {  	v3 =	vld.idx.msk [tilespmem:v57+s1+$0x0], $0xffff;
	_ =	sdelay $0x4  }
0x192: {  	v58 =	vtrunc.f32 v3  }
0x193: {  	v4 =	vcvt.f32.s32 v58;
	_ =	sdelay $0x1  }
0x194: {  	v59 =	vcvt.s32.f32 v4;
	_ =	sdelay $0x1  }
0x195: {  	v3 =	vsub.f32 v3, v59;
	_ =	sdelay $0x1  }
0x196: {  	vm12 =	vgt.f32 v3, $0.0e+00  }
0x197: {  	v60 =	vsel vm12, $0x3F800000, v0  }
0x198: {  	v61 =	vld.idx.msk [tilespmem:v57+s9+$0x0], $0xffff;
	v62 =	vtrunc.f32 v60  }
0x199: {  	v7 =	vcvt.f32.s32 v62  }
0x19a: {  	v4 =	vadd.s32 v4, v2  }
0x19b: {  	v7 =	vadd.s32 v7, v4  }
0x19c: {  	v63 =	vor.u32 $0x18, v2;
	v5 =	vsub.f32 v60, v3  }
0x19d: {  	v3 =	vmul.f32 v3, v61  }
0x19e: {  	v5 =	vmul.f32 v5, v61  }
0x19f: {  	[tilespmem:v4+s10+$0x0] =	vst.idx.add.f32.msk $0xffff, v3  }
0x1a0: {  	[tilespmem:v7+s10+$0x0] =	vst.idx.add.f32.msk $0xffff, v5  }
0x1a1: {  	v3 =	vld.idx.msk [tilespmem:v63+s1+$0x0], $0xffff;
	_ =	sdelay $0x4  }
0x1a2: {  	v10 =	vtrunc.f32 v3  }
0x1a3: {  	v4 =	vcvt.f32.s32 v10;
	_ =	sdelay $0x1  }
0x1a4: {  	v11 =	vcvt.s32.f32 v4;
	_ =	sdelay $0x1  }
0x1a5: {  	v3 =	vsub.f32 v3, v11;
	_ =	sdelay $0x1  }
0x1a6: {  	vm13 =	vgt.f32 v3, $0.0e+00  }
0x1a7: {  	v12 =	vsel vm13, $0x3F800000, v0  }
0x1a8: {  	v13 =	vld.idx.msk [tilespmem:v63+s9+$0x0], $0xffff;
	v14 =	vtrunc.f32 v12  }
0x1a9: {  	v7 =	vcvt.f32.s32 v14  }
0x1aa: {  	v4 =	vadd.s32 v4, v2  }
0x1ab: {  	v7 =	vadd.s32 v7, v4  }
0x1ac: {  	v15 =	vor.u32 $0x19, v2;
	v5 =	vsub.f32 v12, v3  }
0x1ad: {  	v3 =	vmul.f32 v3, v13  }
0x1ae: {  	v5 =	vmul.f32 v5, v13  }
0x1af: {  	[tilespmem:v4+s10+$0x0] =	vst.idx.add.f32.msk $0xffff, v3  }
0x1b0: {  	[tilespmem:v7+s10+$0x0] =	vst.idx.add.f32.msk $0xffff, v5  }
0x1b1: {  	v3 =	vld.idx.msk [tilespmem:v15+s1+$0x0], $0xffff;
	_ =	sdelay $0x4  }
0x1b2: {  	v16 =	vtrunc.f32 v3  }
0x1b3: {  	v4 =	vcvt.f32.s32 v16;
	_ =	sdelay $0x1  }
0x1b4: {  	v17 =	vcvt.s32.f32 v4;
	_ =	sdelay $0x1  }
0x1b5: {  	v3 =	vsub.f32 v3, v17;
	_ =	sdelay $0x1  }
0x1b6: {  	vm14 =	vgt.f32 v3, $0.0e+00  }
0x1b7: {  	v18 =	vsel vm14, $0x3F800000, v0  }
0x1b8: {  	v19 =	vld.idx.msk [tilespmem:v15+s9+$0x0], $0xffff;
	v20 =	vtrunc.f32 v18  }
0x1b9: {  	v7 =	vcvt.f32.s32 v20  }
0x1ba: {  	v4 =	vadd.s32 v4, v2  }
0x1bb: {  	v7 =	vadd.s32 v7, v4  }
0x1bc: {  	v21 =	vor.u32 $0x1A, v2;
	v5 =	vsub.f32 v18, v3  }
0x1bd: {  	v3 =	vmul.f32 v3, v19  }
0x1be: {  	v5 =	vmul.f32 v5, v19  }
0x1bf: {  	[tilespmem:v4+s10+$0x0] =	vst.idx.add.f32.msk $0xffff, v3  }
0x1c0: {  	[tilespmem:v7+s10+$0x0] =	vst.idx.add.f32.msk $0xffff, v5  }
0x1c1: {  	v3 =	vld.idx.msk [tilespmem:v21+s1+$0x0], $0xffff;
	_ =	sdelay $0x4  }
0x1c2: {  	v22 =	vtrunc.f32 v3  }
0x1c3: {  	v4 =	vcvt.f32.s32 v22;
	_ =	sdelay $0x1  }
0x1c4: {  	v23 =	vcvt.s32.f32 v4;
	_ =	sdelay $0x1  }
0x1c5: {  	v3 =	vsub.f32 v3, v23;
	_ =	sdelay $0x1  }
0x1c6: {  	vm15 =	vgt.f32 v3, $0.0e+00  }
0x1c7: {  	v24 =	vsel vm15, $0x3F800000, v0  }
0x1c8: {  	v25 =	vld.idx.msk [tilespmem:v21+s9+$0x0], $0xffff;
	v26 =	vtrunc.f32 v24  }
0x1c9: {  	v7 =	vcvt.f32.s32 v26  }
0x1ca: {  	v4 =	vadd.s32 v4, v2  }
0x1cb: {  	v7 =	vadd.s32 v7, v4  }
0x1cc: {  	v27 =	vor.u32 $0x1B, v2;
	v5 =	vsub.f32 v24, v3  }
0x1cd: {  	v3 =	vmul.f32 v3, v25  }
0x1ce: {  	v5 =	vmul.f32 v5, v25  }
0x1cf: {  	[tilespmem:v4+s10+$0x0] =	vst.idx.add.f32.msk $0xffff, v3  }
0x1d0: {  	[tilespmem:v7+s10+$0x0] =	vst.idx.add.f32.msk $0xffff, v5  }
0x1d1: {  	v3 =	vld.idx.msk [tilespmem:v27+s1+$0x0], $0xffff;
	_ =	sdelay $0x4  }
0x1d2: {  	v28 =	vtrunc.f32 v3  }
0x1d3: {  	v4 =	vcvt.f32.s32 v28;
	_ =	sdelay $0x1  }
0x1d4: {  	v29 =	vcvt.s32.f32 v4;
	_ =	sdelay $0x1  }
0x1d5: {  	v3 =	vsub.f32 v3, v29;
	_ =	sdelay $0x1  }
0x1d6: {  	vm4 =	vgt.f32 v3, $0.0e+00  }
0x1d7: {  	v30 =	vsel vm4, $0x3F800000, v0  }
0x1d8: {  	v31 =	vld.idx.msk [tilespmem:v27+s9+$0x0], $0xffff;
	v32 =	vtrunc.f32 v30  }
0x1d9: {  	v7 =	vcvt.f32.s32 v32  }
0x1da: {  	v4 =	vadd.s32 v4, v2  }
0x1db: {  	v7 =	vadd.s32 v7, v4  }
0x1dc: {  	v33 =	vor.u32 $0x1C, v2;
	v5 =	vsub.f32 v30, v3  }
0x1dd: {  	v3 =	vmul.f32 v3, v31  }
0x1de: {  	v5 =	vmul.f32 v5, v31  }
0x1df: {  	[tilespmem:v4+s10+$0x0] =	vst.idx.add.f32.msk $0xffff, v3  }
0x1e0: {  	[tilespmem:v7+s10+$0x0] =	vst.idx.add.f32.msk $0xffff, v5  }
0x1e1: {  	v3 =	vld.idx.msk [tilespmem:v33+s1+$0x0], $0xffff;
	_ =	sdelay $0x4  }
0x1e2: {  	v34 =	vtrunc.f32 v3  }
0x1e3: {  	v4 =	vcvt.f32.s32 v34;
	_ =	sdelay $0x1  }
0x1e4: {  	v35 =	vcvt.s32.f32 v4;
	_ =	sdelay $0x1  }
0x1e5: {  	v3 =	vsub.f32 v3, v35;
	_ =	sdelay $0x1  }
0x1e6: {  	vm5 =	vgt.f32 v3, $0.0e+00  }
0x1e7: {  	v36 =	vsel vm5, $0x3F800000, v0  }
0x1e8: {  	v37 =	vld.idx.msk [tilespmem:v33+s9+$0x0], $0xffff;
	v38 =	vtrunc.f32 v36  }
0x1e9: {  	v7 =	vcvt.f32.s32 v38  }
0x1ea: {  	v4 =	vadd.s32 v4, v2  }
0x1eb: {  	v7 =	vadd.s32 v7, v4  }
0x1ec: {  	v39 =	vor.u32 $0x1D, v2;
	v5 =	vsub.f32 v36, v3  }
0x1ed: {  	v3 =	vmul.f32 v3, v37  }
0x1ee: {  	v5 =	vmul.f32 v5, v37  }
0x1ef: {  	[tilespmem:v4+s10+$0x0] =	vst.idx.add.f32.msk $0xffff, v3  }
0x1f0: {  	[tilespmem:v7+s10+$0x0] =	vst.idx.add.f32.msk $0xffff, v5  }
0x1f1: {  	v3 =	vld.idx.msk [tilespmem:v39+s1+$0x0], $0xffff;
	_ =	sdelay $0x4  }
0x1f2: {  	v40 =	vtrunc.f32 v3  }
0x1f3: {  	v4 =	vcvt.f32.s32 v40;
	_ =	sdelay $0x1  }
0x1f4: {  	v41 =	vcvt.s32.f32 v4;
	_ =	sdelay $0x1  }
0x1f5: {  	v3 =	vsub.f32 v3, v41;
	_ =	sdelay $0x1  }
0x1f6: {  	vm6 =	vgt.f32 v3, $0.0e+00  }
0x1f7: {  	v42 =	vsel vm6, $0x3F800000, v0  }
0x1f8: {  	v43 =	vld.idx.msk [tilespmem:v39+s9+$0x0], $0xffff;
	v44 =	vtrunc.f32 v42  }
0x1f9: {  	v7 =	vcvt.f32.s32 v44  }
0x1fa: {  	v4 =	vadd.s32 v4, v2  }
0x1fb: {  	v7 =	vadd.s32 v7, v4  }
0x1fc: {  	v45 =	vor.u32 $0x1E, v2;
	v5 =	vsub.f32 v42, v3  }
0x1fd: {  	v3 =	vmul.f32 v3, v43  }
0x1fe: {  	v5 =	vmul.f32 v5, v43  }
0x1ff: {  	[tilespmem:v4+s10+$0x0] =	vst.idx.add.f32.msk $0xffff, v3  }
0x200: {  	[tilespmem:v7+s10+$0x0] =	vst.idx.add.f32.msk $0xffff, v5  }
0x201: {  	v3 =	vld.idx.msk [tilespmem:v45+s1+$0x0], $0xffff;
	_ =	sdelay $0x4  }
0x202: {  	v46 =	vtrunc.f32 v3  }
0x203: {  	v4 =	vcvt.f32.s32 v46;
	_ =	sdelay $0x1  }
0x204: {  	v47 =	vcvt.s32.f32 v4;
	_ =	sdelay $0x1  }
0x205: {  	v3 =	vsub.f32 v3, v47;
	_ =	sdelay $0x1  }
0x206: {  	vm7 =	vgt.f32 v3, $0.0e+00  }
0x207: {  	v48 =	vsel vm7, $0x3F800000, v0  }
0x208: {  	v49 =	vld.idx.msk [tilespmem:v45+s9+$0x0], $0xffff;
	v50 =	vtrunc.f32 v48  }
0x209: {  	v7 =	vcvt.f32.s32 v50  }
0x20a: {  	v4 =	vadd.s32 v4, v2  }
0x20b: {  	v7 =	vadd.s32 v7, v4  }
0x20c: {  	v51 =	vor.u32 $0x1F, v2;
	v5 =	vsub.f32 v48, v3  }
0x20d: {  	v3 =	vmul.f32 v3, v49  }
0x20e: {  	v5 =	vmul.f32 v5, v49  }
0x20f: {  	[tilespmem:v4+s10+$0x0] =	vst.idx.add.f32.msk $0xffff, v3  }
0x210: {  	[tilespmem:v7+s10+$0x0] =	vst.idx.add.f32.msk $0xffff, v5  }
0x211: {  	v3 =	vld.idx.msk [tilespmem:v51+s1+$0x0], $0xffff;
	_ =	sdelay $0x4  }
0x212: {  	v52 =	vtrunc.f32 v3  }
0x213: {  	v4 =	vcvt.f32.s32 v52;
	_ =	sdelay $0x1  }
0x214: {  	v53 =	vcvt.s32.f32 v4;
	_ =	sdelay $0x1  }
0x215: {  	v3 =	vsub.f32 v3, v53;
	_ =	sdelay $0x1  }
0x216: {  	vm8 =	vgt.f32 v3, $0.0e+00  }
0x217: {  	v54 =	vsel vm8, $0x3F800000, v0  }
0x218: {  	v55 =	vld.idx.msk [tilespmem:v51+s9+$0x0], $0xffff;
	v56 =	vtrunc.f32 v54  }
0x219: {  	v7 =	vcvt.f32.s32 v56  }
0x21a: {  	v4 =	vadd.s32 v4, v2  }
0x21b: {  	v7 =	vadd.s32 v7, v4  }
0x21c: {  	v57 =	vor.u32 $0x20, v2;
	v5 =	vsub.f32 v54, v3  }
0x21d: {  	v3 =	vmul.f32 v3, v55  }
0x21e: {  	v5 =	vmul.f32 v5, v55  }
0x21f: {  	[tilespmem:v4+s10+$0x0] =	vst.idx.add.f32.msk $0xffff, v3  }
0x220: {  	[tilespmem:v7+s10+$0x0] =	vst.idx.add.f32.msk $0xffff, v5  }
0x221: {  	v3 =	vld.idx.msk [tilespmem:v57+s1+$0x0], $0xffff;
	_ =	sdelay $0x4  }
0x222: {  	v58 =	vtrunc.f32 v3  }
0x223: {  	v4 =	vcvt.f32.s32 v58;
	_ =	sdelay $0x1  }
0x224: {  	v59 =	vcvt.s32.f32 v4;
	_ =	sdelay $0x1  }
0x225: {  	v3 =	vsub.f32 v3, v59;
	_ =	sdelay $0x1  }
0x226: {  	vm9 =	vgt.f32 v3, $0.0e+00  }
0x227: {  	v60 =	vsel vm9, $0x3F800000, v0  }
0x228: {  	v61 =	vld.idx.msk [tilespmem:v57+s9+$0x0], $0xffff;
	v62 =	vtrunc.f32 v60  }
0x229: {  	v7 =	vcvt.f32.s32 v62  }
0x22a: {  	v4 =	vadd.s32 v4, v2  }
0x22b: {  	v7 =	vadd.s32 v7, v4  }
0x22c: {  	v63 =	vor.u32 $0x21, v2;
	v5 =	vsub.f32 v60, v3  }
0x22d: {  	v3 =	vmul.f32 v3, v61  }
0x22e: {  	v5 =	vmul.f32 v5, v61  }
0x22f: {  	[tilespmem:v4+s10+$0x0] =	vst.idx.add.f32.msk $0xffff, v3  }
0x230: {  	[tilespmem:v7+s10+$0x0] =	vst.idx.add.f32.msk $0xffff, v5  }
0x231: {  	v3 =	vld.idx.msk [tilespmem:v63+s1+$0x0], $0xffff;
	_ =	sdelay $0x4  }
0x232: {  	v10 =	vtrunc.f32 v3  }
0x233: {  	v4 =	vcvt.f32.s32 v10;
	_ =	sdelay $0x1  }
0x234: {  	v11 =	vcvt.s32.f32 v4;
	_ =	sdelay $0x1  }
0x235: {  	v3 =	vsub.f32 v3, v11;
	_ =	sdelay $0x1  }
0x236: {  	vm10 =	vgt.f32 v3, $0.0e+00  }
0x237: {  	v12 =	vsel vm10, $0x3F800000, v0  }
0x238: {  	v13 =	vld.idx.msk [tilespmem:v63+s9+$0x0], $0xffff;
	v14 =	vtrunc.f32 v12  }
0x239: {  	v7 =	vcvt.f32.s32 v14  }
0x23a: {  	v4 =	vadd.s32 v4, v2  }
0x23b: {  	v7 =	vadd.s32 v7, v4  }
0x23c: {  	v15 =	vor.u32 $0x22, v2;
	v5 =	vsub.f32 v12, v3  }
0x23d: {  	v3 =	vmul.f32 v3, v13  }
0x23e: {  	v5 =	vmul.f32 v5, v13  }
0x23f: {  	[tilespmem:v4+s10+$0x0] =	vst.idx.add.f32.msk $0xffff, v3  }
0x240: {  	[tilespmem:v7+s10+$0x0] =	vst.idx.add.f32.msk $0xffff, v5  }
0x241: {  	v3 =	vld.idx.msk [tilespmem:v15+s1+$0x0], $0xffff;
	_ =	sdelay $0x4  }
0x242: {  	v16 =	vtrunc.f32 v3  }
0x243: {  	v4 =	vcvt.f32.s32 v16;
	_ =	sdelay $0x1  }
0x244: {  	v17 =	vcvt.s32.f32 v4;
	_ =	sdelay $0x1  }
0x245: {  	v3 =	vsub.f32 v3, v17;
	_ =	sdelay $0x1  }
0x246: {  	vm11 =	vgt.f32 v3, $0.0e+00  }
0x247: {  	v18 =	vsel vm11, $0x3F800000, v0  }
0x248: {  	v19 =	vld.idx.msk [tilespmem:v15+s9+$0x0], $0xffff;
	v20 =	vtrunc.f32 v18  }
0x249: {  	v7 =	vcvt.f32.s32 v20  }
0x24a: {  	v4 =	vadd.s32 v4, v2  }
0x24b: {  	v7 =	vadd.s32 v7, v4  }
0x24c: {  	v21 =	vor.u32 $0x23, v2;
	v5 =	vsub.f32 v18, v3  }
0x24d: {  	v3 =	vmul.f32 v3, v19  }
0x24e: {  	v5 =	vmul.f32 v5, v19  }
0x24f: {  	[tilespmem:v4+s10+$0x0] =	vst.idx.add.f32.msk $0xffff, v3  }
0x250: {  	[tilespmem:v7+s10+$0x0] =	vst.idx.add.f32.msk $0xffff, v5  }
0x251: {  	v3 =	vld.idx.msk [tilespmem:v21+s1+$0x0], $0xffff;
	_ =	sdelay $0x4  }
0x252: {  	v22 =	vtrunc.f32 v3  }
0x253: {  	v4 =	vcvt.f32.s32 v22;
	_ =	sdelay $0x1  }
0x254: {  	v23 =	vcvt.s32.f32 v4;
	_ =	sdelay $0x1  }
0x255: {  	v3 =	vsub.f32 v3, v23;
	_ =	sdelay $0x1  }
0x256: {  	vm12 =	vgt.f32 v3, $0.0e+00  }
0x257: {  	v24 =	vsel vm12, $0x3F800000, v0  }
0x258: {  	v25 =	vld.idx.msk [tilespmem:v21+s9+$0x0], $0xffff;
	v26 =	vtrunc.f32 v24  }
0x259: {  	v7 =	vcvt.f32.s32 v26  }
0x25a: {  	v4 =	vadd.s32 v4, v2  }
0x25b: {  	v7 =	vadd.s32 v7, v4  }
0x25c: {  	v27 =	vor.u32 $0x24, v2;
	v5 =	vsub.f32 v24, v3  }
0x25d: {  	v3 =	vmul.f32 v3, v25  }
0x25e: {  	v5 =	vmul.f32 v5, v25  }
0x25f: {  	[tilespmem:v4+s10+$0x0] =	vst.idx.add.f32.msk $0xffff, v3  }
0x260: {  	[tilespmem:v7+s10+$0x0] =	vst.idx.add.f32.msk $0xffff, v5  }
0x261: {  	v3 =	vld.idx.msk [tilespmem:v27+s1+$0x0], $0xffff;
	_ =	sdelay $0x4  }
0x262: {  	v28 =	vtrunc.f32 v3  }
0x263: {  	v4 =	vcvt.f32.s32 v28;
	_ =	sdelay $0x1  }
0x264: {  	v29 =	vcvt.s32.f32 v4;
	_ =	sdelay $0x1  }
0x265: {  	v3 =	vsub.f32 v3, v29;
	_ =	sdelay $0x1  }
0x266: {  	vm13 =	vgt.f32 v3, $0.0e+00  }
0x267: {  	v30 =	vsel vm13, $0x3F800000, v0  }
0x268: {  	v31 =	vld.idx.msk [tilespmem:v27+s9+$0x0], $0xffff;
	v32 =	vtrunc.f32 v30  }
0x269: {  	v7 =	vcvt.f32.s32 v32  }
0x26a: {  	v4 =	vadd.s32 v4, v2  }
0x26b: {  	v7 =	vadd.s32 v7, v4  }
0x26c: {  	v33 =	vor.u32 $0x25, v2;
	v5 =	vsub.f32 v30, v3  }
0x26d: {  	v3 =	vmul.f32 v3, v31  }
0x26e: {  	v5 =	vmul.f32 v5, v31  }
0x26f: {  	[tilespmem:v4+s10+$0x0] =	vst.idx.add.f32.msk $0xffff, v3  }
0x270: {  	[tilespmem:v7+s10+$0x0] =	vst.idx.add.f32.msk $0xffff, v5  }
0x271: {  	v3 =	vld.idx.msk [tilespmem:v33+s1+$0x0], $0xffff;
	_ =	sdelay $0x4  }
0x272: {  	v34 =	vtrunc.f32 v3  }
0x273: {  	v4 =	vcvt.f32.s32 v34;
	_ =	sdelay $0x1  }
0x274: {  	v35 =	vcvt.s32.f32 v4;
	_ =	sdelay $0x1  }
0x275: {  	v3 =	vsub.f32 v3, v35;
	_ =	sdelay $0x1  }
0x276: {  	vm14 =	vgt.f32 v3, $0.0e+00  }
0x277: {  	v36 =	vsel vm14, $0x3F800000, v0  }
0x278: {  	v37 =	vld.idx.msk [tilespmem:v33+s9+$0x0], $0xffff;
	v38 =	vtrunc.f32 v36  }
0x279: {  	v7 =	vcvt.f32.s32 v38  }
0x27a: {  	v4 =	vadd.s32 v4, v2  }
0x27b: {  	v7 =	vadd.s32 v7, v4  }
0x27c: {  	v39 =	vor.u32 $0x26, v2;
	v5 =	vsub.f32 v36, v3  }
0x27d: {  	v3 =	vmul.f32 v3, v37  }
0x27e: {  	v5 =	vmul.f32 v5, v37  }
0x27f: {  	[tilespmem:v4+s10+$0x0] =	vst.idx.add.f32.msk $0xffff, v3  }
0x280: {  	[tilespmem:v7+s10+$0x0] =	vst.idx.add.f32.msk $0xffff, v5  }
0x281: {  	v3 =	vld.idx.msk [tilespmem:v39+s1+$0x0], $0xffff;
	_ =	sdelay $0x4  }
0x282: {  	v40 =	vtrunc.f32 v3  }
0x283: {  	v4 =	vcvt.f32.s32 v40;
	_ =	sdelay $0x1  }
0x284: {  	v41 =	vcvt.s32.f32 v4;
	_ =	sdelay $0x1  }
0x285: {  	v3 =	vsub.f32 v3, v41;
	_ =	sdelay $0x1  }
0x286: {  	vm15 =	vgt.f32 v3, $0.0e+00  }
0x287: {  	v42 =	vsel vm15, $0x3F800000, v0  }
0x288: {  	v43 =	vld.idx.msk [tilespmem:v39+s9+$0x0], $0xffff;
	v44 =	vtrunc.f32 v42  }
0x289: {  	v7 =	vcvt.f32.s32 v44  }
0x28a: {  	v4 =	vadd.s32 v4, v2  }
0x28b: {  	v7 =	vadd.s32 v7, v4  }
0x28c: {  	v45 =	vor.u32 $0x27, v2;
	v5 =	vsub.f32 v42, v3  }
0x28d: {  	v3 =	vmul.f32 v3, v43  }
0x28e: {  	v5 =	vmul.f32 v5, v43  }
0x28f: {  	[tilespmem:v4+s10+$0x0] =	vst.idx.add.f32.msk $0xffff, v3  }
0x290: {  	[tilespmem:v7+s10+$0x0] =	vst.idx.add.f32.msk $0xffff, v5  }
0x291: {  	v3 =	vld.idx.msk [tilespmem:v45+s1+$0x0], $0xffff;
	_ =	sdelay $0x4  }
0x292: {  	v46 =	vtrunc.f32 v3  }
0x293: {  	v4 =	vcvt.f32.s32 v46;
	_ =	sdelay $0x1  }
0x294: {  	v47 =	vcvt.s32.f32 v4;
	_ =	sdelay $0x1  }
0x295: {  	v3 =	vsub.f32 v3, v47;
	_ =	sdelay $0x1  }
0x296: {  	vm4 =	vgt.f32 v3, $0.0e+00  }
0x297: {  	v48 =	vsel vm4, $0x3F800000, v0  }
0x298: {  	v49 =	vld.idx.msk [tilespmem:v45+s9+$0x0], $0xffff;
	v50 =	vtrunc.f32 v48  }
0x299: {  	v7 =	vcvt.f32.s32 v50  }
0x29a: {  	v4 =	vadd.s32 v4, v2  }
0x29b: {  	v7 =	vadd.s32 v7, v4  }
0x29c: {  	v51 =	vor.u32 $0x28, v2;
	v5 =	vsub.f32 v48, v3  }
0x29d: {  	v3 =	vmul.f32 v3, v49  }
0x29e: {  	v5 =	vmul.f32 v5, v49  }
0x29f: {  	[tilespmem:v4+s10+$0x0] =	vst.idx.add.f32.msk $0xffff, v3  }
0x2a0: {  	[tilespmem:v7+s10+$0x0] =	vst.idx.add.f32.msk $0xffff, v5  }
0x2a1: {  	v3 =	vld.idx.msk [tilespmem:v51+s1+$0x0], $0xffff;
	_ =	sdelay $0x4  }
0x2a2: {  	v52 =	vtrunc.f32 v3  }
0x2a3: {  	v4 =	vcvt.f32.s32 v52;
	_ =	sdelay $0x1  }
0x2a4: {  	v53 =	vcvt.s32.f32 v4;
	_ =	sdelay $0x1  }
0x2a5: {  	v3 =	vsub.f32 v3, v53;
	_ =	sdelay $0x1  }
0x2a6: {  	vm5 =	vgt.f32 v3, $0.0e+00  }
0x2a7: {  	v54 =	vsel vm5, $0x3F800000, v0  }
0x2a8: {  	v55 =	vld.idx.msk [tilespmem:v51+s9+$0x0], $0xffff;
	v56 =	vtrunc.f32 v54  }
0x2a9: {  	v7 =	vcvt.f32.s32 v56  }
0x2aa: {  	v4 =	vadd.s32 v4, v2  }
0x2ab: {  	v7 =	vadd.s32 v7, v4  }
0x2ac: {  	v57 =	vor.u32 $0x29, v2;
	v5 =	vsub.f32 v54, v3  }
0x2ad: {  	v3 =	vmul.f32 v3, v55  }
0x2ae: {  	v5 =	vmul.f32 v5, v55  }
0x2af: {  	[tilespmem:v4+s10+$0x0] =	vst.idx.add.f32.msk $0xffff, v3  }
0x2b0: {  	[tilespmem:v7+s10+$0x0] =	vst.idx.add.f32.msk $0xffff, v5  }
0x2b1: {  	v3 =	vld.idx.msk [tilespmem:v57+s1+$0x0], $0xffff;
	_ =	sdelay $0x4  }
0x2b2: {  	v58 =	vtrunc.f32 v3  }
0x2b3: {  	v4 =	vcvt.f32.s32 v58;
	_ =	sdelay $0x1  }
0x2b4: {  	v59 =	vcvt.s32.f32 v4;
	_ =	sdelay $0x1  }
0x2b5: {  	v3 =	vsub.f32 v3, v59;
	_ =	sdelay $0x1  }
0x2b6: {  	vm6 =	vgt.f32 v3, $0.0e+00  }
0x2b7: {  	v60 =	vsel vm6, $0x3F800000, v0  }
0x2b8: {  	v61 =	vld.idx.msk [tilespmem:v57+s9+$0x0], $0xffff;
	v62 =	vtrunc.f32 v60  }
0x2b9: {  	v7 =	vcvt.f32.s32 v62  }
0x2ba: {  	v4 =	vadd.s32 v4, v2  }
0x2bb: {  	v7 =	vadd.s32 v7, v4  }
0x2bc: {  	v63 =	vor.u32 $0x2A, v2;
	v5 =	vsub.f32 v60, v3  }
0x2bd: {  	v3 =	vmul.f32 v3, v61  }
0x2be: {  	v5 =	vmul.f32 v5, v61  }
0x2bf: {  	[tilespmem:v4+s10+$0x0] =	vst.idx.add.f32.msk $0xffff, v3  }
0x2c0: {  	[tilespmem:v7+s10+$0x0] =	vst.idx.add.f32.msk $0xffff, v5  }
0x2c1: {  	v3 =	vld.idx.msk [tilespmem:v63+s1+$0x0], $0xffff;
	_ =	sdelay $0x4  }
0x2c2: {  	v11 =	vtrunc.f32 v3  }
0x2c3: {  	v4 =	vcvt.f32.s32 v11;
	_ =	sdelay $0x1  }
0x2c4: {  	v12 =	vcvt.s32.f32 v4;
	_ =	sdelay $0x1  }
0x2c5: {  	v3 =	vsub.f32 v3, v12;
	_ =	sdelay $0x1  }
0x2c6: {  	vm7 =	vgt.f32 v3, $0.0e+00  }
0x2c7: {  	v13 =	vsel vm7, $0x3F800000, v0  }
0x2c8: {  	v14 =	vld.idx.msk [tilespmem:v63+s9+$0x0], $0xffff;
	v15 =	vtrunc.f32 v13  }
0x2c9: {  	v7 =	vcvt.f32.s32 v15  }
0x2ca: {  	v4 =	vadd.s32 v4, v2  }
0x2cb: {  	v7 =	vadd.s32 v7, v4  }
0x2cc: {  	v16 =	vor.u32 $0x2B, v2;
	v5 =	vsub.f32 v13, v3  }
0x2cd: {  	v3 =	vmul.f32 v3, v14  }
0x2ce: {  	v5 =	vmul.f32 v5, v14  }
0x2cf: {  	[tilespmem:v4+s10+$0x0] =	vst.idx.add.f32.msk $0xffff, v3  }
0x2d0: {  	[tilespmem:v7+s10+$0x0] =	vst.idx.add.f32.msk $0xffff, v5  }
0x2d1: {  	v3 =	vld.idx.msk [tilespmem:v16+s1+$0x0], $0xffff;
	_ =	sdelay $0x4  }
0x2d2: {  	v17 =	vtrunc.f32 v3  }
0x2d3: {  	v4 =	vcvt.f32.s32 v17;
	_ =	sdelay $0x1  }
0x2d4: {  	v18 =	vcvt.s32.f32 v4;
	_ =	sdelay $0x1  }
0x2d5: {  	v3 =	vsub.f32 v3, v18;
	_ =	sdelay $0x1  }
0x2d6: {  	vm8 =	vgt.f32 v3, $0.0e+00  }
0x2d7: {  	v19 =	vsel vm8, $0x3F800000, v0  }
0x2d8: {  	v20 =	vld.idx.msk [tilespmem:v16+s9+$0x0], $0xffff;
	v21 =	vtrunc.f32 v19  }
0x2d9: {  	v7 =	vcvt.f32.s32 v21  }
0x2da: {  	v4 =	vadd.s32 v4, v2  }
0x2db: {  	v7 =	vadd.s32 v7, v4  }
0x2dc: {  	v22 =	vor.u32 $0x2C, v2;
	v5 =	vsub.f32 v19, v3  }
0x2dd: {  	v3 =	vmul.f32 v3, v20  }
0x2de: {  	v5 =	vmul.f32 v5, v20  }
0x2df: {  	[tilespmem:v4+s10+$0x0] =	vst.idx.add.f32.msk $0xffff, v3  }
0x2e0: {  	[tilespmem:v7+s10+$0x0] =	vst.idx.add.f32.msk $0xffff, v5  }
0x2e1: {  	v3 =	vld.idx.msk [tilespmem:v22+s1+$0x0], $0xffff;
	_ =	sdelay $0x4  }
0x2e2: {  	v23 =	vtrunc.f32 v3  }
0x2e3: {  	v4 =	vcvt.f32.s32 v23;
	_ =	sdelay $0x1  }
0x2e4: {  	v24 =	vcvt.s32.f32 v4;
	_ =	sdelay $0x1  }
0x2e5: {  	v3 =	vsub.f32 v3, v24;
	_ =	sdelay $0x1  }
0x2e6: {  	vm9 =	vgt.f32 v3, $0.0e+00  }
0x2e7: {  	v25 =	vsel vm9, $0x3F800000, v0  }
0x2e8: {  	v26 =	vld.idx.msk [tilespmem:v22+s9+$0x0], $0xffff;
	v27 =	vtrunc.f32 v25  }
0x2e9: {  	v7 =	vcvt.f32.s32 v27  }
0x2ea: {  	v4 =	vadd.s32 v4, v2  }
0x2eb: {  	v7 =	vadd.s32 v7, v4  }
0x2ec: {  	v28 =	vor.u32 $0x2D, v2;
	v5 =	vsub.f32 v25, v3  }
0x2ed: {  	v3 =	vmul.f32 v3, v26  }
0x2ee: {  	v5 =	vmul.f32 v5, v26  }
0x2ef: {  	[tilespmem:v4+s10+$0x0] =	vst.idx.add.f32.msk $0xffff, v3  }
0x2f0: {  	[tilespmem:v7+s10+$0x0] =	vst.idx.add.f32.msk $0xffff, v5  }
0x2f1: {  	v3 =	vld.idx.msk [tilespmem:v28+s1+$0x0], $0xffff;
	_ =	sdelay $0x4  }
0x2f2: {  	v29 =	vtrunc.f32 v3  }
0x2f3: {  	v4 =	vcvt.f32.s32 v29;
	_ =	sdelay $0x1  }
0x2f4: {  	v30 =	vcvt.s32.f32 v4;
	_ =	sdelay $0x1  }
0x2f5: {  	v3 =	vsub.f32 v3, v30;
	_ =	sdelay $0x1  }
0x2f6: {  	vm10 =	vgt.f32 v3, $0.0e+00  }
0x2f7: {  	v31 =	vsel vm10, $0x3F800000, v0  }
0x2f8: {  	v32 =	vld.idx.msk [tilespmem:v28+s9+$0x0], $0xffff;
	v33 =	vtrunc.f32 v31  }
0x2f9: {  	v7 =	vcvt.f32.s32 v33  }
0x2fa: {  	v4 =	vadd.s32 v4, v2  }
0x2fb: {  	v7 =	vadd.s32 v7, v4  }
0x2fc: {  	v34 =	vor.u32 $0x2E, v2;
	v5 =	vsub.f32 v31, v3  }
0x2fd: {  	v3 =	vmul.f32 v3, v32  }
0x2fe: {  	v5 =	vmul.f32 v5, v32  }
0x2ff: {  	[tilespmem:v4+s10+$0x0] =	vst.idx.add.f32.msk $0xffff, v3  }
0x300: {  	[tilespmem:v7+s10+$0x0] =	vst.idx.add.f32.msk $0xffff, v5  }
0x301: {  	v3 =	vld.idx.msk [tilespmem:v34+s1+$0x0], $0xffff;
	_ =	sdelay $0x4  }
0x302: {  	v35 =	vtrunc.f32 v3  }
0x303: {  	v4 =	vcvt.f32.s32 v35;
	_ =	sdelay $0x1  }
0x304: {  	v36 =	vcvt.s32.f32 v4;
	_ =	sdelay $0x1  }
0x305: {  	v3 =	vsub.f32 v3, v36;
	_ =	sdelay $0x1  }
0x306: {  	vm11 =	vgt.f32 v3, $0.0e+00  }
0x307: {  	v37 =	vsel vm11, $0x3F800000, v0  }
0x308: {  	v38 =	vld.idx.msk [tilespmem:v34+s9+$0x0], $0xffff;
	v39 =	vtrunc.f32 v37  }
0x309: {  	v7 =	vcvt.f32.s32 v39  }
0x30a: {  	v4 =	vadd.s32 v4, v2  }
0x30b: {  	v7 =	vadd.s32 v7, v4  }
0x30c: {  	v40 =	vor.u32 $0x2F, v2;
	v5 =	vsub.f32 v37, v3  }
0x30d: {  	v3 =	vmul.f32 v3, v38  }
0x30e: {  	v5 =	vmul.f32 v5, v38  }
0x30f: {  	[tilespmem:v4+s10+$0x0] =	vst.idx.add.f32.msk $0xffff, v3  }
0x310: {  	[tilespmem:v7+s10+$0x0] =	vst.idx.add.f32.msk $0xffff, v5  }
0x311: {  	v3 =	vld.idx.msk [tilespmem:v40+s1+$0x0], $0xffff;
	_ =	sdelay $0x4  }
0x312: {  	v41 =	vtrunc.f32 v3  }
0x313: {  	v4 =	vcvt.f32.s32 v41;
	_ =	sdelay $0x1  }
0x314: {  	v42 =	vcvt.s32.f32 v4;
	_ =	sdelay $0x1  }
0x315: {  	v3 =	vsub.f32 v3, v42;
	_ =	sdelay $0x1  }
0x316: {  	vm12 =	vgt.f32 v3, $0.0e+00  }
0x317: {  	v43 =	vsel vm12, $0x3F800000, v0  }
0x318: {  	v44 =	vld.idx.msk [tilespmem:v40+s9+$0x0], $0xffff;
	v45 =	vtrunc.f32 v43  }
0x319: {  	v7 =	vcvt.f32.s32 v45  }
0x31a: {  	v4 =	vadd.s32 v4, v2  }
0x31b: {  	v7 =	vadd.s32 v7, v4  }
0x31c: {  	v46 =	vor.u32 $0x30, v2;
	v5 =	vsub.f32 v43, v3  }
0x31d: {  	v3 =	vmul.f32 v3, v44  }
0x31e: {  	v5 =	vmul.f32 v5, v44  }
0x31f: {  	[tilespmem:v4+s10+$0x0] =	vst.idx.add.f32.msk $0xffff, v3  }
0x320: {  	[tilespmem:v7+s10+$0x0] =	vst.idx.add.f32.msk $0xffff, v5  }
0x321: {  	v3 =	vld.idx.msk [tilespmem:v46+s1+$0x0], $0xffff;
	_ =	sdelay $0x4  }
0x322: {  	v47 =	vtrunc.f32 v3  }
0x323: {  	v4 =	vcvt.f32.s32 v47;
	_ =	sdelay $0x1  }
0x324: {  	v48 =	vcvt.s32.f32 v4;
	_ =	sdelay $0x1  }
0x325: {  	v3 =	vsub.f32 v3, v48;
	_ =	sdelay $0x1  }
0x326: {  	vm13 =	vgt.f32 v3, $0.0e+00  }
0x327: {  	v49 =	vsel vm13, $0x3F800000, v0  }
0x328: {  	v50 =	vld.idx.msk [tilespmem:v46+s9+$0x0], $0xffff;
	v51 =	vtrunc.f32 v49  }
0x329: {  	v7 =	vcvt.f32.s32 v51  }
0x32a: {  	v4 =	vadd.s32 v4, v2  }
0x32b: {  	v7 =	vadd.s32 v7, v4  }
0x32c: {  	v52 =	vor.u32 $0x31, v2;
	v5 =	vsub.f32 v49, v3  }
0x32d: {  	v3 =	vmul.f32 v3, v50  }
0x32e: {  	v5 =	vmul.f32 v5, v50  }
0x32f: {  	[tilespmem:v4+s10+$0x0] =	vst.idx.add.f32.msk $0xffff, v3  }
0x330: {  	[tilespmem:v7+s10+$0x0] =	vst.idx.add.f32.msk $0xffff, v5  }
0x331: {  	v3 =	vld.idx.msk [tilespmem:v52+s1+$0x0], $0xffff;
	_ =	sdelay $0x4  }
0x332: {  	v53 =	vtrunc.f32 v3  }
0x333: {  	v4 =	vcvt.f32.s32 v53;
	_ =	sdelay $0x1  }
0x334: {  	v54 =	vcvt.s32.f32 v4;
	_ =	sdelay $0x1  }
0x335: {  	v3 =	vsub.f32 v3, v54;
	_ =	sdelay $0x1  }
0x336: {  	vm14 =	vgt.f32 v3, $0.0e+00  }
0x337: {  	v55 =	vsel vm14, $0x3F800000, v0  }
0x338: {  	v56 =	vld.idx.msk [tilespmem:v52+s9+$0x0], $0xffff;
	v57 =	vtrunc.f32 v55  }
0x339: {  	v7 =	vcvt.f32.s32 v57  }
0x33a: {  	v4 =	vadd.s32 v4, v2  }
0x33b: {  	v7 =	vadd.s32 v7, v4  }
0x33c: {  	v58 =	vor.u32 $0x32, v2;
	v5 =	vsub.f32 v55, v3  }
0x33d: {  	v3 =	vmul.f32 v3, v56  }
0x33e: {  	v5 =	vmul.f32 v5, v56  }
0x33f: {  	[tilespmem:v4+s10+$0x0] =	vst.idx.add.f32.msk $0xffff, v3  }
0x340: {  	[tilespmem:v7+s10+$0x0] =	vst.idx.add.f32.msk $0xffff, v5  }
0x341: {  	v3 =	vld.idx.msk [tilespmem:v58+s1+$0x0], $0xffff;
	_ =	sdelay $0x4  }
0x342: {  	v59 =	vtrunc.f32 v3  }
0x343: {  	v4 =	vcvt.f32.s32 v59;
	_ =	sdelay $0x1  }
0x344: {  	v60 =	vcvt.s32.f32 v4;
	_ =	sdelay $0x1  }
0x345: {  	v3 =	vsub.f32 v3, v60;
	_ =	sdelay $0x1  }
0x346: {  	vm15 =	vgt.f32 v3, $0.0e+00  }
0x347: {  	v61 =	vsel vm15, $0x3F800000, v0  }
0x348: {  	v62 =	vld.idx.msk [tilespmem:v58+s9+$0x0], $0xffff;
	v63 =	vtrunc.f32 v61  }
0x349: {  	v7 =	vcvt.f32.s32 v63  }
0x34a: {  	v2 =	vadd.s32 v4, v2  }
0x34b: {  	p0 =	sne.s32 s14, $0x70;
	v4 =	vadd.s32 v7, v2  }
.Ltmp1:
0x34c: {  	v5 =	vsub.f32 v61, v3;
	(pc) =	sbr.rel @p0 .LBB2_5-.Ltmp1, $4  }
0x34d: {  	v3 =	vmul.f32 v3, v62  }
0x34e: {  	v5 =	vmul.f32 v5, v62  }
0x34f: {  	[tilespmem:v2+s10+$0x0] =	vst.idx.add.f32.msk $0xffff, v3  }
0x350: {  	s14 =	sadd.s32 $0x10, s14;
	[tilespmem:v4+s10+$0x0] =	vst.idx.add.f32.msk $0xffff, v5  }
0x351: {  	s12 =	sadd.s32 $0x1, s12  }
0x352: {  	p0 =	sne.s32 s12, $0x4  }
.Ltmp2:
0x353: {  	s13 =	sadd.s32 s5, s13;
	(pc) =	sbr.rel @p0 .LBB2_2-.Ltmp2, $4  }
0x354: {  	[hbm4b:s13+s1] =	stream.linear.scatter [tilespmem:s10], [sflag:$0x1], $0x2000, $0x38;
	[tilespmem:$0x6000] =	vst v63  }
0x355: {  	_ =	swait.ge [sflag:s8], $0x2000  }
0x356: {  	[sflag:s8] =	ssyncset.done $0x0  }
0x357: {  	[sflag:s8] =	ssyncadd.s32 $0xFFFFE000  }
0x358: {  	s11 =	sadd.s32 $0x1, s11  }
0x359: {  	p0 =	sne.s32 s11, s7  }
.Ltmp3:
0x35a: {  	_ = 	snop;
	(pc) =	sbr.rel @p0 .LBB2_1-.Ltmp3, $1  }
0x35b: {  	_ =	sdelay $0x3  }
0x35c: {  	_ =	sfence.sel $0x180000  }
0x35d: {  	[bflag:$0x0] =	sbarrier.arrive $0xFFFF  }
0x35e: {  	p0 =	sne.s32 s2, $0x0;
	_ =	strace $0x90000047  }
0x35f: {  	s0 =	sadd.s32 @!p0 $0x100000, s0;
	[bflag:$0x2] =	sbarrier.arrive $0xFFFF  }
0x360: {  	[sflag:s0] =	ssyncadd.tile.s32 @!p0 $0x1;
	_ =	shalt  }
.Lfunc_end2:
_tile_overlayer_lowered:
.L_overlay_start_2:
0x361: {  	(tag) =	ssettag $0x2  }
0x362: {  	s0 =	rddreg [dreg:$0x0];
	s2 =	stileid.u32  }
0x363: {  	s1 =	rddreg [dreg:$0x1];
	p0 =	sne.s32 s2, $0x0  }
0x364: {  	s3 =	rddreg [dreg:$0x2];
	[bflag:$0x3] =	sbarrier.arrive $0xFFFF;
	s2 =	simm.s32 @!p0 $0x1C01  }
0x365: {  	[timem:s3], [sflag:s2] =	dma.local @!p0 [hbm:s0], s1  }
0x366: {  	s0 =	simm.s32 @!p0 $0x1  }
0x367: {  	_ =	swait.ge @!p0 [sflag:s0], s1  }
0x368: {  	s1 =	ssub.s32 @!p0 $0x0, s1;
	[sflag:s0] =	ssyncset.done @!p0 $0x0  }
0x369: {  	[sflag:s0] =	ssyncadd.s32 @!p0 s1  }
0x36a: {  	[bflag:$0x3] =	sbarrier.arrive $0xFFFF  }
0x36b: {  	_ =	shalt  }

</sc_bundles>
